<compile_context>
chip_gen: v7x
topology: tpu7x:2x2x1
jax: 0.10.2.dev20260603
libtpu: 0.0.44.dev20260713+nightly
codegen_flags: <defaults>
</compile_context>

<pallas_src>
import functools

import jax
import jax.numpy as jnp
from jax import lax
from jax.experimental import pallas as pl
from jax.experimental.pallas import tpu as pltpu
from jax.experimental.pallas import tpu_sc as plsc

_BATCH, _HIST, _HID = 4096, 200, 64
_D = _HID // 2
_B = _BATCH * _HIST
_NC, _NS = 2, 16
_NW = _NC * _NS
_NPW = _B // _NW
_NCL = 30
_CH = 512
_NCH = _NPW // _CH


def _emb_body(ids_hbm, fine_hbm, coarse_hbm, cmap_hbm, out_hbm,
              idx_all, ctab, clu_v, fine_v, out_v, sem_f, sem_c):
    wid = lax.axis_index("s") * _NC + lax.axis_index("c")
    base = wid * _NPW

    pltpu.sync_copy(ids_hbm.at[pl.ds(base, _NPW)], idx_all)
    pltpu.sync_copy(coarse_hbm, ctab)

    def fire(cur, par):
        idx = idx_all.at[pl.ds(cur * _CH, _CH)]
        pltpu.async_copy(cmap_hbm.at[idx], clu_v.at[par], sem_c.at[par])
        pltpu.async_copy(fine_hbm.at[idx], fine_v.at[par], sem_f.at[par])

    def drain_write(cur, par):
        idx = idx_all.at[pl.ds(cur * _CH, _CH)]

        @pl.when(cur + 1 < _NCH)
        def _():
            fire(cur + 1, 1 - par)

        pltpu.make_async_copy(cmap_hbm.at[idx], clu_v.at[par],
                              sem_c.at[par]).wait()

        def icoarse(i, c):
            clu = clu_v[par, pl.ds(16 * i, 16)]
            for u in range(16):
                cid = clu[u]
                for k in range(2):
                    s = pl.ds(16 * k, 16)
                    out_v[par, 16 * i + u, 1, s] = ctab[cid, s]
            return c

        lax.fori_loop(0, _CH // 16, icoarse, 0)

        start = base + cur * _CH
        pltpu.make_async_copy(fine_hbm.at[idx], fine_v.at[par],
                              sem_f.at[par]).wait()

        def ifine(i, c):
            for u in range(4):
                for k in range(2):
                    s = pl.ds(16 * k, 16)
                    out_v[par, 4 * i + u, 0, s] = fine_v[par, 4 * i + u, s]
            return c

        lax.fori_loop(0, _CH // 4, ifine, 0)
        pltpu.sync_copy(out_v.at[par], out_hbm.at[pl.ds(start, _CH)])

    fire(0, 0)

    def step(i, carry):
        for b in (0, 1):
            drain_write(2 * i + b, b)
        return carry

    lax.fori_loop(0, _NCH // 2, step, 0)


@functools.partial(
    pl.kernel,
    out_type=jax.ShapeDtypeStruct((_B, 2, _D), jnp.float32),
    mesh=plsc.VectorSubcoreMesh(core_axis_name="c", subcore_axis_name="s"),
    compiler_params=pltpu.CompilerParams(use_tc_tiling_on_sc=False),
    scratch_types=[
        pltpu.VMEM((_NPW,), jnp.int32),
        pltpu.VMEM((_NCL, _D), jnp.float32),
        pltpu.VMEM((2, _CH), jnp.int32),
        pltpu.VMEM((2, _CH, _D), jnp.float32),
        pltpu.VMEM((2, _CH, 2, _D), jnp.float32),
        pltpu.SemaphoreType.DMA((2,)),
        pltpu.SemaphoreType.DMA((2,)),
    ],
)
def _emb(*refs):
    _emb_body(*refs)


def kernel(location_ids, fine_table, coarse_table, cluster_map):
    ids = location_ids.reshape(_B).astype(jnp.int32)
    out = _emb(ids, fine_table, coarse_table, cluster_map.astype(jnp.int32))
    return out.reshape(_BATCH, _HIST, _HID)

# --- scband reference (transcript-rebuilt; emitter-appended) ---
"""Pipeline reference for scband-hierarchical-location-embedding-74311524155948 (READ-ONLY COPY).

The authoritative reference and input builder live on the scoring server;
editing this copy changes nothing except your own understanding.
"""

import jax, jax.numpy as jnp
import numpy as np

VOCAB = 1000000
HIDDEN = 64
NUM_CLUSTERS = 30
BATCH = 4096
HIST = 200

def setup_inputs(seed: int = 0) -> dict:
    key = jax.random.key(seed)
    k1, k2, k3 = jax.random.split(key, 3)
    location_ids = jax.random.randint(k1, (BATCH, HIST), 0, VOCAB, dtype=jnp.int64 if jax.config.jax_enable_x64 else jnp.int32)
    fine_table = jax.random.normal(k2, (VOCAB, HIDDEN // 2), dtype=jnp.float32)
    coarse_table = jax.random.normal(k3, (NUM_CLUSTERS, HIDDEN // 2), dtype=jnp.float32)
    cluster_map = jnp.arange(VOCAB, dtype=location_ids.dtype) % NUM_CLUSTERS
    return {"location_ids": location_ids, "fine_table": fine_table, "coarse_table": coarse_table, "cluster_map": cluster_map}

def reference(location_ids, fine_table, coarse_table, cluster_map):
    # fine = self.fine_embed(location_ids)
    fine = jnp.take(fine_table, location_ids, axis=0)
    # cluster_ids = self.cluster_map[location_ids]
    cluster_ids = jnp.take(cluster_map, location_ids, axis=0)
    # coarse = self.coarse_embed(cluster_ids)
    coarse = jnp.take(coarse_table, cluster_ids, axis=0)
    return jnp.concatenate([fine, coarse], axis=-1)

if __name__ == "__main__":
    import jax
    _d = setup_inputs()
    print(jax.jit(kernel)(*tuple(_d.values())))

</pallas_src>

<mosaic_0001>
#map = affine_map<(d0, d1) -> (0)>
#map1 = affine_map<(d0, d1) -> (0, 0)>
#map2 = affine_map<(d0, d1) -> (0, 0, 0)>
module attributes {stable_mosaic.version = 14 : i64} {
  func.func @_emb(%arg0: i32, %arg1: i32, %arg2: memref<819200xi32, #tpu.memory_space<hbm>>, %arg3: memref<1000000x32xf32, #tpu.memory_space<hbm>>, %arg4: memref<30x32xf32, #tpu.memory_space<hbm>>, %arg5: memref<1000000xi32, #tpu.memory_space<hbm>>, %arg6: memref<819200x2x32xf32, #tpu.memory_space<hbm>>, %arg7: memref<25600xi32, #tpu.memory_space<vmem>>, %arg8: memref<30x32xf32, #tpu.memory_space<vmem>>, %arg9: memref<2x512xi32, #tpu.memory_space<vmem>>, %arg10: memref<2x512x32xf32, #tpu.memory_space<vmem>>, %arg11: memref<2x512x2x32xf32, #tpu.memory_space<vmem>>, %arg12: memref<2x!tpu.dma_semaphore, #tpu.memory_space<semaphore_mem>>, %arg13: memref<2x!tpu.dma_semaphore, #tpu.memory_space<semaphore_mem>>) attributes {dimension_semantics = [#tpu.dimension_semantics<core_parallel>, #tpu.dimension_semantics<subcore_parallel>], iteration_bounds = array<i64: 2, 16>, scalar_prefetch = 0 : i64, scratch_operands = 7 : i64, tpu.core_type = #tpu.core_type<sc_vector_subcore>, window_params = [{transform_indices = #map}, {transform_indices = #map1}, {transform_indices = #map1}, {transform_indices = #map}, {transform_indices = #map2}]} {
    %mul3A = arith.constant 2 : i32
    %mul3A_0 = arith.muli %arg1, %mul3A : i32
    %add3A = arith.addi %mul3A_0, %arg0 : i32
    %mul3A_1 = arith.constant 25600 : i32
    %mul3A_2 = arith.muli %add3A, %mul3A_1 : i32
    "tpu.region"() ({
      %run_scoped3A = tpu.sem_alloc : memref<!tpu.dma_semaphore, #tpu.memory_space<semaphore_mem>>
      %dma_start3A_31 = tpu.memref_slice %arg2[%mul3A_2] : memref<819200xi32, #tpu.memory_space<hbm>> -> memref<25600xi32, #tpu.memory_space<hbm>>
      %dma_start3A_32 = tpu.memref_slice %arg2[%mul3A_2] : memref<819200xi32, #tpu.memory_space<hbm>> -> memref<25600xi32, #tpu.memory_space<hbm>>
      tpu.enqueue_dma source(%dma_start3A_32 : memref<25600xi32, #tpu.memory_space<hbm>>) target(%arg7 : memref<25600xi32, #tpu.memory_space<vmem>>) target_semaphore(%run_scoped3A : memref<!tpu.dma_semaphore, #tpu.memory_space<semaphore_mem>>)
      %dma_wait3A = tpu.memref_slice %arg2[%mul3A_2] : memref<819200xi32, #tpu.memory_space<hbm>> -> memref<25600xi32, #tpu.memory_space<hbm>>
      %dma_wait3A_33 = tpu.memref_slice %arg2[%mul3A_2] : memref<819200xi32, #tpu.memory_space<hbm>> -> memref<25600xi32, #tpu.memory_space<hbm>>
      tpu.wait_dma2 semaphore(%run_scoped3A : memref<!tpu.dma_semaphore, #tpu.memory_space<semaphore_mem>>) src(%dma_wait3A_33 : memref<25600xi32, #tpu.memory_space<hbm>>) dst(%arg7 : memref<25600xi32, #tpu.memory_space<vmem>>)
      tpu.yield
    }) : () -> ()
    "tpu.region"() ({
      %run_scoped3A = tpu.sem_alloc : memref<!tpu.dma_semaphore, #tpu.memory_space<semaphore_mem>>
      tpu.enqueue_dma source(%arg4 : memref<30x32xf32, #tpu.memory_space<hbm>>) target(%arg8 : memref<30x32xf32, #tpu.memory_space<vmem>>) target_semaphore(%run_scoped3A : memref<!tpu.dma_semaphore, #tpu.memory_space<semaphore_mem>>)
      tpu.wait_dma2 semaphore(%run_scoped3A : memref<!tpu.dma_semaphore, #tpu.memory_space<semaphore_mem>>) src(%arg4 : memref<30x32xf32, #tpu.memory_space<hbm>>) dst(%arg8 : memref<30x32xf32, #tpu.memory_space<vmem>>)
      tpu.yield
    }) : () -> ()
    %dma_start3A = arith.constant 0 : i32
    %dma_start3A_3 = arith.constant 0 : i32
    %dma_start3A_4 = arith.constant 0 : i32
    %dma_start3A_5 = tpu.memref_slice %arg9[%dma_start3A, %dma_start3A_4] : memref<2x512xi32, #tpu.memory_space<vmem>> -> memref<1x512xi32, #tpu.memory_space<vmem>>
    %dma_start3A_6 = tpu.memref_squeeze %dma_start3A_5 : memref<1x512xi32, #tpu.memory_space<vmem>> -> memref<512xi32, #tpu.memory_space<vmem>>
    %dma_start3A_7 = arith.constant 0 : i32
    %dma_start3A_8 = tpu.memref_slice %arg7[%dma_start3A_7] : memref<25600xi32, #tpu.memory_space<vmem>> -> memref<512xi32, #tpu.memory_space<vmem>>
    %dma_start3A_9 = arith.constant 0 : i32
    %dma_start3A_10 = tpu.memref_slice %arg5[%dma_start3A_9] : memref<1000000xi32, #tpu.memory_space<hbm>> -> memref<1000000xi32, #tpu.memory_space<hbm>>
    %dma_start3A_11 = tpu.memref_slice %arg13[%dma_start3A_3] : memref<2x!tpu.dma_semaphore, #tpu.memory_space<semaphore_mem>> -> memref<1x!tpu.dma_semaphore, #tpu.memory_space<semaphore_mem>>
    %dma_start3A_12 = tpu.memref_squeeze %dma_start3A_11 : memref<1x!tpu.dma_semaphore, #tpu.memory_space<semaphore_mem>> -> memref<!tpu.dma_semaphore, #tpu.memory_space<semaphore_mem>>
    tpu.enqueue_indirect_dma source(%dma_start3A_10 : memref<1000000xi32, #tpu.memory_space<hbm>>) target(%dma_start3A_6 : memref<512xi32, #tpu.memory_space<vmem>>) offsets(%dma_start3A_8 : memref<512xi32, #tpu.memory_space<vmem>>) semaphore(%dma_start3A_12 : memref<!tpu.dma_semaphore, #tpu.memory_space<semaphore_mem>>)
    %dma_start3A_13 = arith.constant 0 : i32
    %dma_start3A_14 = arith.constant 0 : i32
    %dma_start3A_15 = arith.constant 0 : i32
    %dma_start3A_16 = arith.constant 0 : i32
    %dma_start3A_17 = tpu.memref_slice %arg10[%dma_start3A_13, %dma_start3A_15, %dma_start3A_16] : memref<2x512x32xf32, #tpu.memory_space<vmem>> -> memref<1x512x32xf32, #tpu.memory_space<vmem>>
    %dma_start3A_18 = tpu.memref_squeeze %dma_start3A_17 : memref<1x512x32xf32, #tpu.memory_space<vmem>> -> memref<512x32xf32, #tpu.memory_space<vmem>>
    %dma_start3A_19 = arith.constant 0 : i32
    %dma_start3A_20 = tpu.memref_slice %arg7[%dma_start3A_19] : memref<25600xi32, #tpu.memory_space<vmem>> -> memref<512xi32, #tpu.memory_space<vmem>>
    %dma_start3A_21 = arith.constant 0 : i32
    %dma_start3A_22 = arith.constant 0 : i32
    %dma_start3A_23 = tpu.memref_slice %arg3[%dma_start3A_21, %dma_start3A_22] : memref<1000000x32xf32, #tpu.memory_space<hbm>> -> memref<1000000x32xf32, #tpu.memory_space<hbm>>
    %dma_start3A_24 = tpu.memref_slice %arg12[%dma_start3A_14] : memref<2x!tpu.dma_semaphore, #tpu.memory_space<semaphore_mem>> -> memref<1x!tpu.dma_semaphore, #tpu.memory_space<semaphore_mem>>
    %dma_start3A_25 = tpu.memref_squeeze %dma_start3A_24 : memref<1x!tpu.dma_semaphore, #tpu.memory_space<semaphore_mem>> -> memref<!tpu.dma_semaphore, #tpu.memory_space<semaphore_mem>>
    tpu.enqueue_indirect_dma source(%dma_start3A_23 : memref<1000000x32xf32, #tpu.memory_space<hbm>>) target(%dma_start3A_18 : memref<512x32xf32, #tpu.memory_space<vmem>>) offsets(%dma_start3A_20 : memref<512xi32, #tpu.memory_space<vmem>>) semaphore(%dma_start3A_25 : memref<!tpu.dma_semaphore, #tpu.memory_space<semaphore_mem>>)
    %scan3A = arith.constant 0 : i32
    %scan3A_26 = arith.constant 0 : i32
    %scan3A_27 = arith.constant 25 : i32
    %scan3A_28 = arith.addi %scan3A_26, %scan3A_27 : i32
    %scan3A_29 = arith.constant 1 : i32
    scf.for %scan3A_31 = %scan3A_26 to %scan3A_28 step %scan3A_29  : i32 {
      %mul3A_32 = arith.constant 2 : i32
      %mul3A_33 = arith.muli %mul3A_32, %scan3A_31 : i32
      %add3A_34 = arith.constant 0 : i32
      %add3A_35 = arith.addi %mul3A_33, %add3A_34 : i32
      %mul3A_36 = arith.constant 512 : i32
      %mul3A_37 = arith.muli %add3A_35, %mul3A_36 : i32
      %add3A_38 = arith.constant 1 : i32
      %add3A_39 = arith.addi %add3A_35, %add3A_38 : i32
      %lt3A = arith.constant 50 : i32
      %lt3A_40 = arith.cmpi slt, %add3A_39, %lt3A : i32
      %convert_element_type3A = arith.extui %lt3A_40 : i1 to i32
      %cond3A = arith.constant 0 : i32
      %cond3A_41 = arith.cmpi ne, %convert_element_type3A, %cond3A : i32
      scf.if %cond3A_41 {
        %add3A_129 = arith.constant 1 : i32
        %add3A_130 = arith.addi %add3A_35, %add3A_129 : i32
        %mul3A_131 = arith.constant 512 : i32
        %mul3A_132 = arith.muli %add3A_130, %mul3A_131 : i32
        %dma_start3A_133 = arith.constant 1 : i32
        %dma_start3A_134 = arith.constant 1 : i32
        %dma_start3A_135 = arith.constant 0 : i32
        %dma_start3A_136 = tpu.memref_slice %arg9[%dma_start3A_133, %dma_start3A_135] : memref<2x512xi32, #tpu.memory_space<vmem>> -> memref<1x512xi32, #tpu.memory_space<vmem>>
        %dma_start3A_137 = tpu.memref_squeeze %dma_start3A_136 : memref<1x512xi32, #tpu.memory_space<vmem>> -> memref<512xi32, #tpu.memory_space<vmem>>
        %dma_start3A_138 = tpu.memref_slice %arg7[%mul3A_132] : memref<25600xi32, #tpu.memory_space<vmem>> -> memref<512xi32, #tpu.memory_space<vmem>>
        %dma_start3A_139 = arith.constant 0 : i32
        %dma_start3A_140 = tpu.memref_slice %arg5[%dma_start3A_139] : memref<1000000xi32, #tpu.memory_space<hbm>> -> memref<1000000xi32, #tpu.memory_space<hbm>>
        %dma_start3A_141 = tpu.memref_slice %arg13[%dma_start3A_134] : memref<2x!tpu.dma_semaphore, #tpu.memory_space<semaphore_mem>> -> memref<1x!tpu.dma_semaphore, #tpu.memory_space<semaphore_mem>>
        %dma_start3A_142 = tpu.memref_squeeze %dma_start3A_141 : memref<1x!tpu.dma_semaphore, #tpu.memory_space<semaphore_mem>> -> memref<!tpu.dma_semaphore, #tpu.memory_space<semaphore_mem>>
        tpu.enqueue_indirect_dma source(%dma_start3A_140 : memref<1000000xi32, #tpu.memory_space<hbm>>) target(%dma_start3A_137 : memref<512xi32, #tpu.memory_space<vmem>>) offsets(%dma_start3A_138 : memref<512xi32, #tpu.memory_space<vmem>>) semaphore(%dma_start3A_142 : memref<!tpu.dma_semaphore, #tpu.memory_space<semaphore_mem>>)
        %dma_start3A_143 = arith.constant 1 : i32
        %dma_start3A_144 = arith.constant 1 : i32
        %dma_start3A_145 = arith.constant 0 : i32
        %dma_start3A_146 = arith.constant 0 : i32
        %dma_start3A_147 = tpu.memref_slice %arg10[%dma_start3A_143, %dma_start3A_145, %dma_start3A_146] : memref<2x512x32xf32, #tpu.memory_space<vmem>> -> memref<1x512x32xf32, #tpu.memory_space<vmem>>
        %dma_start3A_148 = tpu.memref_squeeze %dma_start3A_147 : memref<1x512x32xf32, #tpu.memory_space<vmem>> -> memref<512x32xf32, #tpu.memory_space<vmem>>
        %dma_start3A_149 = tpu.memref_slice %arg7[%mul3A_132] : memref<25600xi32, #tpu.memory_space<vmem>> -> memref<512xi32, #tpu.memory_space<vmem>>
        %dma_start3A_150 = arith.constant 0 : i32
        %dma_start3A_151 = arith.constant 0 : i32
        %dma_start3A_152 = tpu.memref_slice %arg3[%dma_start3A_150, %dma_start3A_151] : memref<1000000x32xf32, #tpu.memory_space<hbm>> -> memref<1000000x32xf32, #tpu.memory_space<hbm>>
        %dma_start3A_153 = tpu.memref_slice %arg12[%dma_start3A_144] : memref<2x!tpu.dma_semaphore, #tpu.memory_space<semaphore_mem>> -> memref<1x!tpu.dma_semaphore, #tpu.memory_space<semaphore_mem>>
        %dma_start3A_154 = tpu.memref_squeeze %dma_start3A_153 : memref<1x!tpu.dma_semaphore, #tpu.memory_space<semaphore_mem>> -> memref<!tpu.dma_semaphore, #tpu.memory_space<semaphore_mem>>
        tpu.enqueue_indirect_dma source(%dma_start3A_152 : memref<1000000x32xf32, #tpu.memory_space<hbm>>) target(%dma_start3A_148 : memref<512x32xf32, #tpu.memory_space<vmem>>) offsets(%dma_start3A_149 : memref<512xi32, #tpu.memory_space<vmem>>) semaphore(%dma_start3A_154 : memref<!tpu.dma_semaphore, #tpu.memory_space<semaphore_mem>>)
      } else {
      }
      %dma_wait3A = arith.constant 0 : i32
      %dma_wait3A_42 = arith.constant 0 : i32
      %dma_wait3A_43 = arith.constant 0 : i32
      %dma_wait3A_44 = tpu.memref_slice %arg9[%dma_wait3A, %dma_wait3A_43] : memref<2x512xi32, #tpu.memory_space<vmem>> -> memref<1x512xi32, #tpu.memory_space<vmem>>
      %dma_wait3A_45 = tpu.memref_squeeze %dma_wait3A_44 : memref<1x512xi32, #tpu.memory_space<vmem>> -> memref<512xi32, #tpu.memory_space<vmem>>
      %dma_wait3A_46 = tpu.memref_slice %arg7[%mul3A_37] : memref<25600xi32, #tpu.memory_space<vmem>> -> memref<512xi32, #tpu.memory_space<vmem>>
      %dma_wait3A_47 = arith.constant 0 : i32
      %dma_wait3A_48 = tpu.memref_slice %arg5[%dma_wait3A_47] : memref<1000000xi32, #tpu.memory_space<hbm>> -> memref<1000000xi32, #tpu.memory_space<hbm>>
      %dma_wait3A_49 = tpu.memref_slice %arg13[%dma_wait3A_42] : memref<2x!tpu.dma_semaphore, #tpu.memory_space<semaphore_mem>> -> memref<1x!tpu.dma_semaphore, #tpu.memory_space<semaphore_mem>>
      %dma_wait3A_50 = tpu.memref_squeeze %dma_wait3A_49 : memref<1x!tpu.dma_semaphore, #tpu.memory_space<semaphore_mem>> -> memref<!tpu.dma_semaphore, #tpu.memory_space<semaphore_mem>>
      tpu.wait_indirect_dma semaphore(%dma_wait3A_50 : memref<!tpu.dma_semaphore, #tpu.memory_space<semaphore_mem>>) src(%dma_wait3A_48 : memref<1000000xi32, #tpu.memory_space<hbm>>) dst(%dma_wait3A_45 : memref<512xi32, #tpu.memory_space<vmem>>)
      %scan3A_51 = arith.constant 0 : i32
      %scan3A_52 = arith.constant 0 : i32
      %scan3A_53 = arith.constant 32 : i32
      %scan3A_54 = arith.addi %scan3A_52, %scan3A_53 : i32
      %scan3A_55 = arith.constant 1 : i32
      scf.for %scan3A_129 = %scan3A_52 to %scan3A_54 step %scan3A_55  : i32 {
        %mul3A_130 = arith.constant 16 : i32
        %mul3A_131 = arith.muli %mul3A_130, %scan3A_129 : i32
        %get3A = arith.constant 0 : i32
        %get3A_132 = arith.index_cast %get3A : i32 to index
        %get3A_133 = arith.index_cast %mul3A_131 : i32 to index
        %get3A_134 = tpu.vector_load %arg9[%get3A_132, %get3A_133] {strides = array<i32>} : memref<2x512xi32, #tpu.memory_space<vmem>>, vector<1x16xi32>,
        %get3A_135 = vector.shape_cast %get3A_134 : vector<1x16xi32> to vector<16xi32>
        %slice3A = vector.extract_strided_slice %get3A_135 {offsets = [0], sizes = [1], strides = [1]} : vector<16xi32> to vector<1xi32>
        %squeeze3A = vector.extract %slice3A[0] : i32 from vector<1xi32>
        %get3A_136 = arith.index_cast %squeeze3A : i32 to index
        %get3A_137 = arith.constant 0 : index
        %get3A_138 = tpu.vector_load %arg8[%get3A_136, %get3A_137] {strides = array<i32>} : memref<30x32xf32, #tpu.memory_space<vmem>>, vector<1x16xf32>,
        %get3A_139 = vector.shape_cast %get3A_138 : vector<1x16xf32> to vector<16xf32>
        %mul3A_140 = arith.constant 16 : i32
        %mul3A_141 = arith.muli %mul3A_140, %scan3A_129 : i32
        %add3A_142 = arith.constant 0 : i32
        %add3A_143 = arith.addi %mul3A_141, %add3A_142 : i32
        %swap3A = arith.constant 0 : i32
        %swap3A_144 = arith.constant 1 : i32
        %swap3A_145 = arith.index_cast %swap3A : i32 to index
        %swap3A_146 = arith.index_cast %add3A_143 : i32 to index
        %swap3A_147 = arith.index_cast %swap3A_144 : i32 to index
        %swap3A_148 = arith.constant 0 : index
        %swap3A_149 = tpu.vector_load %arg11[%swap3A_145, %swap3A_146, %swap3A_147, %swap3A_148] {strides = array<i32>} : memref<2x512x2x32xf32, #tpu.memory_space<vmem>>, vector<1x1x1x16xf32>,
        %swap3A_150 = vector.shape_cast %swap3A_149 : vector<1x1x1x16xf32> to vector<16xf32>
        %swap3A_151 = vector.shape_cast %get3A_139 : vector<16xf32> to vector<1x1x1x16xf32>
        tpu.vector_store %arg11[%swap3A_145, %swap3A_146, %swap3A_147, %swap3A_148], %swap3A_151 {strides = array<i32>} : memref<2x512x2x32xf32, #tpu.memory_space<vmem>>, vector<1x1x1x16xf32>,
        %get3A_152 = arith.index_cast %squeeze3A : i32 to index
        %get3A_153 = arith.constant 16 : index
        %get3A_154 = tpu.vector_load %arg8[%get3A_152, %get3A_153] {strides = array<i32>} : memref<30x32xf32, #tpu.memory_space<vmem>>, vector<1x16xf32>,
        %get3A_155 = vector.shape_cast %get3A_154 : vector<1x16xf32> to vector<16xf32>
        %mul3A_156 = arith.constant 16 : i32
        %mul3A_157 = arith.muli %mul3A_156, %scan3A_129 : i32
        %add3A_158 = arith.constant 0 : i32
        %add3A_159 = arith.addi %mul3A_157, %add3A_158 : i32
        %swap3A_160 = arith.constant 0 : i32
        %swap3A_161 = arith.constant 1 : i32
        %swap3A_162 = arith.index_cast %swap3A_160 : i32 to index
        %swap3A_163 = arith.index_cast %add3A_159 : i32 to index
        %swap3A_164 = arith.index_cast %swap3A_161 : i32 to index
        %swap3A_165 = arith.constant 16 : index
        %swap3A_166 = tpu.vector_load %arg11[%swap3A_162, %swap3A_163, %swap3A_164, %swap3A_165] {strides = array<i32>} : memref<2x512x2x32xf32, #tpu.memory_space<vmem>>, vector<1x1x1x16xf32>,
        %swap3A_167 = vector.shape_cast %swap3A_166 : vector<1x1x1x16xf32> to vector<16xf32>
        %swap3A_168 = vector.shape_cast %get3A_155 : vector<16xf32> to vector<1x1x1x16xf32>
        tpu.vector_store %arg11[%swap3A_162, %swap3A_163, %swap3A_164, %swap3A_165], %swap3A_168 {strides = array<i32>} : memref<2x512x2x32xf32, #tpu.memory_space<vmem>>, vector<1x1x1x16xf32>,
        %slice3A_169 = vector.extract_strided_slice %get3A_135 {offsets = [1], sizes = [1], strides = [1]} : vector<16xi32> to vector<1xi32>
        %squeeze3A_170 = vector.extract %slice3A_169[0] : i32 from vector<1xi32>
        %get3A_171 = arith.index_cast %squeeze3A_170 : i32 to index
        %get3A_172 = arith.constant 0 : index
        %get3A_173 = tpu.vector_load %arg8[%get3A_171, %get3A_172] {strides = array<i32>} : memref<30x32xf32, #tpu.memory_space<vmem>>, vector<1x16xf32>,
        %get3A_174 = vector.shape_cast %get3A_173 : vector<1x16xf32> to vector<16xf32>
        %mul3A_175 = arith.constant 16 : i32
        %mul3A_176 = arith.muli %mul3A_175, %scan3A_129 : i32
        %add3A_177 = arith.constant 1 : i32
        %add3A_178 = arith.addi %mul3A_176, %add3A_177 : i32
        %swap3A_179 = arith.constant 0 : i32
        %swap3A_180 = arith.constant 1 : i32
        %swap3A_181 = arith.index_cast %swap3A_179 : i32 to index
        %swap3A_182 = arith.index_cast %add3A_178 : i32 to index
        %swap3A_183 = arith.index_cast %swap3A_180 : i32 to index
        %swap3A_184 = arith.constant 0 : index
        %swap3A_185 = tpu.vector_load %arg11[%swap3A_181, %swap3A_182, %swap3A_183, %swap3A_184] {strides = array<i32>} : memref<2x512x2x32xf32, #tpu.memory_space<vmem>>, vector<1x1x1x16xf32>,
        %swap3A_186 = vector.shape_cast %swap3A_185 : vector<1x1x1x16xf32> to vector<16xf32>
        %swap3A_187 = vector.shape_cast %get3A_174 : vector<16xf32> to vector<1x1x1x16xf32>
        tpu.vector_store %arg11[%swap3A_181, %swap3A_182, %swap3A_183, %swap3A_184], %swap3A_187 {strides = array<i32>} : memref<2x512x2x32xf32, #tpu.memory_space<vmem>>, vector<1x1x1x16xf32>,
        %get3A_188 = arith.index_cast %squeeze3A_170 : i32 to index
        %get3A_189 = arith.constant 16 : index
        %get3A_190 = tpu.vector_load %arg8[%get3A_188, %get3A_189] {strides = array<i32>} : memref<30x32xf32, #tpu.memory_space<vmem>>, vector<1x16xf32>,
        %get3A_191 = vector.shape_cast %get3A_190 : vector<1x16xf32> to vector<16xf32>
        %mul3A_192 = arith.constant 16 : i32
        %mul3A_193 = arith.muli %mul3A_192, %scan3A_129 : i32
        %add3A_194 = arith.constant 1 : i32
        %add3A_195 = arith.addi %mul3A_193, %add3A_194 : i32
        %swap3A_196 = arith.constant 0 : i32
        %swap3A_197 = arith.constant 1 : i32
        %swap3A_198 = arith.index_cast %swap3A_196 : i32 to index
        %swap3A_199 = arith.index_cast %add3A_195 : i32 to index
        %swap3A_200 = arith.index_cast %swap3A_197 : i32 to index
        %swap3A_201 = arith.constant 16 : index
        %swap3A_202 = tpu.vector_load %arg11[%swap3A_198, %swap3A_199, %swap3A_200, %swap3A_201] {strides = array<i32>} : memref<2x512x2x32xf32, #tpu.memory_space<vmem>>, vector<1x1x1x16xf32>,
        %swap3A_203 = vector.shape_cast %swap3A_202 : vector<1x1x1x16xf32> to vector<16xf32>
        %swap3A_204 = vector.shape_cast %get3A_191 : vector<16xf32> to vector<1x1x1x16xf32>
        tpu.vector_store %arg11[%swap3A_198, %swap3A_199, %swap3A_200, %swap3A_201], %swap3A_204 {strides = array<i32>} : memref<2x512x2x32xf32, #tpu.memory_space<vmem>>, vector<1x1x1x16xf32>,
        %slice3A_205 = vector.extract_strided_slice %get3A_135 {offsets = [2], sizes = [1], strides = [1]} : vector<16xi32> to vector<1xi32>
        %squeeze3A_206 = vector.extract %slice3A_205[0] : i32 from vector<1xi32>
        %get3A_207 = arith.index_cast %squeeze3A_206 : i32 to index
        %get3A_208 = arith.constant 0 : index
        %get3A_209 = tpu.vector_load %arg8[%get3A_207, %get3A_208] {strides = array<i32>} : memref<30x32xf32, #tpu.memory_space<vmem>>, vector<1x16xf32>,
        %get3A_210 = vector.shape_cast %get3A_209 : vector<1x16xf32> to vector<16xf32>
        %mul3A_211 = arith.constant 16 : i32
        %mul3A_212 = arith.muli %mul3A_211, %scan3A_129 : i32
        %add3A_213 = arith.constant 2 : i32
        %add3A_214 = arith.addi %mul3A_212, %add3A_213 : i32
        %swap3A_215 = arith.constant 0 : i32
        %swap3A_216 = arith.constant 1 : i32
        %swap3A_217 = arith.index_cast %swap3A_215 : i32 to index
        %swap3A_218 = arith.index_cast %add3A_214 : i32 to index
        %swap3A_219 = arith.index_cast %swap3A_216 : i32 to index
        %swap3A_220 = arith.constant 0 : index
        %swap3A_221 = tpu.vector_load %arg11[%swap3A_217, %swap3A_218, %swap3A_219, %swap3A_220] {strides = array<i32>} : memref<2x512x2x32xf32, #tpu.memory_space<vmem>>, vector<1x1x1x16xf32>,
        %swap3A_222 = vector.shape_cast %swap3A_221 : vector<1x1x1x16xf32> to vector<16xf32>
        %swap3A_223 = vector.shape_cast %get3A_210 : vector<16xf32> to vector<1x1x1x16xf32>
        tpu.vector_store %arg11[%swap3A_217, %swap3A_218, %swap3A_219, %swap3A_220], %swap3A_223 {strides = array<i32>} : memref<2x512x2x32xf32, #tpu.memory_space<vmem>>, vector<1x1x1x16xf32>,
        %get3A_224 = arith.index_cast %squeeze3A_206 : i32 to index
        %get3A_225 = arith.constant 16 : index
        %get3A_226 = tpu.vector_load %arg8[%get3A_224, %get3A_225] {strides = array<i32>} : memref<30x32xf32, #tpu.memory_space<vmem>>, vector<1x16xf32>,
        %get3A_227 = vector.shape_cast %get3A_226 : vector<1x16xf32> to vector<16xf32>
        %mul3A_228 = arith.constant 16 : i32
        %mul3A_229 = arith.muli %mul3A_228, %scan3A_129 : i32
        %add3A_230 = arith.constant 2 : i32
        %add3A_231 = arith.addi %mul3A_229, %add3A_230 : i32
        %swap3A_232 = arith.constant 0 : i32
        %swap3A_233 = arith.constant 1 : i32
        %swap3A_234 = arith.index_cast %swap3A_232 : i32 to index
        %swap3A_235 = arith.index_cast %add3A_231 : i32 to index
        %swap3A_236 = arith.index_cast %swap3A_233 : i32 to index
        %swap3A_237 = arith.constant 16 : index
        %swap3A_238 = tpu.vector_load %arg11[%swap3A_234, %swap3A_235, %swap3A_236, %swap3A_237] {strides = array<i32>} : memref<2x512x2x32xf32, #tpu.memory_space<vmem>>, vector<1x1x1x16xf32>,
        %swap3A_239 = vector.shape_cast %swap3A_238 : vector<1x1x1x16xf32> to vector<16xf32>
        %swap3A_240 = vector.shape_cast %get3A_227 : vector<16xf32> to vector<1x1x1x16xf32>
        tpu.vector_store %arg11[%swap3A_234, %swap3A_235, %swap3A_236, %swap3A_237], %swap3A_240 {strides = array<i32>} : memref<2x512x2x32xf32, #tpu.memory_space<vmem>>, vector<1x1x1x16xf32>,
        %slice3A_241 = vector.extract_strided_slice %get3A_135 {offsets = [3], sizes = [1], strides = [1]} : vector<16xi32> to vector<1xi32>
        %squeeze3A_242 = vector.extract %slice3A_241[0] : i32 from vector<1xi32>
        %get3A_243 = arith.index_cast %squeeze3A_242 : i32 to index
        %get3A_244 = arith.constant 0 : index
        %get3A_245 = tpu.vector_load %arg8[%get3A_243, %get3A_244] {strides = array<i32>} : memref<30x32xf32, #tpu.memory_space<vmem>>, vector<1x16xf32>,
        %get3A_246 = vector.shape_cast %get3A_245 : vector<1x16xf32> to vector<16xf32>
        %mul3A_247 = arith.constant 16 : i32
        %mul3A_248 = arith.muli %mul3A_247, %scan3A_129 : i32
        %add3A_249 = arith.constant 3 : i32
        %add3A_250 = arith.addi %mul3A_248, %add3A_249 : i32
        %swap3A_251 = arith.constant 0 : i32
        %swap3A_252 = arith.constant 1 : i32
        %swap3A_253 = arith.index_cast %swap3A_251 : i32 to index
        %swap3A_254 = arith.index_cast %add3A_250 : i32 to index
        %swap3A_255 = arith.index_cast %swap3A_252 : i32 to index
        %swap3A_256 = arith.constant 0 : index
        %swap3A_257 = tpu.vector_load %arg11[%swap3A_253, %swap3A_254, %swap3A_255, %swap3A_256] {strides = array<i32>} : memref<2x512x2x32xf32, #tpu.memory_space<vmem>>, vector<1x1x1x16xf32>,
        %swap3A_258 = vector.shape_cast %swap3A_257 : vector<1x1x1x16xf32> to vector<16xf32>
        %swap3A_259 = vector.shape_cast %get3A_246 : vector<16xf32> to vector<1x1x1x16xf32>
        tpu.vector_store %arg11[%swap3A_253, %swap3A_254, %swap3A_255, %swap3A_256], %swap3A_259 {strides = array<i32>} : memref<2x512x2x32xf32, #tpu.memory_space<vmem>>, vector<1x1x1x16xf32>,
        %get3A_260 = arith.index_cast %squeeze3A_242 : i32 to index
        %get3A_261 = arith.constant 16 : index
        %get3A_262 = tpu.vector_load %arg8[%get3A_260, %get3A_261] {strides = array<i32>} : memref<30x32xf32, #tpu.memory_space<vmem>>, vector<1x16xf32>,
        %get3A_263 = vector.shape_cast %get3A_262 : vector<1x16xf32> to vector<16xf32>
        %mul3A_264 = arith.constant 16 : i32
        %mul3A_265 = arith.muli %mul3A_264, %scan3A_129 : i32
        %add3A_266 = arith.constant 3 : i32
        %add3A_267 = arith.addi %mul3A_265, %add3A_266 : i32
        %swap3A_268 = arith.constant 0 : i32
        %swap3A_269 = arith.constant 1 : i32
        %swap3A_270 = arith.index_cast %swap3A_268 : i32 to index
        %swap3A_271 = arith.index_cast %add3A_267 : i32 to index
        %swap3A_272 = arith.index_cast %swap3A_269 : i32 to index
        %swap3A_273 = arith.constant 16 : index
        %swap3A_274 = tpu.vector_load %arg11[%swap3A_270, %swap3A_271, %swap3A_272, %swap3A_273] {strides = array<i32>} : memref<2x512x2x32xf32, #tpu.memory_space<vmem>>, vector<1x1x1x16xf32>,
        %swap3A_275 = vector.shape_cast %swap3A_274 : vector<1x1x1x16xf32> to vector<16xf32>
        %swap3A_276 = vector.shape_cast %get3A_263 : vector<16xf32> to vector<1x1x1x16xf32>
        tpu.vector_store %arg11[%swap3A_270, %swap3A_271, %swap3A_272, %swap3A_273], %swap3A_276 {strides = array<i32>} : memref<2x512x2x32xf32, #tpu.memory_space<vmem>>, vector<1x1x1x16xf32>,
        %slice3A_277 = vector.extract_strided_slice %get3A_135 {offsets = [4], sizes = [1], strides = [1]} : vector<16xi32> to vector<1xi32>
        %squeeze3A_278 = vector.extract %slice3A_277[0] : i32 from vector<1xi32>
        %get3A_279 = arith.index_cast %squeeze3A_278 : i32 to index
        %get3A_280 = arith.constant 0 : index
        %get3A_281 = tpu.vector_load %arg8[%get3A_279, %get3A_280] {strides = array<i32>} : memref<30x32xf32, #tpu.memory_space<vmem>>, vector<1x16xf32>,
        %get3A_282 = vector.shape_cast %get3A_281 : vector<1x16xf32> to vector<16xf32>
        %mul3A_283 = arith.constant 16 : i32
        %mul3A_284 = arith.muli %mul3A_283, %scan3A_129 : i32
        %add3A_285 = arith.constant 4 : i32
        %add3A_286 = arith.addi %mul3A_284, %add3A_285 : i32
        %swap3A_287 = arith.constant 0 : i32
        %swap3A_288 = arith.constant 1 : i32
        %swap3A_289 = arith.index_cast %swap3A_287 : i32 to index
        %swap3A_290 = arith.index_cast %add3A_286 : i32 to index
        %swap3A_291 = arith.index_cast %swap3A_288 : i32 to index
        %swap3A_292 = arith.constant 0 : index
        %swap3A_293 = tpu.vector_load %arg11[%swap3A_289, %swap3A_290, %swap3A_291, %swap3A_292] {strides = array<i32>} : memref<2x512x2x32xf32, #tpu.memory_space<vmem>>, vector<1x1x1x16xf32>,
        %swap3A_294 = vector.shape_cast %swap3A_293 : vector<1x1x1x16xf32> to vector<16xf32>
        %swap3A_295 = vector.shape_cast %get3A_282 : vector<16xf32> to vector<1x1x1x16xf32>
        tpu.vector_store %arg11[%swap3A_289, %swap3A_290, %swap3A_291, %swap3A_292], %swap3A_295 {strides = array<i32>} : memref<2x512x2x32xf32, #tpu.memory_space<vmem>>, vector<1x1x1x16xf32>,
        %get3A_296 = arith.index_cast %squeeze3A_278 : i32 to index
        %get3A_297 = arith.constant 16 : index
        %get3A_298 = tpu.vector_load %arg8[%get3A_296, %get3A_297] {strides = array<i32>} : memref<30x32xf32, #tpu.memory_space<vmem>>, vector<1x16xf32>,
        %get3A_299 = vector.shape_cast %get3A_298 : vector<1x16xf32> to vector<16xf32>
        %mul3A_300 = arith.constant 16 : i32
        %mul3A_301 = arith.muli %mul3A_300, %scan3A_129 : i32
        %add3A_302 = arith.constant 4 : i32
        %add3A_303 = arith.addi %mul3A_301, %add3A_302 : i32
        %swap3A_304 = arith.constant 0 : i32
        %swap3A_305 = arith.constant 1 : i32
        %swap3A_306 = arith.index_cast %swap3A_304 : i32 to index
        %swap3A_307 = arith.index_cast %add3A_303 : i32 to index
        %swap3A_308 = arith.index_cast %swap3A_305 : i32 to index
        %swap3A_309 = arith.constant 16 : index
        %swap3A_310 = tpu.vector_load %arg11[%swap3A_306, %swap3A_307, %swap3A_308, %swap3A_309] {strides = array<i32>} : memref<2x512x2x32xf32, #tpu.memory_space<vmem>>, vector<1x1x1x16xf32>,
        %swap3A_311 = vector.shape_cast %swap3A_310 : vector<1x1x1x16xf32> to vector<16xf32>
        %swap3A_312 = vector.shape_cast %get3A_299 : vector<16xf32> to vector<1x1x1x16xf32>
        tpu.vector_store %arg11[%swap3A_306, %swap3A_307, %swap3A_308, %swap3A_309], %swap3A_312 {strides = array<i32>} : memref<2x512x2x32xf32, #tpu.memory_space<vmem>>, vector<1x1x1x16xf32>,
        %slice3A_313 = vector.extract_strided_slice %get3A_135 {offsets = [5], sizes = [1], strides = [1]} : vector<16xi32> to vector<1xi32>
        %squeeze3A_314 = vector.extract %slice3A_313[0] : i32 from vector<1xi32>
        %get3A_315 = arith.index_cast %squeeze3A_314 : i32 to index
        %get3A_316 = arith.constant 0 : index
        %get3A_317 = tpu.vector_load %arg8[%get3A_315, %get3A_316] {strides = array<i32>} : memref<30x32xf32, #tpu.memory_space<vmem>>, vector<1x16xf32>,
        %get3A_318 = vector.shape_cast %get3A_317 : vector<1x16xf32> to vector<16xf32>
        %mul3A_319 = arith.constant 16 : i32
        %mul3A_320 = arith.muli %mul3A_319, %scan3A_129 : i32
        %add3A_321 = arith.constant 5 : i32
        %add3A_322 = arith.addi %mul3A_320, %add3A_321 : i32
        %swap3A_323 = arith.constant 0 : i32
        %swap3A_324 = arith.constant 1 : i32
        %swap3A_325 = arith.index_cast %swap3A_323 : i32 to index
        %swap3A_326 = arith.index_cast %add3A_322 : i32 to index
        %swap3A_327 = arith.index_cast %swap3A_324 : i32 to index
        %swap3A_328 = arith.constant 0 : index
        %swap3A_329 = tpu.vector_load %arg11[%swap3A_325, %swap3A_326, %swap3A_327, %swap3A_328] {strides = array<i32>} : memref<2x512x2x32xf32, #tpu.memory_space<vmem>>, vector<1x1x1x16xf32>,
        %swap3A_330 = vector.shape_cast %swap3A_329 : vector<1x1x1x16xf32> to vector<16xf32>
        %swap3A_331 = vector.shape_cast %get3A_318 : vector<16xf32> to vector<1x1x1x16xf32>
        tpu.vector_store %arg11[%swap3A_325, %swap3A_326, %swap3A_327, %swap3A_328], %swap3A_331 {strides = array<i32>} : memref<2x512x2x32xf32, #tpu.memory_space<vmem>>, vector<1x1x1x16xf32>,
        %get3A_332 = arith.index_cast %squeeze3A_314 : i32 to index
        %get3A_333 = arith.constant 16 : index
        %get3A_334 = tpu.vector_load %arg8[%get3A_332, %get3A_333] {strides = array<i32>} : memref<30x32xf32, #tpu.memory_space<vmem>>, vector<1x16xf32>,
        %get3A_335 = vector.shape_cast %get3A_334 : vector<1x16xf32> to vector<16xf32>
        %mul3A_336 = arith.constant 16 : i32
        %mul3A_337 = arith.muli %mul3A_336, %scan3A_129 : i32
        %add3A_338 = arith.constant 5 : i32
        %add3A_339 = arith.addi %mul3A_337, %add3A_338 : i32
        %swap3A_340 = arith.constant 0 : i32
        %swap3A_341 = arith.constant 1 : i32
        %swap3A_342 = arith.index_cast %swap3A_340 : i32 to index
        %swap3A_343 = arith.index_cast %add3A_339 : i32 to index
        %swap3A_344 = arith.index_cast %swap3A_341 : i32 to index
        %swap3A_345 = arith.constant 16 : index
        %swap3A_346 = tpu.vector_load %arg11[%swap3A_342, %swap3A_343, %swap3A_344, %swap3A_345] {strides = array<i32>} : memref<2x512x2x32xf32, #tpu.memory_space<vmem>>, vector<1x1x1x16xf32>,
        %swap3A_347 = vector.shape_cast %swap3A_346 : vector<1x1x1x16xf32> to vector<16xf32>
        %swap3A_348 = vector.shape_cast %get3A_335 : vector<16xf32> to vector<1x1x1x16xf32>
        tpu.vector_store %arg11[%swap3A_342, %swap3A_343, %swap3A_344, %swap3A_345], %swap3A_348 {strides = array<i32>} : memref<2x512x2x32xf32, #tpu.memory_space<vmem>>, vector<1x1x1x16xf32>,
        %slice3A_349 = vector.extract_strided_slice %get3A_135 {offsets = [6], sizes = [1], strides = [1]} : vector<16xi32> to vector<1xi32>
        %squeeze3A_350 = vector.extract %slice3A_349[0] : i32 from vector<1xi32>
        %get3A_351 = arith.index_cast %squeeze3A_350 : i32 to index
        %get3A_352 = arith.constant 0 : index
        %get3A_353 = tpu.vector_load %arg8[%get3A_351, %get3A_352] {strides = array<i32>} : memref<30x32xf32, #tpu.memory_space<vmem>>, vector<1x16xf32>,
        %get3A_354 = vector.shape_cast %get3A_353 : vector<1x16xf32> to vector<16xf32>
        %mul3A_355 = arith.constant 16 : i32
        %mul3A_356 = arith.muli %mul3A_355, %scan3A_129 : i32
        %add3A_357 = arith.constant 6 : i32
        %add3A_358 = arith.addi %mul3A_356, %add3A_357 : i32
        %swap3A_359 = arith.constant 0 : i32
        %swap3A_360 = arith.constant 1 : i32
        %swap3A_361 = arith.index_cast %swap3A_359 : i32 to index
        %swap3A_362 = arith.index_cast %add3A_358 : i32 to index
        %swap3A_363 = arith.index_cast %swap3A_360 : i32 to index
        %swap3A_364 = arith.constant 0 : index
        %swap3A_365 = tpu.vector_load %arg11[%swap3A_361, %swap3A_362, %swap3A_363, %swap3A_364] {strides = array<i32>} : memref<2x512x2x32xf32, #tpu.memory_space<vmem>>, vector<1x1x1x16xf32>,
        %swap3A_366 = vector.shape_cast %swap3A_365 : vector<1x1x1x16xf32> to vector<16xf32>
        %swap3A_367 = vector.shape_cast %get3A_354 : vector<16xf32> to vector<1x1x1x16xf32>
        tpu.vector_store %arg11[%swap3A_361, %swap3A_362, %swap3A_363, %swap3A_364], %swap3A_367 {strides = array<i32>} : memref<2x512x2x32xf32, #tpu.memory_space<vmem>>, vector<1x1x1x16xf32>,
        %get3A_368 = arith.index_cast %squeeze3A_350 : i32 to index
        %get3A_369 = arith.constant 16 : index
        %get3A_370 = tpu.vector_load %arg8[%get3A_368, %get3A_369] {strides = array<i32>} : memref<30x32xf32, #tpu.memory_space<vmem>>, vector<1x16xf32>,
        %get3A_371 = vector.shape_cast %get3A_370 : vector<1x16xf32> to vector<16xf32>
        %mul3A_372 = arith.constant 16 : i32
        %mul3A_373 = arith.muli %mul3A_372, %scan3A_129 : i32
        %add3A_374 = arith.constant 6 : i32
        %add3A_375 = arith.addi %mul3A_373, %add3A_374 : i32
        %swap3A_376 = arith.constant 0 : i32
        %swap3A_377 = arith.constant 1 : i32
        %swap3A_378 = arith.index_cast %swap3A_376 : i32 to index
        %swap3A_379 = arith.index_cast %add3A_375 : i32 to index
        %swap3A_380 = arith.index_cast %swap3A_377 : i32 to index
        %swap3A_381 = arith.constant 16 : index
        %swap3A_382 = tpu.vector_load %arg11[%swap3A_378, %swap3A_379, %swap3A_380, %swap3A_381] {strides = array<i32>} : memref<2x512x2x32xf32, #tpu.memory_space<vmem>>, vector<1x1x1x16xf32>,
        %swap3A_383 = vector.shape_cast %swap3A_382 : vector<1x1x1x16xf32> to vector<16xf32>
        %swap3A_384 = vector.shape_cast %get3A_371 : vector<16xf32> to vector<1x1x1x16xf32>
        tpu.vector_store %arg11[%swap3A_378, %swap3A_379, %swap3A_380, %swap3A_381], %swap3A_384 {strides = array<i32>} : memref<2x512x2x32xf32, #tpu.memory_space<vmem>>, vector<1x1x1x16xf32>,
        %slice3A_385 = vector.extract_strided_slice %get3A_135 {offsets = [7], sizes = [1], strides = [1]} : vector<16xi32> to vector<1xi32>
        %squeeze3A_386 = vector.extract %slice3A_385[0] : i32 from vector<1xi32>
        %get3A_387 = arith.index_cast %squeeze3A_386 : i32 to index
        %get3A_388 = arith.constant 0 : index
        %get3A_389 = tpu.vector_load %arg8[%get3A_387, %get3A_388] {strides = array<i32>} : memref<30x32xf32, #tpu.memory_space<vmem>>, vector<1x16xf32>,
        %get3A_390 = vector.shape_cast %get3A_389 : vector<1x16xf32> to vector<16xf32>
        %mul3A_391 = arith.constant 16 : i32
        %mul3A_392 = arith.muli %mul3A_391, %scan3A_129 : i32
        %add3A_393 = arith.constant 7 : i32
        %add3A_394 = arith.addi %mul3A_392, %add3A_393 : i32
        %swap3A_395 = arith.constant 0 : i32
        %swap3A_396 = arith.constant 1 : i32
        %swap3A_397 = arith.index_cast %swap3A_395 : i32 to index
        %swap3A_398 = arith.index_cast %add3A_394 : i32 to index
        %swap3A_399 = arith.index_cast %swap3A_396 : i32 to index
        %swap3A_400 = arith.constant 0 : index
        %swap3A_401 = tpu.vector_load %arg11[%swap3A_397, %swap3A_398, %swap3A_399, %swap3A_400] {strides = array<i32>} : memref<2x512x2x32xf32, #tpu.memory_space<vmem>>, vector<1x1x1x16xf32>,
        %swap3A_402 = vector.shape_cast %swap3A_401 : vector<1x1x1x16xf32> to vector<16xf32>
        %swap3A_403 = vector.shape_cast %get3A_390 : vector<16xf32> to vector<1x1x1x16xf32>
        tpu.vector_store %arg11[%swap3A_397, %swap3A_398, %swap3A_399, %swap3A_400], %swap3A_403 {strides = array<i32>} : memref<2x512x2x32xf32, #tpu.memory_space<vmem>>, vector<1x1x1x16xf32>,
        %get3A_404 = arith.index_cast %squeeze3A_386 : i32 to index
        %get3A_405 = arith.constant 16 : index
        %get3A_406 = tpu.vector_load %arg8[%get3A_404, %get3A_405] {strides = array<i32>} : memref<30x32xf32, #tpu.memory_space<vmem>>, vector<1x16xf32>,
        %get3A_407 = vector.shape_cast %get3A_406 : vector<1x16xf32> to vector<16xf32>
        %mul3A_408 = arith.constant 16 : i32
        %mul3A_409 = arith.muli %mul3A_408, %scan3A_129 : i32
        %add3A_410 = arith.constant 7 : i32
        %add3A_411 = arith.addi %mul3A_409, %add3A_410 : i32
        %swap3A_412 = arith.constant 0 : i32
        %swap3A_413 = arith.constant 1 : i32
        %swap3A_414 = arith.index_cast %swap3A_412 : i32 to index
        %swap3A_415 = arith.index_cast %add3A_411 : i32 to index
        %swap3A_416 = arith.index_cast %swap3A_413 : i32 to index
        %swap3A_417 = arith.constant 16 : index
        %swap3A_418 = tpu.vector_load %arg11[%swap3A_414, %swap3A_415, %swap3A_416, %swap3A_417] {strides = array<i32>} : memref<2x512x2x32xf32, #tpu.memory_space<vmem>>, vector<1x1x1x16xf32>,
        %swap3A_419 = vector.shape_cast %swap3A_418 : vector<1x1x1x16xf32> to vector<16xf32>
        %swap3A_420 = vector.shape_cast %get3A_407 : vector<16xf32> to vector<1x1x1x16xf32>
        tpu.vector_store %arg11[%swap3A_414, %swap3A_415, %swap3A_416, %swap3A_417], %swap3A_420 {strides = array<i32>} : memref<2x512x2x32xf32, #tpu.memory_space<vmem>>, vector<1x1x1x16xf32>,
        %slice3A_421 = vector.extract_strided_slice %get3A_135 {offsets = [8], sizes = [1], strides = [1]} : vector<16xi32> to vector<1xi32>
        %squeeze3A_422 = vector.extract %slice3A_421[0] : i32 from vector<1xi32>
        %get3A_423 = arith.index_cast %squeeze3A_422 : i32 to index
        %get3A_424 = arith.constant 0 : index
        %get3A_425 = tpu.vector_load %arg8[%get3A_423, %get3A_424] {strides = array<i32>} : memref<30x32xf32, #tpu.memory_space<vmem>>, vector<1x16xf32>,
        %get3A_426 = vector.shape_cast %get3A_425 : vector<1x16xf32> to vector<16xf32>
        %mul3A_427 = arith.constant 16 : i32
        %mul3A_428 = arith.muli %mul3A_427, %scan3A_129 : i32
        %add3A_429 = arith.constant 8 : i32
        %add3A_430 = arith.addi %mul3A_428, %add3A_429 : i32
        %swap3A_431 = arith.constant 0 : i32
        %swap3A_432 = arith.constant 1 : i32
        %swap3A_433 = arith.index_cast %swap3A_431 : i32 to index
        %swap3A_434 = arith.index_cast %add3A_430 : i32 to index
        %swap3A_435 = arith.index_cast %swap3A_432 : i32 to index
        %swap3A_436 = arith.constant 0 : index
        %swap3A_437 = tpu.vector_load %arg11[%swap3A_433, %swap3A_434, %swap3A_435, %swap3A_436] {strides = array<i32>} : memref<2x512x2x32xf32, #tpu.memory_space<vmem>>, vector<1x1x1x16xf32>,
        %swap3A_438 = vector.shape_cast %swap3A_437 : vector<1x1x1x16xf32> to vector<16xf32>
        %swap3A_439 = vector.shape_cast %get3A_426 : vector<16xf32> to vector<1x1x1x16xf32>
        tpu.vector_store %arg11[%swap3A_433, %swap3A_434, %swap3A_435, %swap3A_436], %swap3A_439 {strides = array<i32>} : memref<2x512x2x32xf32, #tpu.memory_space<vmem>>, vector<1x1x1x16xf32>,
        %get3A_440 = arith.index_cast %squeeze3A_422 : i32 to index
        %get3A_441 = arith.constant 16 : index
        %get3A_442 = tpu.vector_load %arg8[%get3A_440, %get3A_441] {strides = array<i32>} : memref<30x32xf32, #tpu.memory_space<vmem>>, vector<1x16xf32>,
        %get3A_443 = vector.shape_cast %get3A_442 : vector<1x16xf32> to vector<16xf32>
        %mul3A_444 = arith.constant 16 : i32
        %mul3A_445 = arith.muli %mul3A_444, %scan3A_129 : i32
        %add3A_446 = arith.constant 8 : i32
        %add3A_447 = arith.addi %mul3A_445, %add3A_446 : i32
        %swap3A_448 = arith.constant 0 : i32
        %swap3A_449 = arith.constant 1 : i32
        %swap3A_450 = arith.index_cast %swap3A_448 : i32 to index
        %swap3A_451 = arith.index_cast %add3A_447 : i32 to index
        %swap3A_452 = arith.index_cast %swap3A_449 : i32 to index
        %swap3A_453 = arith.constant 16 : index
        %swap3A_454 = tpu.vector_load %arg11[%swap3A_450, %swap3A_451, %swap3A_452, %swap3A_453] {strides = array<i32>} : memref<2x512x2x32xf32, #tpu.memory_space<vmem>>, vector<1x1x1x16xf32>,
        %swap3A_455 = vector.shape_cast %swap3A_454 : vector<1x1x1x16xf32> to vector<16xf32>
        %swap3A_456 = vector.shape_cast %get3A_443 : vector<16xf32> to vector<1x1x1x16xf32>
        tpu.vector_store %arg11[%swap3A_450, %swap3A_451, %swap3A_452, %swap3A_453], %swap3A_456 {strides = array<i32>} : memref<2x512x2x32xf32, #tpu.memory_space<vmem>>, vector<1x1x1x16xf32>,
        %slice3A_457 = vector.extract_strided_slice %get3A_135 {offsets = [9], sizes = [1], strides = [1]} : vector<16xi32> to vector<1xi32>
        %squeeze3A_458 = vector.extract %slice3A_457[0] : i32 from vector<1xi32>
        %get3A_459 = arith.index_cast %squeeze3A_458 : i32 to index
        %get3A_460 = arith.constant 0 : index
        %get3A_461 = tpu.vector_load %arg8[%get3A_459, %get3A_460] {strides = array<i32>} : memref<30x32xf32, #tpu.memory_space<vmem>>, vector<1x16xf32>,
        %get3A_462 = vector.shape_cast %get3A_461 : vector<1x16xf32> to vector<16xf32>
        %mul3A_463 = arith.constant 16 : i32
        %mul3A_464 = arith.muli %mul3A_463, %scan3A_129 : i32
        %add3A_465 = arith.constant 9 : i32
        %add3A_466 = arith.addi %mul3A_464, %add3A_465 : i32
        %swap3A_467 = arith.constant 0 : i32
        %swap3A_468 = arith.constant 1 : i32
        %swap3A_469 = arith.index_cast %swap3A_467 : i32 to index
        %swap3A_470 = arith.index_cast %add3A_466 : i32 to index
        %swap3A_471 = arith.index_cast %swap3A_468 : i32 to index
        %swap3A_472 = arith.constant 0 : index
        %swap3A_473 = tpu.vector_load %arg11[%swap3A_469, %swap3A_470, %swap3A_471, %swap3A_472] {strides = array<i32>} : memref<2x512x2x32xf32, #tpu.memory_space<vmem>>, vector<1x1x1x16xf32>,
        %swap3A_474 = vector.shape_cast %swap3A_473 : vector<1x1x1x16xf32> to vector<16xf32>
        %swap3A_475 = vector.shape_cast %get3A_462 : vector<16xf32> to vector<1x1x1x16xf32>
        tpu.vector_store %arg11[%swap3A_469, %swap3A_470, %swap3A_471, %swap3A_472], %swap3A_475 {strides = array<i32>} : memref<2x512x2x32xf32, #tpu.memory_space<vmem>>, vector<1x1x1x16xf32>,
        %get3A_476 = arith.index_cast %squeeze3A_458 : i32 to index
        %get3A_477 = arith.constant 16 : index
        %get3A_478 = tpu.vector_load %arg8[%get3A_476, %get3A_477] {strides = array<i32>} : memref<30x32xf32, #tpu.memory_space<vmem>>, vector<1x16xf32>,
        %get3A_479 = vector.shape_cast %get3A_478 : vector<1x16xf32> to vector<16xf32>
        %mul3A_480 = arith.constant 16 : i32
        %mul3A_481 = arith.muli %mul3A_480, %scan3A_129 : i32
        %add3A_482 = arith.constant 9 : i32
        %add3A_483 = arith.addi %mul3A_481, %add3A_482 : i32
        %swap3A_484 = arith.constant 0 : i32
        %swap3A_485 = arith.constant 1 : i32
        %swap3A_486 = arith.index_cast %swap3A_484 : i32 to index
        %swap3A_487 = arith.index_cast %add3A_483 : i32 to index
        %swap3A_488 = arith.index_cast %swap3A_485 : i32 to index
        %swap3A_489 = arith.constant 16 : index
        %swap3A_490 = tpu.vector_load %arg11[%swap3A_486, %swap3A_487, %swap3A_488, %swap3A_489] {strides = array<i32>} : memref<2x512x2x32xf32, #tpu.memory_space<vmem>>, vector<1x1x1x16xf32>,
        %swap3A_491 = vector.shape_cast %swap3A_490 : vector<1x1x1x16xf32> to vector<16xf32>
        %swap3A_492 = vector.shape_cast %get3A_479 : vector<16xf32> to vector<1x1x1x16xf32>
        tpu.vector_store %arg11[%swap3A_486, %swap3A_487, %swap3A_488, %swap3A_489], %swap3A_492 {strides = array<i32>} : memref<2x512x2x32xf32, #tpu.memory_space<vmem>>, vector<1x1x1x16xf32>,
        %slice3A_493 = vector.extract_strided_slice %get3A_135 {offsets = [10], sizes = [1], strides = [1]} : vector<16xi32> to vector<1xi32>
        %squeeze3A_494 = vector.extract %slice3A_493[0] : i32 from vector<1xi32>
        %get3A_495 = arith.index_cast %squeeze3A_494 : i32 to index
        %get3A_496 = arith.constant 0 : index
        %get3A_497 = tpu.vector_load %arg8[%get3A_495, %get3A_496] {strides = array<i32>} : memref<30x32xf32, #tpu.memory_space<vmem>>, vector<1x16xf32>,
        %get3A_498 = vector.shape_cast %get3A_497 : vector<1x16xf32> to vector<16xf32>
        %mul3A_499 = arith.constant 16 : i32
        %mul3A_500 = arith.muli %mul3A_499, %scan3A_129 : i32
        %add3A_501 = arith.constant 10 : i32
        %add3A_502 = arith.addi %mul3A_500, %add3A_501 : i32
        %swap3A_503 = arith.constant 0 : i32
        %swap3A_504 = arith.constant 1 : i32
        %swap3A_505 = arith.index_cast %swap3A_503 : i32 to index
        %swap3A_506 = arith.index_cast %add3A_502 : i32 to index
        %swap3A_507 = arith.index_cast %swap3A_504 : i32 to index
        %swap3A_508 = arith.constant 0 : index
        %swap3A_509 = tpu.vector_load %arg11[%swap3A_505, %swap3A_506, %swap3A_507, %swap3A_508] {strides = array<i32>} : memref<2x512x2x32xf32, #tpu.memory_space<vmem>>, vector<1x1x1x16xf32>,
        %swap3A_510 = vector.shape_cast %swap3A_509 : vector<1x1x1x16xf32> to vector<16xf32>
        %swap3A_511 = vector.shape_cast %get3A_498 : vector<16xf32> to vector<1x1x1x16xf32>
        tpu.vector_store %arg11[%swap3A_505, %swap3A_506, %swap3A_507, %swap3A_508], %swap3A_511 {strides = array<i32>} : memref<2x512x2x32xf32, #tpu.memory_space<vmem>>, vector<1x1x1x16xf32>,
        %get3A_512 = arith.index_cast %squeeze3A_494 : i32 to index
        %get3A_513 = arith.constant 16 : index
        %get3A_514 = tpu.vector_load %arg8[%get3A_512, %get3A_513] {strides = array<i32>} : memref<30x32xf32, #tpu.memory_space<vmem>>, vector<1x16xf32>,
        %get3A_515 = vector.shape_cast %get3A_514 : vector<1x16xf32> to vector<16xf32>
        %mul3A_516 = arith.constant 16 : i32
        %mul3A_517 = arith.muli %mul3A_516, %scan3A_129 : i32
        %add3A_518 = arith.constant 10 : i32
        %add3A_519 = arith.addi %mul3A_517, %add3A_518 : i32
        %swap3A_520 = arith.constant 0 : i32
        %swap3A_521 = arith.constant 1 : i32
        %swap3A_522 = arith.index_cast %swap3A_520 : i32 to index
        %swap3A_523 = arith.index_cast %add3A_519 : i32 to index
        %swap3A_524 = arith.index_cast %swap3A_521 : i32 to index
        %swap3A_525 = arith.constant 16 : index
        %swap3A_526 = tpu.vector_load %arg11[%swap3A_522, %swap3A_523, %swap3A_524, %swap3A_525] {strides = array<i32>} : memref<2x512x2x32xf32, #tpu.memory_space<vmem>>, vector<1x1x1x16xf32>,
        %swap3A_527 = vector.shape_cast %swap3A_526 : vector<1x1x1x16xf32> to vector<16xf32>
        %swap3A_528 = vector.shape_cast %get3A_515 : vector<16xf32> to vector<1x1x1x16xf32>
        tpu.vector_store %arg11[%swap3A_522, %swap3A_523, %swap3A_524, %swap3A_525], %swap3A_528 {strides = array<i32>} : memref<2x512x2x32xf32, #tpu.memory_space<vmem>>, vector<1x1x1x16xf32>,
        %slice3A_529 = vector.extract_strided_slice %get3A_135 {offsets = [11], sizes = [1], strides = [1]} : vector<16xi32> to vector<1xi32>
        %squeeze3A_530 = vector.extract %slice3A_529[0] : i32 from vector<1xi32>
        %get3A_531 = arith.index_cast %squeeze3A_530 : i32 to index
        %get3A_532 = arith.constant 0 : index
        %get3A_533 = tpu.vector_load %arg8[%get3A_531, %get3A_532] {strides = array<i32>} : memref<30x32xf32, #tpu.memory_space<vmem>>, vector<1x16xf32>,
        %get3A_534 = vector.shape_cast %get3A_533 : vector<1x16xf32> to vector<16xf32>
        %mul3A_535 = arith.constant 16 : i32
        %mul3A_536 = arith.muli %mul3A_535, %scan3A_129 : i32
        %add3A_537 = arith.constant 11 : i32
        %add3A_538 = arith.addi %mul3A_536, %add3A_537 : i32
        %swap3A_539 = arith.constant 0 : i32
        %swap3A_540 = arith.constant 1 : i32
        %swap3A_541 = arith.index_cast %swap3A_539 : i32 to index
        %swap3A_542 = arith.index_cast %add3A_538 : i32 to index
        %swap3A_543 = arith.index_cast %swap3A_540 : i32 to index
        %swap3A_544 = arith.constant 0 : index
        %swap3A_545 = tpu.vector_load %arg11[%swap3A_541, %swap3A_542, %swap3A_543, %swap3A_544] {strides = array<i32>} : memref<2x512x2x32xf32, #tpu.memory_space<vmem>>, vector<1x1x1x16xf32>,
        %swap3A_546 = vector.shape_cast %swap3A_545 : vector<1x1x1x16xf32> to vector<16xf32>
        %swap3A_547 = vector.shape_cast %get3A_534 : vector<16xf32> to vector<1x1x1x16xf32>
        tpu.vector_store %arg11[%swap3A_541, %swap3A_542, %swap3A_543, %swap3A_544], %swap3A_547 {strides = array<i32>} : memref<2x512x2x32xf32, #tpu.memory_space<vmem>>, vector<1x1x1x16xf32>,
        %get3A_548 = arith.index_cast %squeeze3A_530 : i32 to index
        %get3A_549 = arith.constant 16 : index
        %get3A_550 = tpu.vector_load %arg8[%get3A_548, %get3A_549] {strides = array<i32>} : memref<30x32xf32, #tpu.memory_space<vmem>>, vector<1x16xf32>,
        %get3A_551 = vector.shape_cast %get3A_550 : vector<1x16xf32> to vector<16xf32>
        %mul3A_552 = arith.constant 16 : i32
        %mul3A_553 = arith.muli %mul3A_552, %scan3A_129 : i32
        %add3A_554 = arith.constant 11 : i32
        %add3A_555 = arith.addi %mul3A_553, %add3A_554 : i32
        %swap3A_556 = arith.constant 0 : i32
        %swap3A_557 = arith.constant 1 : i32
        %swap3A_558 = arith.index_cast %swap3A_556 : i32 to index
        %swap3A_559 = arith.index_cast %add3A_555 : i32 to index
        %swap3A_560 = arith.index_cast %swap3A_557 : i32 to index
        %swap3A_561 = arith.constant 16 : index
        %swap3A_562 = tpu.vector_load %arg11[%swap3A_558, %swap3A_559, %swap3A_560, %swap3A_561] {strides = array<i32>} : memref<2x512x2x32xf32, #tpu.memory_space<vmem>>, vector<1x1x1x16xf32>,
        %swap3A_563 = vector.shape_cast %swap3A_562 : vector<1x1x1x16xf32> to vector<16xf32>
        %swap3A_564 = vector.shape_cast %get3A_551 : vector<16xf32> to vector<1x1x1x16xf32>
        tpu.vector_store %arg11[%swap3A_558, %swap3A_559, %swap3A_560, %swap3A_561], %swap3A_564 {strides = array<i32>} : memref<2x512x2x32xf32, #tpu.memory_space<vmem>>, vector<1x1x1x16xf32>,
        %slice3A_565 = vector.extract_strided_slice %get3A_135 {offsets = [12], sizes = [1], strides = [1]} : vector<16xi32> to vector<1xi32>
        %squeeze3A_566 = vector.extract %slice3A_565[0] : i32 from vector<1xi32>
        %get3A_567 = arith.index_cast %squeeze3A_566 : i32 to index
        %get3A_568 = arith.constant 0 : index
        %get3A_569 = tpu.vector_load %arg8[%get3A_567, %get3A_568] {strides = array<i32>} : memref<30x32xf32, #tpu.memory_space<vmem>>, vector<1x16xf32>,
        %get3A_570 = vector.shape_cast %get3A_569 : vector<1x16xf32> to vector<16xf32>
        %mul3A_571 = arith.constant 16 : i32
        %mul3A_572 = arith.muli %mul3A_571, %scan3A_129 : i32
        %add3A_573 = arith.constant 12 : i32
        %add3A_574 = arith.addi %mul3A_572, %add3A_573 : i32
        %swap3A_575 = arith.constant 0 : i32
        %swap3A_576 = arith.constant 1 : i32
        %swap3A_577 = arith.index_cast %swap3A_575 : i32 to index
        %swap3A_578 = arith.index_cast %add3A_574 : i32 to index
        %swap3A_579 = arith.index_cast %swap3A_576 : i32 to index
        %swap3A_580 = arith.constant 0 : index
        %swap3A_581 = tpu.vector_load %arg11[%swap3A_577, %swap3A_578, %swap3A_579, %swap3A_580] {strides = array<i32>} : memref<2x512x2x32xf32, #tpu.memory_space<vmem>>, vector<1x1x1x16xf32>,
        %swap3A_582 = vector.shape_cast %swap3A_581 : vector<1x1x1x16xf32> to vector<16xf32>
        %swap3A_583 = vector.shape_cast %get3A_570 : vector<16xf32> to vector<1x1x1x16xf32>
        tpu.vector_store %arg11[%swap3A_577, %swap3A_578, %swap3A_579, %swap3A_580], %swap3A_583 {strides = array<i32>} : memref<2x512x2x32xf32, #tpu.memory_space<vmem>>, vector<1x1x1x16xf32>,
        %get3A_584 = arith.index_cast %squeeze3A_566 : i32 to index
        %get3A_585 = arith.constant 16 : index
        %get3A_586 = tpu.vector_load %arg8[%get3A_584, %get3A_585] {strides = array<i32>} : memref<30x32xf32, #tpu.memory_space<vmem>>, vector<1x16xf32>,
        %get3A_587 = vector.shape_cast %get3A_586 : vector<1x16xf32> to vector<16xf32>
        %mul3A_588 = arith.constant 16 : i32
        %mul3A_589 = arith.muli %mul3A_588, %scan3A_129 : i32
        %add3A_590 = arith.constant 12 : i32
        %add3A_591 = arith.addi %mul3A_589, %add3A_590 : i32
        %swap3A_592 = arith.constant 0 : i32
        %swap3A_593 = arith.constant 1 : i32
        %swap3A_594 = arith.index_cast %swap3A_592 : i32 to index
        %swap3A_595 = arith.index_cast %add3A_591 : i32 to index
        %swap3A_596 = arith.index_cast %swap3A_593 : i32 to index
        %swap3A_597 = arith.constant 16 : index
        %swap3A_598 = tpu.vector_load %arg11[%swap3A_594, %swap3A_595, %swap3A_596, %swap3A_597] {strides = array<i32>} : memref<2x512x2x32xf32, #tpu.memory_space<vmem>>, vector<1x1x1x16xf32>,
        %swap3A_599 = vector.shape_cast %swap3A_598 : vector<1x1x1x16xf32> to vector<16xf32>
        %swap3A_600 = vector.shape_cast %get3A_587 : vector<16xf32> to vector<1x1x1x16xf32>
        tpu.vector_store %arg11[%swap3A_594, %swap3A_595, %swap3A_596, %swap3A_597], %swap3A_600 {strides = array<i32>} : memref<2x512x2x32xf32, #tpu.memory_space<vmem>>, vector<1x1x1x16xf32>,
        %slice3A_601 = vector.extract_strided_slice %get3A_135 {offsets = [13], sizes = [1], strides = [1]} : vector<16xi32> to vector<1xi32>
        %squeeze3A_602 = vector.extract %slice3A_601[0] : i32 from vector<1xi32>
        %get3A_603 = arith.index_cast %squeeze3A_602 : i32 to index
        %get3A_604 = arith.constant 0 : index
        %get3A_605 = tpu.vector_load %arg8[%get3A_603, %get3A_604] {strides = array<i32>} : memref<30x32xf32, #tpu.memory_space<vmem>>, vector<1x16xf32>,
        %get3A_606 = vector.shape_cast %get3A_605 : vector<1x16xf32> to vector<16xf32>
        %mul3A_607 = arith.constant 16 : i32
        %mul3A_608 = arith.muli %mul3A_607, %scan3A_129 : i32
        %add3A_609 = arith.constant 13 : i32
        %add3A_610 = arith.addi %mul3A_608, %add3A_609 : i32
        %swap3A_611 = arith.constant 0 : i32
        %swap3A_612 = arith.constant 1 : i32
        %swap3A_613 = arith.index_cast %swap3A_611 : i32 to index
        %swap3A_614 = arith.index_cast %add3A_610 : i32 to index
        %swap3A_615 = arith.index_cast %swap3A_612 : i32 to index
        %swap3A_616 = arith.constant 0 : index
        %swap3A_617 = tpu.vector_load %arg11[%swap3A_613, %swap3A_614, %swap3A_615, %swap3A_616] {strides = array<i32>} : memref<2x512x2x32xf32, #tpu.memory_space<vmem>>, vector<1x1x1x16xf32>,
        %swap3A_618 = vector.shape_cast %swap3A_617 : vector<1x1x1x16xf32> to vector<16xf32>
        %swap3A_619 = vector.shape_cast %get3A_606 : vector<16xf32> to vector<1x1x1x16xf32>
        tpu.vector_store %arg11[%swap3A_613, %swap3A_614, %swap3A_615, %swap3A_616], %swap3A_619 {strides = array<i32>} : memref<2x512x2x32xf32, #tpu.memory_space<vmem>>, vector<1x1x1x16xf32>,
        %get3A_620 = arith.index_cast %squeeze3A_602 : i32 to index
        %get3A_621 = arith.constant 16 : index
        %get3A_622 = tpu.vector_load %arg8[%get3A_620, %get3A_621] {strides = array<i32>} : memref<30x32xf32, #tpu.memory_space<vmem>>, vector<1x16xf32>,
        %get3A_623 = vector.shape_cast %get3A_622 : vector<1x16xf32> to vector<16xf32>
        %mul3A_624 = arith.constant 16 : i32
        %mul3A_625 = arith.muli %mul3A_624, %scan3A_129 : i32
        %add3A_626 = arith.constant 13 : i32
        %add3A_627 = arith.addi %mul3A_625, %add3A_626 : i32
        %swap3A_628 = arith.constant 0 : i32
        %swap3A_629 = arith.constant 1 : i32
        %swap3A_630 = arith.index_cast %swap3A_628 : i32 to index
        %swap3A_631 = arith.index_cast %add3A_627 : i32 to index
        %swap3A_632 = arith.index_cast %swap3A_629 : i32 to index
        %swap3A_633 = arith.constant 16 : index
        %swap3A_634 = tpu.vector_load %arg11[%swap3A_630, %swap3A_631, %swap3A_632, %swap3A_633] {strides = array<i32>} : memref<2x512x2x32xf32, #tpu.memory_space<vmem>>, vector<1x1x1x16xf32>,
        %swap3A_635 = vector.shape_cast %swap3A_634 : vector<1x1x1x16xf32> to vector<16xf32>
        %swap3A_636 = vector.shape_cast %get3A_623 : vector<16xf32> to vector<1x1x1x16xf32>
        tpu.vector_store %arg11[%swap3A_630, %swap3A_631, %swap3A_632, %swap3A_633], %swap3A_636 {strides = array<i32>} : memref<2x512x2x32xf32, #tpu.memory_space<vmem>>, vector<1x1x1x16xf32>,
        %slice3A_637 = vector.extract_strided_slice %get3A_135 {offsets = [14], sizes = [1], strides = [1]} : vector<16xi32> to vector<1xi32>
        %squeeze3A_638 = vector.extract %slice3A_637[0] : i32 from vector<1xi32>
        %get3A_639 = arith.index_cast %squeeze3A_638 : i32 to index
        %get3A_640 = arith.constant 0 : index
        %get3A_641 = tpu.vector_load %arg8[%get3A_639, %get3A_640] {strides = array<i32>} : memref<30x32xf32, #tpu.memory_space<vmem>>, vector<1x16xf32>,
        %get3A_642 = vector.shape_cast %get3A_641 : vector<1x16xf32> to vector<16xf32>
        %mul3A_643 = arith.constant 16 : i32
        %mul3A_644 = arith.muli %mul3A_643, %scan3A_129 : i32
        %add3A_645 = arith.constant 14 : i32
        %add3A_646 = arith.addi %mul3A_644, %add3A_645 : i32
        %swap3A_647 = arith.constant 0 : i32
        %swap3A_648 = arith.constant 1 : i32
        %swap3A_649 = arith.index_cast %swap3A_647 : i32 to index
        %swap3A_650 = arith.index_cast %add3A_646 : i32 to index
        %swap3A_651 = arith.index_cast %swap3A_648 : i32 to index
        %swap3A_652 = arith.constant 0 : index
        %swap3A_653 = tpu.vector_load %arg11[%swap3A_649, %swap3A_650, %swap3A_651, %swap3A_652] {strides = array<i32>} : memref<2x512x2x32xf32, #tpu.memory_space<vmem>>, vector<1x1x1x16xf32>,
        %swap3A_654 = vector.shape_cast %swap3A_653 : vector<1x1x1x16xf32> to vector<16xf32>
        %swap3A_655 = vector.shape_cast %get3A_642 : vector<16xf32> to vector<1x1x1x16xf32>
        tpu.vector_store %arg11[%swap3A_649, %swap3A_650, %swap3A_651, %swap3A_652], %swap3A_655 {strides = array<i32>} : memref<2x512x2x32xf32, #tpu.memory_space<vmem>>, vector<1x1x1x16xf32>,
        %get3A_656 = arith.index_cast %squeeze3A_638 : i32 to index
        %get3A_657 = arith.constant 16 : index
        %get3A_658 = tpu.vector_load %arg8[%get3A_656, %get3A_657] {strides = array<i32>} : memref<30x32xf32, #tpu.memory_space<vmem>>, vector<1x16xf32>,
        %get3A_659 = vector.shape_cast %get3A_658 : vector<1x16xf32> to vector<16xf32>
        %mul3A_660 = arith.constant 16 : i32
        %mul3A_661 = arith.muli %mul3A_660, %scan3A_129 : i32
        %add3A_662 = arith.constant 14 : i32
        %add3A_663 = arith.addi %mul3A_661, %add3A_662 : i32
        %swap3A_664 = arith.constant 0 : i32
        %swap3A_665 = arith.constant 1 : i32
        %swap3A_666 = arith.index_cast %swap3A_664 : i32 to index
        %swap3A_667 = arith.index_cast %add3A_663 : i32 to index
        %swap3A_668 = arith.index_cast %swap3A_665 : i32 to index
        %swap3A_669 = arith.constant 16 : index
        %swap3A_670 = tpu.vector_load %arg11[%swap3A_666, %swap3A_667, %swap3A_668, %swap3A_669] {strides = array<i32>} : memref<2x512x2x32xf32, #tpu.memory_space<vmem>>, vector<1x1x1x16xf32>,
        %swap3A_671 = vector.shape_cast %swap3A_670 : vector<1x1x1x16xf32> to vector<16xf32>
        %swap3A_672 = vector.shape_cast %get3A_659 : vector<16xf32> to vector<1x1x1x16xf32>
        tpu.vector_store %arg11[%swap3A_666, %swap3A_667, %swap3A_668, %swap3A_669], %swap3A_672 {strides = array<i32>} : memref<2x512x2x32xf32, #tpu.memory_space<vmem>>, vector<1x1x1x16xf32>,
        %slice3A_673 = vector.extract_strided_slice %get3A_135 {offsets = [15], sizes = [1], strides = [1]} : vector<16xi32> to vector<1xi32>
        %squeeze3A_674 = vector.extract %slice3A_673[0] : i32 from vector<1xi32>
        %get3A_675 = arith.index_cast %squeeze3A_674 : i32 to index
        %get3A_676 = arith.constant 0 : index
        %get3A_677 = tpu.vector_load %arg8[%get3A_675, %get3A_676] {strides = array<i32>} : memref<30x32xf32, #tpu.memory_space<vmem>>, vector<1x16xf32>,
        %get3A_678 = vector.shape_cast %get3A_677 : vector<1x16xf32> to vector<16xf32>
        %mul3A_679 = arith.constant 16 : i32
        %mul3A_680 = arith.muli %mul3A_679, %scan3A_129 : i32
        %add3A_681 = arith.constant 15 : i32
        %add3A_682 = arith.addi %mul3A_680, %add3A_681 : i32
        %swap3A_683 = arith.constant 0 : i32
        %swap3A_684 = arith.constant 1 : i32
        %swap3A_685 = arith.index_cast %swap3A_683 : i32 to index
        %swap3A_686 = arith.index_cast %add3A_682 : i32 to index
        %swap3A_687 = arith.index_cast %swap3A_684 : i32 to index
        %swap3A_688 = arith.constant 0 : index
        %swap3A_689 = tpu.vector_load %arg11[%swap3A_685, %swap3A_686, %swap3A_687, %swap3A_688] {strides = array<i32>} : memref<2x512x2x32xf32, #tpu.memory_space<vmem>>, vector<1x1x1x16xf32>,
        %swap3A_690 = vector.shape_cast %swap3A_689 : vector<1x1x1x16xf32> to vector<16xf32>
        %swap3A_691 = vector.shape_cast %get3A_678 : vector<16xf32> to vector<1x1x1x16xf32>
        tpu.vector_store %arg11[%swap3A_685, %swap3A_686, %swap3A_687, %swap3A_688], %swap3A_691 {strides = array<i32>} : memref<2x512x2x32xf32, #tpu.memory_space<vmem>>, vector<1x1x1x16xf32>,
        %get3A_692 = arith.index_cast %squeeze3A_674 : i32 to index
        %get3A_693 = arith.constant 16 : index
        %get3A_694 = tpu.vector_load %arg8[%get3A_692, %get3A_693] {strides = array<i32>} : memref<30x32xf32, #tpu.memory_space<vmem>>, vector<1x16xf32>,
        %get3A_695 = vector.shape_cast %get3A_694 : vector<1x16xf32> to vector<16xf32>
        %mul3A_696 = arith.constant 16 : i32
        %mul3A_697 = arith.muli %mul3A_696, %scan3A_129 : i32
        %add3A_698 = arith.constant 15 : i32
        %add3A_699 = arith.addi %mul3A_697, %add3A_698 : i32
        %swap3A_700 = arith.constant 0 : i32
        %swap3A_701 = arith.constant 1 : i32
        %swap3A_702 = arith.index_cast %swap3A_700 : i32 to index
        %swap3A_703 = arith.index_cast %add3A_699 : i32 to index
        %swap3A_704 = arith.index_cast %swap3A_701 : i32 to index
        %swap3A_705 = arith.constant 16 : index
        %swap3A_706 = tpu.vector_load %arg11[%swap3A_702, %swap3A_703, %swap3A_704, %swap3A_705] {strides = array<i32>} : memref<2x512x2x32xf32, #tpu.memory_space<vmem>>, vector<1x1x1x16xf32>,
        %swap3A_707 = vector.shape_cast %swap3A_706 : vector<1x1x1x16xf32> to vector<16xf32>
        %swap3A_708 = vector.shape_cast %get3A_695 : vector<16xf32> to vector<1x1x1x16xf32>
        tpu.vector_store %arg11[%swap3A_702, %swap3A_703, %swap3A_704, %swap3A_705], %swap3A_708 {strides = array<i32>} : memref<2x512x2x32xf32, #tpu.memory_space<vmem>>, vector<1x1x1x16xf32>,
      }
      %scan3A_56 = arith.constant 32 : i32
      %mul3A_57 = arith.constant 512 : i32
      %mul3A_58 = arith.muli %add3A_35, %mul3A_57 : i32
      %add3A_59 = arith.addi %mul3A_2, %mul3A_58 : i32
      %dma_wait3A_60 = arith.constant 0 : i32
      %dma_wait3A_61 = arith.constant 0 : i32
      %dma_wait3A_62 = arith.constant 0 : i32
      %dma_wait3A_63 = arith.constant 0 : i32
      %dma_wait3A_64 = tpu.memref_slice %arg10[%dma_wait3A_60, %dma_wait3A_62, %dma_wait3A_63] : memref<2x512x32xf32, #tpu.memory_space<vmem>> -> memref<1x512x32xf32, #tpu.memory_space<vmem>>
      %dma_wait3A_65 = tpu.memref_squeeze %dma_wait3A_64 : memref<1x512x32xf32, #tpu.memory_space<vmem>> -> memref<512x32xf32, #tpu.memory_space<vmem>>
      %dma_wait3A_66 = tpu.memref_slice %arg7[%mul3A_37] : memref<25600xi32, #tpu.memory_space<vmem>> -> memref<512xi32, #tpu.memory_space<vmem>>
      %dma_wait3A_67 = arith.constant 0 : i32
      %dma_wait3A_68 = arith.constant 0 : i32
      %dma_wait3A_69 = tpu.memref_slice %arg3[%dma_wait3A_67, %dma_wait3A_68] : memref<1000000x32xf32, #tpu.memory_space<hbm>> -> memref<1000000x32xf32, #tpu.memory_space<hbm>>
      %dma_wait3A_70 = tpu.memref_slice %arg12[%dma_wait3A_61] : memref<2x!tpu.dma_semaphore, #tpu.memory_space<semaphore_mem>> -> memref<1x!tpu.dma_semaphore, #tpu.memory_space<semaphore_mem>>
      %dma_wait3A_71 = tpu.memref_squeeze %dma_wait3A_70 : memref<1x!tpu.dma_semaphore, #tpu.memory_space<semaphore_mem>> -> memref<!tpu.dma_semaphore, #tpu.memory_space<semaphore_mem>>
      tpu.wait_indirect_dma semaphore(%dma_wait3A_71 : memref<!tpu.dma_semaphore, #tpu.memory_space<semaphore_mem>>) src(%dma_wait3A_69 : memref<1000000x32xf32, #tpu.memory_space<hbm>>) dst(%dma_wait3A_65 : memref<512x32xf32, #tpu.memory_space<vmem>>)
      %scan3A_72 = arith.constant 0 : i32
      %scan3A_73 = arith.constant 0 : i32
      %scan3A_74 = arith.constant 128 : i32
      %scan3A_75 = arith.addi %scan3A_73, %scan3A_74 : i32
      %scan3A_76 = arith.constant 1 : i32
      scf.for %scan3A_129 = %scan3A_73 to %scan3A_75 step %scan3A_76  : i32 {
        %mul3A_130 = arith.constant 4 : i32
        %mul3A_131 = arith.muli %mul3A_130, %scan3A_129 : i32
        %add3A_132 = arith.constant 0 : i32
        %add3A_133 = arith.addi %mul3A_131, %add3A_132 : i32
        %get3A = arith.constant 0 : i32
        %get3A_134 = arith.index_cast %get3A : i32 to index
        %get3A_135 = arith.index_cast %add3A_133 : i32 to index
        %get3A_136 = arith.constant 0 : index
        %get3A_137 = tpu.vector_load %arg10[%get3A_134, %get3A_135, %get3A_136] {strides = array<i32>} : memref<2x512x32xf32, #tpu.memory_space<vmem>>, vector<1x1x16xf32>,
        %get3A_138 = vector.shape_cast %get3A_137 : vector<1x1x16xf32> to vector<16xf32>
        %mul3A_139 = arith.constant 4 : i32
        %mul3A_140 = arith.muli %mul3A_139, %scan3A_129 : i32
        %add3A_141 = arith.constant 0 : i32
        %add3A_142 = arith.addi %mul3A_140, %add3A_141 : i32
        %swap3A = arith.constant 0 : i32
        %swap3A_143 = arith.constant 0 : i32
        %swap3A_144 = arith.index_cast %swap3A : i32 to index
        %swap3A_145 = arith.index_cast %add3A_142 : i32 to index
        %swap3A_146 = arith.index_cast %swap3A_143 : i32 to index
        %swap3A_147 = arith.constant 0 : index
        %swap3A_148 = tpu.vector_load %arg11[%swap3A_144, %swap3A_145, %swap3A_146, %swap3A_147] {strides = array<i32>} : memref<2x512x2x32xf32, #tpu.memory_space<vmem>>, vector<1x1x1x16xf32>,
        %swap3A_149 = vector.shape_cast %swap3A_148 : vector<1x1x1x16xf32> to vector<16xf32>
        %swap3A_150 = vector.shape_cast %get3A_138 : vector<16xf32> to vector<1x1x1x16xf32>
        tpu.vector_store %arg11[%swap3A_144, %swap3A_145, %swap3A_146, %swap3A_147], %swap3A_150 {strides = array<i32>} : memref<2x512x2x32xf32, #tpu.memory_space<vmem>>, vector<1x1x1x16xf32>,
        %mul3A_151 = arith.constant 4 : i32
        %mul3A_152 = arith.muli %mul3A_151, %scan3A_129 : i32
        %add3A_153 = arith.constant 0 : i32
        %add3A_154 = arith.addi %mul3A_152, %add3A_153 : i32
        %get3A_155 = arith.constant 0 : i32
        %get3A_156 = arith.index_cast %get3A_155 : i32 to index
        %get3A_157 = arith.index_cast %add3A_154 : i32 to index
        %get3A_158 = arith.constant 16 : index
        %get3A_159 = tpu.vector_load %arg10[%get3A_156, %get3A_157, %get3A_158] {strides = array<i32>} : memref<2x512x32xf32, #tpu.memory_space<vmem>>, vector<1x1x16xf32>,
        %get3A_160 = vector.shape_cast %get3A_159 : vector<1x1x16xf32> to vector<16xf32>
        %mul3A_161 = arith.constant 4 : i32
        %mul3A_162 = arith.muli %mul3A_161, %scan3A_129 : i32
        %add3A_163 = arith.constant 0 : i32
        %add3A_164 = arith.addi %mul3A_162, %add3A_163 : i32
        %swap3A_165 = arith.constant 0 : i32
        %swap3A_166 = arith.constant 0 : i32
        %swap3A_167 = arith.index_cast %swap3A_165 : i32 to index
        %swap3A_168 = arith.index_cast %add3A_164 : i32 to index
        %swap3A_169 = arith.index_cast %swap3A_166 : i32 to index
        %swap3A_170 = arith.constant 16 : index
        %swap3A_171 = tpu.vector_load %arg11[%swap3A_167, %swap3A_168, %swap3A_169, %swap3A_170] {strides = array<i32>} : memref<2x512x2x32xf32, #tpu.memory_space<vmem>>, vector<1x1x1x16xf32>,
        %swap3A_172 = vector.shape_cast %swap3A_171 : vector<1x1x1x16xf32> to vector<16xf32>
        %swap3A_173 = vector.shape_cast %get3A_160 : vector<16xf32> to vector<1x1x1x16xf32>
        tpu.vector_store %arg11[%swap3A_167, %swap3A_168, %swap3A_169, %swap3A_170], %swap3A_173 {strides = array<i32>} : memref<2x512x2x32xf32, #tpu.memory_space<vmem>>, vector<1x1x1x16xf32>,
        %mul3A_174 = arith.constant 4 : i32
        %mul3A_175 = arith.muli %mul3A_174, %scan3A_129 : i32
        %add3A_176 = arith.constant 1 : i32
        %add3A_177 = arith.addi %mul3A_175, %add3A_176 : i32
        %get3A_178 = arith.constant 0 : i32
        %get3A_179 = arith.index_cast %get3A_178 : i32 to index
        %get3A_180 = arith.index_cast %add3A_177 : i32 to index
        %get3A_181 = arith.constant 0 : index
        %get3A_182 = tpu.vector_load %arg10[%get3A_179, %get3A_180, %get3A_181] {strides = array<i32>} : memref<2x512x32xf32, #tpu.memory_space<vmem>>, vector<1x1x16xf32>,
        %get3A_183 = vector.shape_cast %get3A_182 : vector<1x1x16xf32> to vector<16xf32>
        %mul3A_184 = arith.constant 4 : i32
        %mul3A_185 = arith.muli %mul3A_184, %scan3A_129 : i32
        %add3A_186 = arith.constant 1 : i32
        %add3A_187 = arith.addi %mul3A_185, %add3A_186 : i32
        %swap3A_188 = arith.constant 0 : i32
        %swap3A_189 = arith.constant 0 : i32
        %swap3A_190 = arith.index_cast %swap3A_188 : i32 to index
        %swap3A_191 = arith.index_cast %add3A_187 : i32 to index
        %swap3A_192 = arith.index_cast %swap3A_189 : i32 to index
        %swap3A_193 = arith.constant 0 : index
        %swap3A_194 = tpu.vector_load %arg11[%swap3A_190, %swap3A_191, %swap3A_192, %swap3A_193] {strides = array<i32>} : memref<2x512x2x32xf32, #tpu.memory_space<vmem>>, vector<1x1x1x16xf32>,
        %swap3A_195 = vector.shape_cast %swap3A_194 : vector<1x1x1x16xf32> to vector<16xf32>
        %swap3A_196 = vector.shape_cast %get3A_183 : vector<16xf32> to vector<1x1x1x16xf32>
        tpu.vector_store %arg11[%swap3A_190, %swap3A_191, %swap3A_192, %swap3A_193], %swap3A_196 {strides = array<i32>} : memref<2x512x2x32xf32, #tpu.memory_space<vmem>>, vector<1x1x1x16xf32>,
        %mul3A_197 = arith.constant 4 : i32
        %mul3A_198 = arith.muli %mul3A_197, %scan3A_129 : i32
        %add3A_199 = arith.constant 1 : i32
        %add3A_200 = arith.addi %mul3A_198, %add3A_199 : i32
        %get3A_201 = arith.constant 0 : i32
        %get3A_202 = arith.index_cast %get3A_201 : i32 to index
        %get3A_203 = arith.index_cast %add3A_200 : i32 to index
        %get3A_204 = arith.constant 16 : index
        %get3A_205 = tpu.vector_load %arg10[%get3A_202, %get3A_203, %get3A_204] {strides = array<i32>} : memref<2x512x32xf32, #tpu.memory_space<vmem>>, vector<1x1x16xf32>,
        %get3A_206 = vector.shape_cast %get3A_205 : vector<1x1x16xf32> to vector<16xf32>
        %mul3A_207 = arith.constant 4 : i32
        %mul3A_208 = arith.muli %mul3A_207, %scan3A_129 : i32
        %add3A_209 = arith.constant 1 : i32
        %add3A_210 = arith.addi %mul3A_208, %add3A_209 : i32
        %swap3A_211 = arith.constant 0 : i32
        %swap3A_212 = arith.constant 0 : i32
        %swap3A_213 = arith.index_cast %swap3A_211 : i32 to index
        %swap3A_214 = arith.index_cast %add3A_210 : i32 to index
        %swap3A_215 = arith.index_cast %swap3A_212 : i32 to index
        %swap3A_216 = arith.constant 16 : index
        %swap3A_217 = tpu.vector_load %arg11[%swap3A_213, %swap3A_214, %swap3A_215, %swap3A_216] {strides = array<i32>} : memref<2x512x2x32xf32, #tpu.memory_space<vmem>>, vector<1x1x1x16xf32>,
        %swap3A_218 = vector.shape_cast %swap3A_217 : vector<1x1x1x16xf32> to vector<16xf32>
        %swap3A_219 = vector.shape_cast %get3A_206 : vector<16xf32> to vector<1x1x1x16xf32>
        tpu.vector_store %arg11[%swap3A_213, %swap3A_214, %swap3A_215, %swap3A_216], %swap3A_219 {strides = array<i32>} : memref<2x512x2x32xf32, #tpu.memory_space<vmem>>, vector<1x1x1x16xf32>,
        %mul3A_220 = arith.constant 4 : i32
        %mul3A_221 = arith.muli %mul3A_220, %scan3A_129 : i32
        %add3A_222 = arith.constant 2 : i32
        %add3A_223 = arith.addi %mul3A_221, %add3A_222 : i32
        %get3A_224 = arith.constant 0 : i32
        %get3A_225 = arith.index_cast %get3A_224 : i32 to index
        %get3A_226 = arith.index_cast %add3A_223 : i32 to index
        %get3A_227 = arith.constant 0 : index
        %get3A_228 = tpu.vector_load %arg10[%get3A_225, %get3A_226, %get3A_227] {strides = array<i32>} : memref<2x512x32xf32, #tpu.memory_space<vmem>>, vector<1x1x16xf32>,
        %get3A_229 = vector.shape_cast %get3A_228 : vector<1x1x16xf32> to vector<16xf32>
        %mul3A_230 = arith.constant 4 : i32
        %mul3A_231 = arith.muli %mul3A_230, %scan3A_129 : i32
        %add3A_232 = arith.constant 2 : i32
        %add3A_233 = arith.addi %mul3A_231, %add3A_232 : i32
        %swap3A_234 = arith.constant 0 : i32
        %swap3A_235 = arith.constant 0 : i32
        %swap3A_236 = arith.index_cast %swap3A_234 : i32 to index
        %swap3A_237 = arith.index_cast %add3A_233 : i32 to index
        %swap3A_238 = arith.index_cast %swap3A_235 : i32 to index
        %swap3A_239 = arith.constant 0 : index
        %swap3A_240 = tpu.vector_load %arg11[%swap3A_236, %swap3A_237, %swap3A_238, %swap3A_239] {strides = array<i32>} : memref<2x512x2x32xf32, #tpu.memory_space<vmem>>, vector<1x1x1x16xf32>,
        %swap3A_241 = vector.shape_cast %swap3A_240 : vector<1x1x1x16xf32> to vector<16xf32>
        %swap3A_242 = vector.shape_cast %get3A_229 : vector<16xf32> to vector<1x1x1x16xf32>
        tpu.vector_store %arg11[%swap3A_236, %swap3A_237, %swap3A_238, %swap3A_239], %swap3A_242 {strides = array<i32>} : memref<2x512x2x32xf32, #tpu.memory_space<vmem>>, vector<1x1x1x16xf32>,
        %mul3A_243 = arith.constant 4 : i32
        %mul3A_244 = arith.muli %mul3A_243, %scan3A_129 : i32
        %add3A_245 = arith.constant 2 : i32
        %add3A_246 = arith.addi %mul3A_244, %add3A_245 : i32
        %get3A_247 = arith.constant 0 : i32
        %get3A_248 = arith.index_cast %get3A_247 : i32 to index
        %get3A_249 = arith.index_cast %add3A_246 : i32 to index
        %get3A_250 = arith.constant 16 : index
        %get3A_251 = tpu.vector_load %arg10[%get3A_248, %get3A_249, %get3A_250] {strides = array<i32>} : memref<2x512x32xf32, #tpu.memory_space<vmem>>, vector<1x1x16xf32>,
        %get3A_252 = vector.shape_cast %get3A_251 : vector<1x1x16xf32> to vector<16xf32>
        %mul3A_253 = arith.constant 4 : i32
        %mul3A_254 = arith.muli %mul3A_253, %scan3A_129 : i32
        %add3A_255 = arith.constant 2 : i32
        %add3A_256 = arith.addi %mul3A_254, %add3A_255 : i32
        %swap3A_257 = arith.constant 0 : i32
        %swap3A_258 = arith.constant 0 : i32
        %swap3A_259 = arith.index_cast %swap3A_257 : i32 to index
        %swap3A_260 = arith.index_cast %add3A_256 : i32 to index
        %swap3A_261 = arith.index_cast %swap3A_258 : i32 to index
        %swap3A_262 = arith.constant 16 : index
        %swap3A_263 = tpu.vector_load %arg11[%swap3A_259, %swap3A_260, %swap3A_261, %swap3A_262] {strides = array<i32>} : memref<2x512x2x32xf32, #tpu.memory_space<vmem>>, vector<1x1x1x16xf32>,
        %swap3A_264 = vector.shape_cast %swap3A_263 : vector<1x1x1x16xf32> to vector<16xf32>
        %swap3A_265 = vector.shape_cast %get3A_252 : vector<16xf32> to vector<1x1x1x16xf32>
        tpu.vector_store %arg11[%swap3A_259, %swap3A_260, %swap3A_261, %swap3A_262], %swap3A_265 {strides = array<i32>} : memref<2x512x2x32xf32, #tpu.memory_space<vmem>>, vector<1x1x1x16xf32>,
        %mul3A_266 = arith.constant 4 : i32
        %mul3A_267 = arith.muli %mul3A_266, %scan3A_129 : i32
        %add3A_268 = arith.constant 3 : i32
        %add3A_269 = arith.addi %mul3A_267, %add3A_268 : i32
        %get3A_270 = arith.constant 0 : i32
        %get3A_271 = arith.index_cast %get3A_270 : i32 to index
        %get3A_272 = arith.index_cast %add3A_269 : i32 to index
        %get3A_273 = arith.constant 0 : index
        %get3A_274 = tpu.vector_load %arg10[%get3A_271, %get3A_272, %get3A_273] {strides = array<i32>} : memref<2x512x32xf32, #tpu.memory_space<vmem>>, vector<1x1x16xf32>,
        %get3A_275 = vector.shape_cast %get3A_274 : vector<1x1x16xf32> to vector<16xf32>
        %mul3A_276 = arith.constant 4 : i32
        %mul3A_277 = arith.muli %mul3A_276, %scan3A_129 : i32
        %add3A_278 = arith.constant 3 : i32
        %add3A_279 = arith.addi %mul3A_277, %add3A_278 : i32
        %swap3A_280 = arith.constant 0 : i32
        %swap3A_281 = arith.constant 0 : i32
        %swap3A_282 = arith.index_cast %swap3A_280 : i32 to index
        %swap3A_283 = arith.index_cast %add3A_279 : i32 to index
        %swap3A_284 = arith.index_cast %swap3A_281 : i32 to index
        %swap3A_285 = arith.constant 0 : index
        %swap3A_286 = tpu.vector_load %arg11[%swap3A_282, %swap3A_283, %swap3A_284, %swap3A_285] {strides = array<i32>} : memref<2x512x2x32xf32, #tpu.memory_space<vmem>>, vector<1x1x1x16xf32>,
        %swap3A_287 = vector.shape_cast %swap3A_286 : vector<1x1x1x16xf32> to vector<16xf32>
        %swap3A_288 = vector.shape_cast %get3A_275 : vector<16xf32> to vector<1x1x1x16xf32>
        tpu.vector_store %arg11[%swap3A_282, %swap3A_283, %swap3A_284, %swap3A_285], %swap3A_288 {strides = array<i32>} : memref<2x512x2x32xf32, #tpu.memory_space<vmem>>, vector<1x1x1x16xf32>,
        %mul3A_289 = arith.constant 4 : i32
        %mul3A_290 = arith.muli %mul3A_289, %scan3A_129 : i32
        %add3A_291 = arith.constant 3 : i32
        %add3A_292 = arith.addi %mul3A_290, %add3A_291 : i32
        %get3A_293 = arith.constant 0 : i32
        %get3A_294 = arith.index_cast %get3A_293 : i32 to index
        %get3A_295 = arith.index_cast %add3A_292 : i32 to index
        %get3A_296 = arith.constant 16 : index
        %get3A_297 = tpu.vector_load %arg10[%get3A_294, %get3A_295, %get3A_296] {strides = array<i32>} : memref<2x512x32xf32, #tpu.memory_space<vmem>>, vector<1x1x16xf32>,
        %get3A_298 = vector.shape_cast %get3A_297 : vector<1x1x16xf32> to vector<16xf32>
        %mul3A_299 = arith.constant 4 : i32
        %mul3A_300 = arith.muli %mul3A_299, %scan3A_129 : i32
        %add3A_301 = arith.constant 3 : i32
        %add3A_302 = arith.addi %mul3A_300, %add3A_301 : i32
        %swap3A_303 = arith.constant 0 : i32
        %swap3A_304 = arith.constant 0 : i32
        %swap3A_305 = arith.index_cast %swap3A_303 : i32 to index
        %swap3A_306 = arith.index_cast %add3A_302 : i32 to index
        %swap3A_307 = arith.index_cast %swap3A_304 : i32 to index
        %swap3A_308 = arith.constant 16 : index
        %swap3A_309 = tpu.vector_load %arg11[%swap3A_305, %swap3A_306, %swap3A_307, %swap3A_308] {strides = array<i32>} : memref<2x512x2x32xf32, #tpu.memory_space<vmem>>, vector<1x1x1x16xf32>,
        %swap3A_310 = vector.shape_cast %swap3A_309 : vector<1x1x1x16xf32> to vector<16xf32>
        %swap3A_311 = vector.shape_cast %get3A_298 : vector<16xf32> to vector<1x1x1x16xf32>
        tpu.vector_store %arg11[%swap3A_305, %swap3A_306, %swap3A_307, %swap3A_308], %swap3A_311 {strides = array<i32>} : memref<2x512x2x32xf32, #tpu.memory_space<vmem>>, vector<1x1x1x16xf32>,
      }
      %scan3A_77 = arith.constant 128 : i32
      %run_scoped3A = arith.constant 0 : i32
      "tpu.region"() ({
        %run_scoped3A_129 = tpu.sem_alloc : memref<!tpu.dma_semaphore, #tpu.memory_space<semaphore_mem>>
        %dma_start3A_130 = arith.constant 0 : i32
        %dma_start3A_131 = arith.constant 0 : i32
        %dma_start3A_132 = arith.constant 0 : i32
        %dma_start3A_133 = tpu.memref_slice %arg11[%run_scoped3A, %dma_start3A_130, %dma_start3A_131, %dma_start3A_132] : memref<2x512x2x32xf32, #tpu.memory_space<vmem>> -> memref<1x512x2x32xf32, #tpu.memory_space<vmem>>
        %dma_start3A_134 = tpu.memref_squeeze %dma_start3A_133 : memref<1x512x2x32xf32, #tpu.memory_space<vmem>> -> memref<512x2x32xf32, #tpu.memory_space<vmem>>
        %dma_start3A_135 = arith.constant 0 : i32
        %dma_start3A_136 = arith.constant 0 : i32
        %dma_start3A_137 = tpu.memref_slice %arg6[%add3A_59, %dma_start3A_135, %dma_start3A_136] : memref<819200x2x32xf32, #tpu.memory_space<hbm>> -> memref<512x2x32xf32, #tpu.memory_space<hbm>>
        %dma_start3A_138 = arith.constant 0 : i32
        %dma_start3A_139 = arith.constant 0 : i32
        %dma_start3A_140 = tpu.memref_slice %arg6[%add3A_59, %dma_start3A_138, %dma_start3A_139] : memref<819200x2x32xf32, #tpu.memory_space<hbm>> -> memref<512x2x32xf32, #tpu.memory_space<hbm>>
        %dma_start3A_141 = arith.constant 0 : i32
        %dma_start3A_142 = arith.constant 0 : i32
        %dma_start3A_143 = arith.constant 0 : i32
        %dma_start3A_144 = tpu.memref_slice %arg11[%run_scoped3A, %dma_start3A_141, %dma_start3A_142, %dma_start3A_143] : memref<2x512x2x32xf32, #tpu.memory_space<vmem>> -> memref<1x512x2x32xf32, #tpu.memory_space<vmem>>
        %dma_start3A_145 = tpu.memref_squeeze %dma_start3A_144 : memref<1x512x2x32xf32, #tpu.memory_space<vmem>> -> memref<512x2x32xf32, #tpu.memory_space<vmem>>
        tpu.enqueue_dma source(%dma_start3A_145 : memref<512x2x32xf32, #tpu.memory_space<vmem>>) target(%dma_start3A_140 : memref<512x2x32xf32, #tpu.memory_space<hbm>>) target_semaphore(%run_scoped3A_129 : memref<!tpu.dma_semaphore, #tpu.memory_space<semaphore_mem>>)
        %dma_wait3A_146 = arith.constant 0 : i32
        %dma_wait3A_147 = arith.constant 0 : i32
        %dma_wait3A_148 = arith.constant 0 : i32
        %dma_wait3A_149 = tpu.memref_slice %arg11[%run_scoped3A, %dma_wait3A_146, %dma_wait3A_147, %dma_wait3A_148] : memref<2x512x2x32xf32, #tpu.memory_space<vmem>> -> memref<1x512x2x32xf32, #tpu.memory_space<vmem>>
        %dma_wait3A_150 = tpu.memref_squeeze %dma_wait3A_149 : memref<1x512x2x32xf32, #tpu.memory_space<vmem>> -> memref<512x2x32xf32, #tpu.memory_space<vmem>>
        %dma_wait3A_151 = arith.constant 0 : i32
        %dma_wait3A_152 = arith.constant 0 : i32
        %dma_wait3A_153 = tpu.memref_slice %arg6[%add3A_59, %dma_wait3A_151, %dma_wait3A_152] : memref<819200x2x32xf32, #tpu.memory_space<hbm>> -> memref<512x2x32xf32, #tpu.memory_space<hbm>>
        %dma_wait3A_154 = arith.constant 0 : i32
        %dma_wait3A_155 = arith.constant 0 : i32
        %dma_wait3A_156 = tpu.memref_slice %arg6[%add3A_59, %dma_wait3A_154, %dma_wait3A_155] : memref<819200x2x32xf32, #tpu.memory_space<hbm>> -> memref<512x2x32xf32, #tpu.memory_space<hbm>>
        %dma_wait3A_157 = arith.constant 0 : i32
        %dma_wait3A_158 = arith.constant 0 : i32
        %dma_wait3A_159 = arith.constant 0 : i32
        %dma_wait3A_160 = tpu.memref_slice %arg11[%run_scoped3A, %dma_wait3A_157, %dma_wait3A_158, %dma_wait3A_159] : memref<2x512x2x32xf32, #tpu.memory_space<vmem>> -> memref<1x512x2x32xf32, #tpu.memory_space<vmem>>
        %dma_wait3A_161 = tpu.memref_squeeze %dma_wait3A_160 : memref<1x512x2x32xf32, #tpu.memory_space<vmem>> -> memref<512x2x32xf32, #tpu.memory_space<vmem>>
        tpu.wait_dma2 semaphore(%run_scoped3A_129 : memref<!tpu.dma_semaphore, #tpu.memory_space<semaphore_mem>>) src(%dma_wait3A_161 : memref<512x2x32xf32, #tpu.memory_space<vmem>>) dst(%dma_wait3A_156 : memref<512x2x32xf32, #tpu.memory_space<hbm>>)
        tpu.yield
      }) : () -> ()
      %mul3A_78 = arith.constant 2 : i32
      %mul3A_79 = arith.muli %mul3A_78, %scan3A_31 : i32
      %add3A_80 = arith.constant 1 : i32
      %add3A_81 = arith.addi %mul3A_79, %add3A_80 : i32
      %mul3A_82 = arith.constant 512 : i32
      %mul3A_83 = arith.muli %add3A_81, %mul3A_82 : i32
      %add3A_84 = arith.constant 1 : i32
      %add3A_85 = arith.addi %add3A_81, %add3A_84 : i32
      %lt3A_86 = arith.constant 50 : i32
      %lt3A_87 = arith.cmpi slt, %add3A_85, %lt3A_86 : i32
      %convert_element_type3A_88 = arith.extui %lt3A_87 : i1 to i32
      %cond3A_89 = arith.constant 0 : i32
      %cond3A_90 = arith.cmpi ne, %convert_element_type3A_88, %cond3A_89 : i32
      scf.if %cond3A_90 {
        %add3A_129 = arith.constant 1 : i32
        %add3A_130 = arith.addi %add3A_81, %add3A_129 : i32
        %mul3A_131 = arith.constant 512 : i32
        %mul3A_132 = arith.muli %add3A_130, %mul3A_131 : i32
        %dma_start3A_133 = arith.constant 0 : i32
        %dma_start3A_134 = arith.constant 0 : i32
        %dma_start3A_135 = arith.constant 0 : i32
        %dma_start3A_136 = tpu.memref_slice %arg9[%dma_start3A_133, %dma_start3A_135] : memref<2x512xi32, #tpu.memory_space<vmem>> -> memref<1x512xi32, #tpu.memory_space<vmem>>
        %dma_start3A_137 = tpu.memref_squeeze %dma_start3A_136 : memref<1x512xi32, #tpu.memory_space<vmem>> -> memref<512xi32, #tpu.memory_space<vmem>>
        %dma_start3A_138 = tpu.memref_slice %arg7[%mul3A_132] : memref<25600xi32, #tpu.memory_space<vmem>> -> memref<512xi32, #tpu.memory_space<vmem>>
        %dma_start3A_139 = arith.constant 0 : i32
        %dma_start3A_140 = tpu.memref_slice %arg5[%dma_start3A_139] : memref<1000000xi32, #tpu.memory_space<hbm>> -> memref<1000000xi32, #tpu.memory_space<hbm>>
        %dma_start3A_141 = tpu.memref_slice %arg13[%dma_start3A_134] : memref<2x!tpu.dma_semaphore, #tpu.memory_space<semaphore_mem>> -> memref<1x!tpu.dma_semaphore, #tpu.memory_space<semaphore_mem>>
        %dma_start3A_142 = tpu.memref_squeeze %dma_start3A_141 : memref<1x!tpu.dma_semaphore, #tpu.memory_space<semaphore_mem>> -> memref<!tpu.dma_semaphore, #tpu.memory_space<semaphore_mem>>
        tpu.enqueue_indirect_dma source(%dma_start3A_140 : memref<1000000xi32, #tpu.memory_space<hbm>>) target(%dma_start3A_137 : memref<512xi32, #tpu.memory_space<vmem>>) offsets(%dma_start3A_138 : memref<512xi32, #tpu.memory_space<vmem>>) semaphore(%dma_start3A_142 : memref<!tpu.dma_semaphore, #tpu.memory_space<semaphore_mem>>)
        %dma_start3A_143 = arith.constant 0 : i32
        %dma_start3A_144 = arith.constant 0 : i32
        %dma_start3A_145 = arith.constant 0 : i32
        %dma_start3A_146 = arith.constant 0 : i32
        %dma_start3A_147 = tpu.memref_slice %arg10[%dma_start3A_143, %dma_start3A_145, %dma_start3A_146] : memref<2x512x32xf32, #tpu.memory_space<vmem>> -> memref<1x512x32xf32, #tpu.memory_space<vmem>>
        %dma_start3A_148 = tpu.memref_squeeze %dma_start3A_147 : memref<1x512x32xf32, #tpu.memory_space<vmem>> -> memref<512x32xf32, #tpu.memory_space<vmem>>
        %dma_start3A_149 = tpu.memref_slice %arg7[%mul3A_132] : memref<25600xi32, #tpu.memory_space<vmem>> -> memref<512xi32, #tpu.memory_space<vmem>>
        %dma_start3A_150 = arith.constant 0 : i32
        %dma_start3A_151 = arith.constant 0 : i32
        %dma_start3A_152 = tpu.memref_slice %arg3[%dma_start3A_150, %dma_start3A_151] : memref<1000000x32xf32, #tpu.memory_space<hbm>> -> memref<1000000x32xf32, #tpu.memory_space<hbm>>
        %dma_start3A_153 = tpu.memref_slice %arg12[%dma_start3A_144] : memref<2x!tpu.dma_semaphore, #tpu.memory_space<semaphore_mem>> -> memref<1x!tpu.dma_semaphore, #tpu.memory_space<semaphore_mem>>
        %dma_start3A_154 = tpu.memref_squeeze %dma_start3A_153 : memref<1x!tpu.dma_semaphore, #tpu.memory_space<semaphore_mem>> -> memref<!tpu.dma_semaphore, #tpu.memory_space<semaphore_mem>>
        tpu.enqueue_indirect_dma source(%dma_start3A_152 : memref<1000000x32xf32, #tpu.memory_space<hbm>>) target(%dma_start3A_148 : memref<512x32xf32, #tpu.memory_space<vmem>>) offsets(%dma_start3A_149 : memref<512xi32, #tpu.memory_space<vmem>>) semaphore(%dma_start3A_154 : memref<!tpu.dma_semaphore, #tpu.memory_space<semaphore_mem>>)
      } else {
      }
      %dma_wait3A_91 = arith.constant 1 : i32
      %dma_wait3A_92 = arith.constant 1 : i32
      %dma_wait3A_93 = arith.constant 0 : i32
      %dma_wait3A_94 = tpu.memref_slice %arg9[%dma_wait3A_91, %dma_wait3A_93] : memref<2x512xi32, #tpu.memory_space<vmem>> -> memref<1x512xi32, #tpu.memory_space<vmem>>
      %dma_wait3A_95 = tpu.memref_squeeze %dma_wait3A_94 : memref<1x512xi32, #tpu.memory_space<vmem>> -> memref<512xi32, #tpu.memory_space<vmem>>
      %dma_wait3A_96 = tpu.memref_slice %arg7[%mul3A_83] : memref<25600xi32, #tpu.memory_space<vmem>> -> memref<512xi32, #tpu.memory_space<vmem>>
      %dma_wait3A_97 = arith.constant 0 : i32
      %dma_wait3A_98 = tpu.memref_slice %arg5[%dma_wait3A_97] : memref<1000000xi32, #tpu.memory_space<hbm>> -> memref<1000000xi32, #tpu.memory_space<hbm>>
      %dma_wait3A_99 = tpu.memref_slice %arg13[%dma_wait3A_92] : memref<2x!tpu.dma_semaphore, #tpu.memory_space<semaphore_mem>> -> memref<1x!tpu.dma_semaphore, #tpu.memory_space<semaphore_mem>>
      %dma_wait3A_100 = tpu.memref_squeeze %dma_wait3A_99 : memref<1x!tpu.dma_semaphore, #tpu.memory_space<semaphore_mem>> -> memref<!tpu.dma_semaphore, #tpu.memory_space<semaphore_mem>>
      tpu.wait_indirect_dma semaphore(%dma_wait3A_100 : memref<!tpu.dma_semaphore, #tpu.memory_space<semaphore_mem>>) src(%dma_wait3A_98 : memref<1000000xi32, #tpu.memory_space<hbm>>) dst(%dma_wait3A_95 : memref<512xi32, #tpu.memory_space<vmem>>)
      %scan3A_101 = arith.constant 0 : i32
      %scan3A_102 = arith.constant 0 : i32
      %scan3A_103 = arith.constant 32 : i32
      %scan3A_104 = arith.addi %scan3A_102, %scan3A_103 : i32
      %scan3A_105 = arith.constant 1 : i32
      scf.for %scan3A_129 = %scan3A_102 to %scan3A_104 step %scan3A_105  : i32 {
        %mul3A_130 = arith.constant 16 : i32
        %mul3A_131 = arith.muli %mul3A_130, %scan3A_129 : i32
        %get3A = arith.constant 1 : i32
        %get3A_132 = arith.index_cast %get3A : i32 to index
        %get3A_133 = arith.index_cast %mul3A_131 : i32 to index
        %get3A_134 = tpu.vector_load %arg9[%get3A_132, %get3A_133] {strides = array<i32>} : memref<2x512xi32, #tpu.memory_space<vmem>>, vector<1x16xi32>,
        %get3A_135 = vector.shape_cast %get3A_134 : vector<1x16xi32> to vector<16xi32>
        %slice3A = vector.extract_strided_slice %get3A_135 {offsets = [0], sizes = [1], strides = [1]} : vector<16xi32> to vector<1xi32>
        %squeeze3A = vector.extract %slice3A[0] : i32 from vector<1xi32>
        %get3A_136 = arith.index_cast %squeeze3A : i32 to index
        %get3A_137 = arith.constant 0 : index
        %get3A_138 = tpu.vector_load %arg8[%get3A_136, %get3A_137] {strides = array<i32>} : memref<30x32xf32, #tpu.memory_space<vmem>>, vector<1x16xf32>,
        %get3A_139 = vector.shape_cast %get3A_138 : vector<1x16xf32> to vector<16xf32>
        %mul3A_140 = arith.constant 16 : i32
        %mul3A_141 = arith.muli %mul3A_140, %scan3A_129 : i32
        %add3A_142 = arith.constant 0 : i32
        %add3A_143 = arith.addi %mul3A_141, %add3A_142 : i32
        %swap3A = arith.constant 1 : i32
        %swap3A_144 = arith.constant 1 : i32
        %swap3A_145 = arith.index_cast %swap3A : i32 to index
        %swap3A_146 = arith.index_cast %add3A_143 : i32 to index
        %swap3A_147 = arith.index_cast %swap3A_144 : i32 to index
        %swap3A_148 = arith.constant 0 : index
        %swap3A_149 = tpu.vector_load %arg11[%swap3A_145, %swap3A_146, %swap3A_147, %swap3A_148] {strides = array<i32>} : memref<2x512x2x32xf32, #tpu.memory_space<vmem>>, vector<1x1x1x16xf32>,
        %swap3A_150 = vector.shape_cast %swap3A_149 : vector<1x1x1x16xf32> to vector<16xf32>
        %swap3A_151 = vector.shape_cast %get3A_139 : vector<16xf32> to vector<1x1x1x16xf32>
        tpu.vector_store %arg11[%swap3A_145, %swap3A_146, %swap3A_147, %swap3A_148], %swap3A_151 {strides = array<i32>} : memref<2x512x2x32xf32, #tpu.memory_space<vmem>>, vector<1x1x1x16xf32>,
        %get3A_152 = arith.index_cast %squeeze3A : i32 to index
        %get3A_153 = arith.constant 16 : index
        %get3A_154 = tpu.vector_load %arg8[%get3A_152, %get3A_153] {strides = array<i32>} : memref<30x32xf32, #tpu.memory_space<vmem>>, vector<1x16xf32>,
        %get3A_155 = vector.shape_cast %get3A_154 : vector<1x16xf32> to vector<16xf32>
        %mul3A_156 = arith.constant 16 : i32
        %mul3A_157 = arith.muli %mul3A_156, %scan3A_129 : i32
        %add3A_158 = arith.constant 0 : i32
        %add3A_159 = arith.addi %mul3A_157, %add3A_158 : i32
        %swap3A_160 = arith.constant 1 : i32
        %swap3A_161 = arith.constant 1 : i32
        %swap3A_162 = arith.index_cast %swap3A_160 : i32 to index
        %swap3A_163 = arith.index_cast %add3A_159 : i32 to index
        %swap3A_164 = arith.index_cast %swap3A_161 : i32 to index
        %swap3A_165 = arith.constant 16 : index
        %swap3A_166 = tpu.vector_load %arg11[%swap3A_162, %swap3A_163, %swap3A_164, %swap3A_165] {strides = array<i32>} : memref<2x512x2x32xf32, #tpu.memory_space<vmem>>, vector<1x1x1x16xf32>,
        %swap3A_167 = vector.shape_cast %swap3A_166 : vector<1x1x1x16xf32> to vector<16xf32>
        %swap3A_168 = vector.shape_cast %get3A_155 : vector<16xf32> to vector<1x1x1x16xf32>
        tpu.vector_store %arg11[%swap3A_162, %swap3A_163, %swap3A_164, %swap3A_165], %swap3A_168 {strides = array<i32>} : memref<2x512x2x32xf32, #tpu.memory_space<vmem>>, vector<1x1x1x16xf32>,
        %slice3A_169 = vector.extract_strided_slice %get3A_135 {offsets = [1], sizes = [1], strides = [1]} : vector<16xi32> to vector<1xi32>
        %squeeze3A_170 = vector.extract %slice3A_169[0] : i32 from vector<1xi32>
        %get3A_171 = arith.index_cast %squeeze3A_170 : i32 to index
        %get3A_172 = arith.constant 0 : index
        %get3A_173 = tpu.vector_load %arg8[%get3A_171, %get3A_172] {strides = array<i32>} : memref<30x32xf32, #tpu.memory_space<vmem>>, vector<1x16xf32>,
        %get3A_174 = vector.shape_cast %get3A_173 : vector<1x16xf32> to vector<16xf32>
        %mul3A_175 = arith.constant 16 : i32
        %mul3A_176 = arith.muli %mul3A_175, %scan3A_129 : i32
        %add3A_177 = arith.constant 1 : i32
        %add3A_178 = arith.addi %mul3A_176, %add3A_177 : i32
        %swap3A_179 = arith.constant 1 : i32
        %swap3A_180 = arith.constant 1 : i32
        %swap3A_181 = arith.index_cast %swap3A_179 : i32 to index
        %swap3A_182 = arith.index_cast %add3A_178 : i32 to index
        %swap3A_183 = arith.index_cast %swap3A_180 : i32 to index
        %swap3A_184 = arith.constant 0 : index
        %swap3A_185 = tpu.vector_load %arg11[%swap3A_181, %swap3A_182, %swap3A_183, %swap3A_184] {strides = array<i32>} : memref<2x512x2x32xf32, #tpu.memory_space<vmem>>, vector<1x1x1x16xf32>,
        %swap3A_186 = vector.shape_cast %swap3A_185 : vector<1x1x1x16xf32> to vector<16xf32>
        %swap3A_187 = vector.shape_cast %get3A_174 : vector<16xf32> to vector<1x1x1x16xf32>
        tpu.vector_store %arg11[%swap3A_181, %swap3A_182, %swap3A_183, %swap3A_184], %swap3A_187 {strides = array<i32>} : memref<2x512x2x32xf32, #tpu.memory_space<vmem>>, vector<1x1x1x16xf32>,
        %get3A_188 = arith.index_cast %squeeze3A_170 : i32 to index
        %get3A_189 = arith.constant 16 : index
        %get3A_190 = tpu.vector_load %arg8[%get3A_188, %get3A_189] {strides = array<i32>} : memref<30x32xf32, #tpu.memory_space<vmem>>, vector<1x16xf32>,
        %get3A_191 = vector.shape_cast %get3A_190 : vector<1x16xf32> to vector<16xf32>
        %mul3A_192 = arith.constant 16 : i32
        %mul3A_193 = arith.muli %mul3A_192, %scan3A_129 : i32
        %add3A_194 = arith.constant 1 : i32
        %add3A_195 = arith.addi %mul3A_193, %add3A_194 : i32
        %swap3A_196 = arith.constant 1 : i32
        %swap3A_197 = arith.constant 1 : i32
        %swap3A_198 = arith.index_cast %swap3A_196 : i32 to index
        %swap3A_199 = arith.index_cast %add3A_195 : i32 to index
        %swap3A_200 = arith.index_cast %swap3A_197 : i32 to index
        %swap3A_201 = arith.constant 16 : index
        %swap3A_202 = tpu.vector_load %arg11[%swap3A_198, %swap3A_199, %swap3A_200, %swap3A_201] {strides = array<i32>} : memref<2x512x2x32xf32, #tpu.memory_space<vmem>>, vector<1x1x1x16xf32>,
        %swap3A_203 = vector.shape_cast %swap3A_202 : vector<1x1x1x16xf32> to vector<16xf32>
        %swap3A_204 = vector.shape_cast %get3A_191 : vector<16xf32> to vector<1x1x1x16xf32>
        tpu.vector_store %arg11[%swap3A_198, %swap3A_199, %swap3A_200, %swap3A_201], %swap3A_204 {strides = array<i32>} : memref<2x512x2x32xf32, #tpu.memory_space<vmem>>, vector<1x1x1x16xf32>,
        %slice3A_205 = vector.extract_strided_slice %get3A_135 {offsets = [2], sizes = [1], strides = [1]} : vector<16xi32> to vector<1xi32>
        %squeeze3A_206 = vector.extract %slice3A_205[0] : i32 from vector<1xi32>
        %get3A_207 = arith.index_cast %squeeze3A_206 : i32 to index
        %get3A_208 = arith.constant 0 : index
        %get3A_209 = tpu.vector_load %arg8[%get3A_207, %get3A_208] {strides = array<i32>} : memref<30x32xf32, #tpu.memory_space<vmem>>, vector<1x16xf32>,
        %get3A_210 = vector.shape_cast %get3A_209 : vector<1x16xf32> to vector<16xf32>
        %mul3A_211 = arith.constant 16 : i32
        %mul3A_212 = arith.muli %mul3A_211, %scan3A_129 : i32
        %add3A_213 = arith.constant 2 : i32
        %add3A_214 = arith.addi %mul3A_212, %add3A_213 : i32
        %swap3A_215 = arith.constant 1 : i32
        %swap3A_216 = arith.constant 1 : i32
        %swap3A_217 = arith.index_cast %swap3A_215 : i32 to index
        %swap3A_218 = arith.index_cast %add3A_214 : i32 to index
        %swap3A_219 = arith.index_cast %swap3A_216 : i32 to index
        %swap3A_220 = arith.constant 0 : index
        %swap3A_221 = tpu.vector_load %arg11[%swap3A_217, %swap3A_218, %swap3A_219, %swap3A_220] {strides = array<i32>} : memref<2x512x2x32xf32, #tpu.memory_space<vmem>>, vector<1x1x1x16xf32>,
        %swap3A_222 = vector.shape_cast %swap3A_221 : vector<1x1x1x16xf32> to vector<16xf32>
        %swap3A_223 = vector.shape_cast %get3A_210 : vector<16xf32> to vector<1x1x1x16xf32>
        tpu.vector_store %arg11[%swap3A_217, %swap3A_218, %swap3A_219, %swap3A_220], %swap3A_223 {strides = array<i32>} : memref<2x512x2x32xf32, #tpu.memory_space<vmem>>, vector<1x1x1x16xf32>,
        %get3A_224 = arith.index_cast %squeeze3A_206 : i32 to index
        %get3A_225 = arith.constant 16 : index
        %get3A_226 = tpu.vector_load %arg8[%get3A_224, %get3A_225] {strides = array<i32>} : memref<30x32xf32, #tpu.memory_space<vmem>>, vector<1x16xf32>,
        %get3A_227 = vector.shape_cast %get3A_226 : vector<1x16xf32> to vector<16xf32>
        %mul3A_228 = arith.constant 16 : i32
        %mul3A_229 = arith.muli %mul3A_228, %scan3A_129 : i32
        %add3A_230 = arith.constant 2 : i32
        %add3A_231 = arith.addi %mul3A_229, %add3A_230 : i32
        %swap3A_232 = arith.constant 1 : i32
        %swap3A_233 = arith.constant 1 : i32
        %swap3A_234 = arith.index_cast %swap3A_232 : i32 to index
        %swap3A_235 = arith.index_cast %add3A_231 : i32 to index
        %swap3A_236 = arith.index_cast %swap3A_233 : i32 to index
        %swap3A_237 = arith.constant 16 : index
        %swap3A_238 = tpu.vector_load %arg11[%swap3A_234, %swap3A_235, %swap3A_236, %swap3A_237] {strides = array<i32>} : memref<2x512x2x32xf32, #tpu.memory_space<vmem>>, vector<1x1x1x16xf32>,
        %swap3A_239 = vector.shape_cast %swap3A_238 : vector<1x1x1x16xf32> to vector<16xf32>
        %swap3A_240 = vector.shape_cast %get3A_227 : vector<16xf32> to vector<1x1x1x16xf32>
        tpu.vector_store %arg11[%swap3A_234, %swap3A_235, %swap3A_236, %swap3A_237], %swap3A_240 {strides = array<i32>} : memref<2x512x2x32xf32, #tpu.memory_space<vmem>>, vector<1x1x1x16xf32>,
        %slice3A_241 = vector.extract_strided_slice %get3A_135 {offsets = [3], sizes = [1], strides = [1]} : vector<16xi32> to vector<1xi32>
        %squeeze3A_242 = vector.extract %slice3A_241[0] : i32 from vector<1xi32>
        %get3A_243 = arith.index_cast %squeeze3A_242 : i32 to index
        %get3A_244 = arith.constant 0 : index
        %get3A_245 = tpu.vector_load %arg8[%get3A_243, %get3A_244] {strides = array<i32>} : memref<30x32xf32, #tpu.memory_space<vmem>>, vector<1x16xf32>,
        %get3A_246 = vector.shape_cast %get3A_245 : vector<1x16xf32> to vector<16xf32>
        %mul3A_247 = arith.constant 16 : i32
        %mul3A_248 = arith.muli %mul3A_247, %scan3A_129 : i32
        %add3A_249 = arith.constant 3 : i32
        %add3A_250 = arith.addi %mul3A_248, %add3A_249 : i32
        %swap3A_251 = arith.constant 1 : i32
        %swap3A_252 = arith.constant 1 : i32
        %swap3A_253 = arith.index_cast %swap3A_251 : i32 to index
        %swap3A_254 = arith.index_cast %add3A_250 : i32 to index
        %swap3A_255 = arith.index_cast %swap3A_252 : i32 to index
        %swap3A_256 = arith.constant 0 : index
        %swap3A_257 = tpu.vector_load %arg11[%swap3A_253, %swap3A_254, %swap3A_255, %swap3A_256] {strides = array<i32>} : memref<2x512x2x32xf32, #tpu.memory_space<vmem>>, vector<1x1x1x16xf32>,
        %swap3A_258 = vector.shape_cast %swap3A_257 : vector<1x1x1x16xf32> to vector<16xf32>
        %swap3A_259 = vector.shape_cast %get3A_246 : vector<16xf32> to vector<1x1x1x16xf32>
        tpu.vector_store %arg11[%swap3A_253, %swap3A_254, %swap3A_255, %swap3A_256], %swap3A_259 {strides = array<i32>} : memref<2x512x2x32xf32, #tpu.memory_space<vmem>>, vector<1x1x1x16xf32>,
        %get3A_260 = arith.index_cast %squeeze3A_242 : i32 to index
        %get3A_261 = arith.constant 16 : index
        %get3A_262 = tpu.vector_load %arg8[%get3A_260, %get3A_261] {strides = array<i32>} : memref<30x32xf32, #tpu.memory_space<vmem>>, vector<1x16xf32>,
        %get3A_263 = vector.shape_cast %get3A_262 : vector<1x16xf32> to vector<16xf32>
        %mul3A_264 = arith.constant 16 : i32
        %mul3A_265 = arith.muli %mul3A_264, %scan3A_129 : i32
        %add3A_266 = arith.constant 3 : i32
        %add3A_267 = arith.addi %mul3A_265, %add3A_266 : i32
        %swap3A_268 = arith.constant 1 : i32
        %swap3A_269 = arith.constant 1 : i32
        %swap3A_270 = arith.index_cast %swap3A_268 : i32 to index
        %swap3A_271 = arith.index_cast %add3A_267 : i32 to index
        %swap3A_272 = arith.index_cast %swap3A_269 : i32 to index
        %swap3A_273 = arith.constant 16 : index
        %swap3A_274 = tpu.vector_load %arg11[%swap3A_270, %swap3A_271, %swap3A_272, %swap3A_273] {strides = array<i32>} : memref<2x512x2x32xf32, #tpu.memory_space<vmem>>, vector<1x1x1x16xf32>,
        %swap3A_275 = vector.shape_cast %swap3A_274 : vector<1x1x1x16xf32> to vector<16xf32>
        %swap3A_276 = vector.shape_cast %get3A_263 : vector<16xf32> to vector<1x1x1x16xf32>
        tpu.vector_store %arg11[%swap3A_270, %swap3A_271, %swap3A_272, %swap3A_273], %swap3A_276 {strides = array<i32>} : memref<2x512x2x32xf32, #tpu.memory_space<vmem>>, vector<1x1x1x16xf32>,
        %slice3A_277 = vector.extract_strided_slice %get3A_135 {offsets = [4], sizes = [1], strides = [1]} : vector<16xi32> to vector<1xi32>
        %squeeze3A_278 = vector.extract %slice3A_277[0] : i32 from vector<1xi32>
        %get3A_279 = arith.index_cast %squeeze3A_278 : i32 to index
        %get3A_280 = arith.constant 0 : index
        %get3A_281 = tpu.vector_load %arg8[%get3A_279, %get3A_280] {strides = array<i32>} : memref<30x32xf32, #tpu.memory_space<vmem>>, vector<1x16xf32>,
        %get3A_282 = vector.shape_cast %get3A_281 : vector<1x16xf32> to vector<16xf32>
        %mul3A_283 = arith.constant 16 : i32
        %mul3A_284 = arith.muli %mul3A_283, %scan3A_129 : i32
        %add3A_285 = arith.constant 4 : i32
        %add3A_286 = arith.addi %mul3A_284, %add3A_285 : i32
        %swap3A_287 = arith.constant 1 : i32
        %swap3A_288 = arith.constant 1 : i32
        %swap3A_289 = arith.index_cast %swap3A_287 : i32 to index
        %swap3A_290 = arith.index_cast %add3A_286 : i32 to index
        %swap3A_291 = arith.index_cast %swap3A_288 : i32 to index
        %swap3A_292 = arith.constant 0 : index
        %swap3A_293 = tpu.vector_load %arg11[%swap3A_289, %swap3A_290, %swap3A_291, %swap3A_292] {strides = array<i32>} : memref<2x512x2x32xf32, #tpu.memory_space<vmem>>, vector<1x1x1x16xf32>,
        %swap3A_294 = vector.shape_cast %swap3A_293 : vector<1x1x1x16xf32> to vector<16xf32>
        %swap3A_295 = vector.shape_cast %get3A_282 : vector<16xf32> to vector<1x1x1x16xf32>
        tpu.vector_store %arg11[%swap3A_289, %swap3A_290, %swap3A_291, %swap3A_292], %swap3A_295 {strides = array<i32>} : memref<2x512x2x32xf32, #tpu.memory_space<vmem>>, vector<1x1x1x16xf32>,
        %get3A_296 = arith.index_cast %squeeze3A_278 : i32 to index
        %get3A_297 = arith.constant 16 : index
        %get3A_298 = tpu.vector_load %arg8[%get3A_296, %get3A_297] {strides = array<i32>} : memref<30x32xf32, #tpu.memory_space<vmem>>, vector<1x16xf32>,
        %get3A_299 = vector.shape_cast %get3A_298 : vector<1x16xf32> to vector<16xf32>
        %mul3A_300 = arith.constant 16 : i32
        %mul3A_301 = arith.muli %mul3A_300, %scan3A_129 : i32
        %add3A_302 = arith.constant 4 : i32
        %add3A_303 = arith.addi %mul3A_301, %add3A_302 : i32
        %swap3A_304 = arith.constant 1 : i32
        %swap3A_305 = arith.constant 1 : i32
        %swap3A_306 = arith.index_cast %swap3A_304 : i32 to index
        %swap3A_307 = arith.index_cast %add3A_303 : i32 to index
        %swap3A_308 = arith.index_cast %swap3A_305 : i32 to index
        %swap3A_309 = arith.constant 16 : index
        %swap3A_310 = tpu.vector_load %arg11[%swap3A_306, %swap3A_307, %swap3A_308, %swap3A_309] {strides = array<i32>} : memref<2x512x2x32xf32, #tpu.memory_space<vmem>>, vector<1x1x1x16xf32>,
        %swap3A_311 = vector.shape_cast %swap3A_310 : vector<1x1x1x16xf32> to vector<16xf32>
        %swap3A_312 = vector.shape_cast %get3A_299 : vector<16xf32> to vector<1x1x1x16xf32>
        tpu.vector_store %arg11[%swap3A_306, %swap3A_307, %swap3A_308, %swap3A_309], %swap3A_312 {strides = array<i32>} : memref<2x512x2x32xf32, #tpu.memory_space<vmem>>, vector<1x1x1x16xf32>,
        %slice3A_313 = vector.extract_strided_slice %get3A_135 {offsets = [5], sizes = [1], strides = [1]} : vector<16xi32> to vector<1xi32>
        %squeeze3A_314 = vector.extract %slice3A_313[0] : i32 from vector<1xi32>
        %get3A_315 = arith.index_cast %squeeze3A_314 : i32 to index
        %get3A_316 = arith.constant 0 : index
        %get3A_317 = tpu.vector_load %arg8[%get3A_315, %get3A_316] {strides = array<i32>} : memref<30x32xf32, #tpu.memory_space<vmem>>, vector<1x16xf32>,
        %get3A_318 = vector.shape_cast %get3A_317 : vector<1x16xf32> to vector<16xf32>
        %mul3A_319 = arith.constant 16 : i32
        %mul3A_320 = arith.muli %mul3A_319, %scan3A_129 : i32
        %add3A_321 = arith.constant 5 : i32
        %add3A_322 = arith.addi %mul3A_320, %add3A_321 : i32
        %swap3A_323 = arith.constant 1 : i32
        %swap3A_324 = arith.constant 1 : i32
        %swap3A_325 = arith.index_cast %swap3A_323 : i32 to index
        %swap3A_326 = arith.index_cast %add3A_322 : i32 to index
        %swap3A_327 = arith.index_cast %swap3A_324 : i32 to index
        %swap3A_328 = arith.constant 0 : index
        %swap3A_329 = tpu.vector_load %arg11[%swap3A_325, %swap3A_326, %swap3A_327, %swap3A_328] {strides = array<i32>} : memref<2x512x2x32xf32, #tpu.memory_space<vmem>>, vector<1x1x1x16xf32>,
        %swap3A_330 = vector.shape_cast %swap3A_329 : vector<1x1x1x16xf32> to vector<16xf32>
        %swap3A_331 = vector.shape_cast %get3A_318 : vector<16xf32> to vector<1x1x1x16xf32>
        tpu.vector_store %arg11[%swap3A_325, %swap3A_326, %swap3A_327, %swap3A_328], %swap3A_331 {strides = array<i32>} : memref<2x512x2x32xf32, #tpu.memory_space<vmem>>, vector<1x1x1x16xf32>,
        %get3A_332 = arith.index_cast %squeeze3A_314 : i32 to index
        %get3A_333 = arith.constant 16 : index
        %get3A_334 = tpu.vector_load %arg8[%get3A_332, %get3A_333] {strides = array<i32>} : memref<30x32xf32, #tpu.memory_space<vmem>>, vector<1x16xf32>,
        %get3A_335 = vector.shape_cast %get3A_334 : vector<1x16xf32> to vector<16xf32>
        %mul3A_336 = arith.constant 16 : i32
        %mul3A_337 = arith.muli %mul3A_336, %scan3A_129 : i32
        %add3A_338 = arith.constant 5 : i32
        %add3A_339 = arith.addi %mul3A_337, %add3A_338 : i32
        %swap3A_340 = arith.constant 1 : i32
        %swap3A_341 = arith.constant 1 : i32
        %swap3A_342 = arith.index_cast %swap3A_340 : i32 to index
        %swap3A_343 = arith.index_cast %add3A_339 : i32 to index
        %swap3A_344 = arith.index_cast %swap3A_341 : i32 to index
        %swap3A_345 = arith.constant 16 : index
        %swap3A_346 = tpu.vector_load %arg11[%swap3A_342, %swap3A_343, %swap3A_344, %swap3A_345] {strides = array<i32>} : memref<2x512x2x32xf32, #tpu.memory_space<vmem>>, vector<1x1x1x16xf32>,
        %swap3A_347 = vector.shape_cast %swap3A_346 : vector<1x1x1x16xf32> to vector<16xf32>
        %swap3A_348 = vector.shape_cast %get3A_335 : vector<16xf32> to vector<1x1x1x16xf32>
        tpu.vector_store %arg11[%swap3A_342, %swap3A_343, %swap3A_344, %swap3A_345], %swap3A_348 {strides = array<i32>} : memref<2x512x2x32xf32, #tpu.memory_space<vmem>>, vector<1x1x1x16xf32>,
        %slice3A_349 = vector.extract_strided_slice %get3A_135 {offsets = [6], sizes = [1], strides = [1]} : vector<16xi32> to vector<1xi32>
        %squeeze3A_350 = vector.extract %slice3A_349[0] : i32 from vector<1xi32>
        %get3A_351 = arith.index_cast %squeeze3A_350 : i32 to index
        %get3A_352 = arith.constant 0 : index
        %get3A_353 = tpu.vector_load %arg8[%get3A_351, %get3A_352] {strides = array<i32>} : memref<30x32xf32, #tpu.memory_space<vmem>>, vector<1x16xf32>,
        %get3A_354 = vector.shape_cast %get3A_353 : vector<1x16xf32> to vector<16xf32>
        %mul3A_355 = arith.constant 16 : i32
        %mul3A_356 = arith.muli %mul3A_355, %scan3A_129 : i32
        %add3A_357 = arith.constant 6 : i32
        %add3A_358 = arith.addi %mul3A_356, %add3A_357 : i32
        %swap3A_359 = arith.constant 1 : i32
        %swap3A_360 = arith.constant 1 : i32
        %swap3A_361 = arith.index_cast %swap3A_359 : i32 to index
        %swap3A_362 = arith.index_cast %add3A_358 : i32 to index
        %swap3A_363 = arith.index_cast %swap3A_360 : i32 to index
        %swap3A_364 = arith.constant 0 : index
        %swap3A_365 = tpu.vector_load %arg11[%swap3A_361, %swap3A_362, %swap3A_363, %swap3A_364] {strides = array<i32>} : memref<2x512x2x32xf32, #tpu.memory_space<vmem>>, vector<1x1x1x16xf32>,
        %swap3A_366 = vector.shape_cast %swap3A_365 : vector<1x1x1x16xf32> to vector<16xf32>
        %swap3A_367 = vector.shape_cast %get3A_354 : vector<16xf32> to vector<1x1x1x16xf32>
        tpu.vector_store %arg11[%swap3A_361, %swap3A_362, %swap3A_363, %swap3A_364], %swap3A_367 {strides = array<i32>} : memref<2x512x2x32xf32, #tpu.memory_space<vmem>>, vector<1x1x1x16xf32>,
        %get3A_368 = arith.index_cast %squeeze3A_350 : i32 to index
        %get3A_369 = arith.constant 16 : index
        %get3A_370 = tpu.vector_load %arg8[%get3A_368, %get3A_369] {strides = array<i32>} : memref<30x32xf32, #tpu.memory_space<vmem>>, vector<1x16xf32>,
        %get3A_371 = vector.shape_cast %get3A_370 : vector<1x16xf32> to vector<16xf32>
        %mul3A_372 = arith.constant 16 : i32
        %mul3A_373 = arith.muli %mul3A_372, %scan3A_129 : i32
        %add3A_374 = arith.constant 6 : i32
        %add3A_375 = arith.addi %mul3A_373, %add3A_374 : i32
        %swap3A_376 = arith.constant 1 : i32
        %swap3A_377 = arith.constant 1 : i32
        %swap3A_378 = arith.index_cast %swap3A_376 : i32 to index
        %swap3A_379 = arith.index_cast %add3A_375 : i32 to index
        %swap3A_380 = arith.index_cast %swap3A_377 : i32 to index
        %swap3A_381 = arith.constant 16 : index
        %swap3A_382 = tpu.vector_load %arg11[%swap3A_378, %swap3A_379, %swap3A_380, %swap3A_381] {strides = array<i32>} : memref<2x512x2x32xf32, #tpu.memory_space<vmem>>, vector<1x1x1x16xf32>,
        %swap3A_383 = vector.shape_cast %swap3A_382 : vector<1x1x1x16xf32> to vector<16xf32>
        %swap3A_384 = vector.shape_cast %get3A_371 : vector<16xf32> to vector<1x1x1x16xf32>
        tpu.vector_store %arg11[%swap3A_378, %swap3A_379, %swap3A_380, %swap3A_381], %swap3A_384 {strides = array<i32>} : memref<2x512x2x32xf32, #tpu.memory_space<vmem>>, vector<1x1x1x16xf32>,
        %slice3A_385 = vector.extract_strided_slice %get3A_135 {offsets = [7], sizes = [1], strides = [1]} : vector<16xi32> to vector<1xi32>
        %squeeze3A_386 = vector.extract %slice3A_385[0] : i32 from vector<1xi32>
        %get3A_387 = arith.index_cast %squeeze3A_386 : i32 to index
        %get3A_388 = arith.constant 0 : index
        %get3A_389 = tpu.vector_load %arg8[%get3A_387, %get3A_388] {strides = array<i32>} : memref<30x32xf32, #tpu.memory_space<vmem>>, vector<1x16xf32>,
        %get3A_390 = vector.shape_cast %get3A_389 : vector<1x16xf32> to vector<16xf32>
        %mul3A_391 = arith.constant 16 : i32
        %mul3A_392 = arith.muli %mul3A_391, %scan3A_129 : i32
        %add3A_393 = arith.constant 7 : i32
        %add3A_394 = arith.addi %mul3A_392, %add3A_393 : i32
        %swap3A_395 = arith.constant 1 : i32
        %swap3A_396 = arith.constant 1 : i32
        %swap3A_397 = arith.index_cast %swap3A_395 : i32 to index
        %swap3A_398 = arith.index_cast %add3A_394 : i32 to index
        %swap3A_399 = arith.index_cast %swap3A_396 : i32 to index
        %swap3A_400 = arith.constant 0 : index
        %swap3A_401 = tpu.vector_load %arg11[%swap3A_397, %swap3A_398, %swap3A_399, %swap3A_400] {strides = array<i32>} : memref<2x512x2x32xf32, #tpu.memory_space<vmem>>, vector<1x1x1x16xf32>,
        %swap3A_402 = vector.shape_cast %swap3A_401 : vector<1x1x1x16xf32> to vector<16xf32>
        %swap3A_403 = vector.shape_cast %get3A_390 : vector<16xf32> to vector<1x1x1x16xf32>
        tpu.vector_store %arg11[%swap3A_397, %swap3A_398, %swap3A_399, %swap3A_400], %swap3A_403 {strides = array<i32>} : memref<2x512x2x32xf32, #tpu.memory_space<vmem>>, vector<1x1x1x16xf32>,
        %get3A_404 = arith.index_cast %squeeze3A_386 : i32 to index
        %get3A_405 = arith.constant 16 : index
        %get3A_406 = tpu.vector_load %arg8[%get3A_404, %get3A_405] {strides = array<i32>} : memref<30x32xf32, #tpu.memory_space<vmem>>, vector<1x16xf32>,
        %get3A_407 = vector.shape_cast %get3A_406 : vector<1x16xf32> to vector<16xf32>
        %mul3A_408 = arith.constant 16 : i32
        %mul3A_409 = arith.muli %mul3A_408, %scan3A_129 : i32
        %add3A_410 = arith.constant 7 : i32
        %add3A_411 = arith.addi %mul3A_409, %add3A_410 : i32
        %swap3A_412 = arith.constant 1 : i32
        %swap3A_413 = arith.constant 1 : i32
        %swap3A_414 = arith.index_cast %swap3A_412 : i32 to index
        %swap3A_415 = arith.index_cast %add3A_411 : i32 to index
        %swap3A_416 = arith.index_cast %swap3A_413 : i32 to index
        %swap3A_417 = arith.constant 16 : index
        %swap3A_418 = tpu.vector_load %arg11[%swap3A_414, %swap3A_415, %swap3A_416, %swap3A_417] {strides = array<i32>} : memref<2x512x2x32xf32, #tpu.memory_space<vmem>>, vector<1x1x1x16xf32>,
        %swap3A_419 = vector.shape_cast %swap3A_418 : vector<1x1x1x16xf32> to vector<16xf32>
        %swap3A_420 = vector.shape_cast %get3A_407 : vector<16xf32> to vector<1x1x1x16xf32>
        tpu.vector_store %arg11[%swap3A_414, %swap3A_415, %swap3A_416, %swap3A_417], %swap3A_420 {strides = array<i32>} : memref<2x512x2x32xf32, #tpu.memory_space<vmem>>, vector<1x1x1x16xf32>,
        %slice3A_421 = vector.extract_strided_slice %get3A_135 {offsets = [8], sizes = [1], strides = [1]} : vector<16xi32> to vector<1xi32>
        %squeeze3A_422 = vector.extract %slice3A_421[0] : i32 from vector<1xi32>
        %get3A_423 = arith.index_cast %squeeze3A_422 : i32 to index
        %get3A_424 = arith.constant 0 : index
        %get3A_425 = tpu.vector_load %arg8[%get3A_423, %get3A_424] {strides = array<i32>} : memref<30x32xf32, #tpu.memory_space<vmem>>, vector<1x16xf32>,
        %get3A_426 = vector.shape_cast %get3A_425 : vector<1x16xf32> to vector<16xf32>
        %mul3A_427 = arith.constant 16 : i32
        %mul3A_428 = arith.muli %mul3A_427, %scan3A_129 : i32
        %add3A_429 = arith.constant 8 : i32
        %add3A_430 = arith.addi %mul3A_428, %add3A_429 : i32
        %swap3A_431 = arith.constant 1 : i32
        %swap3A_432 = arith.constant 1 : i32
        %swap3A_433 = arith.index_cast %swap3A_431 : i32 to index
        %swap3A_434 = arith.index_cast %add3A_430 : i32 to index
        %swap3A_435 = arith.index_cast %swap3A_432 : i32 to index
        %swap3A_436 = arith.constant 0 : index
        %swap3A_437 = tpu.vector_load %arg11[%swap3A_433, %swap3A_434, %swap3A_435, %swap3A_436] {strides = array<i32>} : memref<2x512x2x32xf32, #tpu.memory_space<vmem>>, vector<1x1x1x16xf32>,
        %swap3A_438 = vector.shape_cast %swap3A_437 : vector<1x1x1x16xf32> to vector<16xf32>
        %swap3A_439 = vector.shape_cast %get3A_426 : vector<16xf32> to vector<1x1x1x16xf32>
        tpu.vector_store %arg11[%swap3A_433, %swap3A_434, %swap3A_435, %swap3A_436], %swap3A_439 {strides = array<i32>} : memref<2x512x2x32xf32, #tpu.memory_space<vmem>>, vector<1x1x1x16xf32>,
        %get3A_440 = arith.index_cast %squeeze3A_422 : i32 to index
        %get3A_441 = arith.constant 16 : index
        %get3A_442 = tpu.vector_load %arg8[%get3A_440, %get3A_441] {strides = array<i32>} : memref<30x32xf32, #tpu.memory_space<vmem>>, vector<1x16xf32>,
        %get3A_443 = vector.shape_cast %get3A_442 : vector<1x16xf32> to vector<16xf32>
        %mul3A_444 = arith.constant 16 : i32
        %mul3A_445 = arith.muli %mul3A_444, %scan3A_129 : i32
        %add3A_446 = arith.constant 8 : i32
        %add3A_447 = arith.addi %mul3A_445, %add3A_446 : i32
        %swap3A_448 = arith.constant 1 : i32
        %swap3A_449 = arith.constant 1 : i32
        %swap3A_450 = arith.index_cast %swap3A_448 : i32 to index
        %swap3A_451 = arith.index_cast %add3A_447 : i32 to index
        %swap3A_452 = arith.index_cast %swap3A_449 : i32 to index
        %swap3A_453 = arith.constant 16 : index
        %swap3A_454 = tpu.vector_load %arg11[%swap3A_450, %swap3A_451, %swap3A_452, %swap3A_453] {strides = array<i32>} : memref<2x512x2x32xf32, #tpu.memory_space<vmem>>, vector<1x1x1x16xf32>,
        %swap3A_455 = vector.shape_cast %swap3A_454 : vector<1x1x1x16xf32> to vector<16xf32>
        %swap3A_456 = vector.shape_cast %get3A_443 : vector<16xf32> to vector<1x1x1x16xf32>
        tpu.vector_store %arg11[%swap3A_450, %swap3A_451, %swap3A_452, %swap3A_453], %swap3A_456 {strides = array<i32>} : memref<2x512x2x32xf32, #tpu.memory_space<vmem>>, vector<1x1x1x16xf32>,
        %slice3A_457 = vector.extract_strided_slice %get3A_135 {offsets = [9], sizes = [1], strides = [1]} : vector<16xi32> to vector<1xi32>
        %squeeze3A_458 = vector.extract %slice3A_457[0] : i32 from vector<1xi32>
        %get3A_459 = arith.index_cast %squeeze3A_458 : i32 to index
        %get3A_460 = arith.constant 0 : index
        %get3A_461 = tpu.vector_load %arg8[%get3A_459, %get3A_460] {strides = array<i32>} : memref<30x32xf32, #tpu.memory_space<vmem>>, vector<1x16xf32>,
        %get3A_462 = vector.shape_cast %get3A_461 : vector<1x16xf32> to vector<16xf32>
        %mul3A_463 = arith.constant 16 : i32
        %mul3A_464 = arith.muli %mul3A_463, %scan3A_129 : i32
        %add3A_465 = arith.constant 9 : i32
        %add3A_466 = arith.addi %mul3A_464, %add3A_465 : i32
        %swap3A_467 = arith.constant 1 : i32
        %swap3A_468 = arith.constant 1 : i32
        %swap3A_469 = arith.index_cast %swap3A_467 : i32 to index
        %swap3A_470 = arith.index_cast %add3A_466 : i32 to index
        %swap3A_471 = arith.index_cast %swap3A_468 : i32 to index
        %swap3A_472 = arith.constant 0 : index
        %swap3A_473 = tpu.vector_load %arg11[%swap3A_469, %swap3A_470, %swap3A_471, %swap3A_472] {strides = array<i32>} : memref<2x512x2x32xf32, #tpu.memory_space<vmem>>, vector<1x1x1x16xf32>,
        %swap3A_474 = vector.shape_cast %swap3A_473 : vector<1x1x1x16xf32> to vector<16xf32>
        %swap3A_475 = vector.shape_cast %get3A_462 : vector<16xf32> to vector<1x1x1x16xf32>
        tpu.vector_store %arg11[%swap3A_469, %swap3A_470, %swap3A_471, %swap3A_472], %swap3A_475 {strides = array<i32>} : memref<2x512x2x32xf32, #tpu.memory_space<vmem>>, vector<1x1x1x16xf32>,
        %get3A_476 = arith.index_cast %squeeze3A_458 : i32 to index
        %get3A_477 = arith.constant 16 : index
        %get3A_478 = tpu.vector_load %arg8[%get3A_476, %get3A_477] {strides = array<i32>} : memref<30x32xf32, #tpu.memory_space<vmem>>, vector<1x16xf32>,
        %get3A_479 = vector.shape_cast %get3A_478 : vector<1x16xf32> to vector<16xf32>
        %mul3A_480 = arith.constant 16 : i32
        %mul3A_481 = arith.muli %mul3A_480, %scan3A_129 : i32
        %add3A_482 = arith.constant 9 : i32
        %add3A_483 = arith.addi %mul3A_481, %add3A_482 : i32
        %swap3A_484 = arith.constant 1 : i32
        %swap3A_485 = arith.constant 1 : i32
        %swap3A_486 = arith.index_cast %swap3A_484 : i32 to index
        %swap3A_487 = arith.index_cast %add3A_483 : i32 to index
        %swap3A_488 = arith.index_cast %swap3A_485 : i32 to index
        %swap3A_489 = arith.constant 16 : index
        %swap3A_490 = tpu.vector_load %arg11[%swap3A_486, %swap3A_487, %swap3A_488, %swap3A_489] {strides = array<i32>} : memref<2x512x2x32xf32, #tpu.memory_space<vmem>>, vector<1x1x1x16xf32>,
        %swap3A_491 = vector.shape_cast %swap3A_490 : vector<1x1x1x16xf32> to vector<16xf32>
        %swap3A_492 = vector.shape_cast %get3A_479 : vector<16xf32> to vector<1x1x1x16xf32>
        tpu.vector_store %arg11[%swap3A_486, %swap3A_487, %swap3A_488, %swap3A_489], %swap3A_492 {strides = array<i32>} : memref<2x512x2x32xf32, #tpu.memory_space<vmem>>, vector<1x1x1x16xf32>,
        %slice3A_493 = vector.extract_strided_slice %get3A_135 {offsets = [10], sizes = [1], strides = [1]} : vector<16xi32> to vector<1xi32>
        %squeeze3A_494 = vector.extract %slice3A_493[0] : i32 from vector<1xi32>
        %get3A_495 = arith.index_cast %squeeze3A_494 : i32 to index
        %get3A_496 = arith.constant 0 : index
        %get3A_497 = tpu.vector_load %arg8[%get3A_495, %get3A_496] {strides = array<i32>} : memref<30x32xf32, #tpu.memory_space<vmem>>, vector<1x16xf32>,
        %get3A_498 = vector.shape_cast %get3A_497 : vector<1x16xf32> to vector<16xf32>
        %mul3A_499 = arith.constant 16 : i32
        %mul3A_500 = arith.muli %mul3A_499, %scan3A_129 : i32
        %add3A_501 = arith.constant 10 : i32
        %add3A_502 = arith.addi %mul3A_500, %add3A_501 : i32
        %swap3A_503 = arith.constant 1 : i32
        %swap3A_504 = arith.constant 1 : i32
        %swap3A_505 = arith.index_cast %swap3A_503 : i32 to index
        %swap3A_506 = arith.index_cast %add3A_502 : i32 to index
        %swap3A_507 = arith.index_cast %swap3A_504 : i32 to index
        %swap3A_508 = arith.constant 0 : index
        %swap3A_509 = tpu.vector_load %arg11[%swap3A_505, %swap3A_506, %swap3A_507, %swap3A_508] {strides = array<i32>} : memref<2x512x2x32xf32, #tpu.memory_space<vmem>>, vector<1x1x1x16xf32>,
        %swap3A_510 = vector.shape_cast %swap3A_509 : vector<1x1x1x16xf32> to vector<16xf32>
        %swap3A_511 = vector.shape_cast %get3A_498 : vector<16xf32> to vector<1x1x1x16xf32>
        tpu.vector_store %arg11[%swap3A_505, %swap3A_506, %swap3A_507, %swap3A_508], %swap3A_511 {strides = array<i32>} : memref<2x512x2x32xf32, #tpu.memory_space<vmem>>, vector<1x1x1x16xf32>,
        %get3A_512 = arith.index_cast %squeeze3A_494 : i32 to index
        %get3A_513 = arith.constant 16 : index
        %get3A_514 = tpu.vector_load %arg8[%get3A_512, %get3A_513] {strides = array<i32>} : memref<30x32xf32, #tpu.memory_space<vmem>>, vector<1x16xf32>,
        %get3A_515 = vector.shape_cast %get3A_514 : vector<1x16xf32> to vector<16xf32>
        %mul3A_516 = arith.constant 16 : i32
        %mul3A_517 = arith.muli %mul3A_516, %scan3A_129 : i32
        %add3A_518 = arith.constant 10 : i32
        %add3A_519 = arith.addi %mul3A_517, %add3A_518 : i32
        %swap3A_520 = arith.constant 1 : i32
        %swap3A_521 = arith.constant 1 : i32
        %swap3A_522 = arith.index_cast %swap3A_520 : i32 to index
        %swap3A_523 = arith.index_cast %add3A_519 : i32 to index
        %swap3A_524 = arith.index_cast %swap3A_521 : i32 to index
        %swap3A_525 = arith.constant 16 : index
        %swap3A_526 = tpu.vector_load %arg11[%swap3A_522, %swap3A_523, %swap3A_524, %swap3A_525] {strides = array<i32>} : memref<2x512x2x32xf32, #tpu.memory_space<vmem>>, vector<1x1x1x16xf32>,
        %swap3A_527 = vector.shape_cast %swap3A_526 : vector<1x1x1x16xf32> to vector<16xf32>
        %swap3A_528 = vector.shape_cast %get3A_515 : vector<16xf32> to vector<1x1x1x16xf32>
        tpu.vector_store %arg11[%swap3A_522, %swap3A_523, %swap3A_524, %swap3A_525], %swap3A_528 {strides = array<i32>} : memref<2x512x2x32xf32, #tpu.memory_space<vmem>>, vector<1x1x1x16xf32>,
        %slice3A_529 = vector.extract_strided_slice %get3A_135 {offsets = [11], sizes = [1], strides = [1]} : vector<16xi32> to vector<1xi32>
        %squeeze3A_530 = vector.extract %slice3A_529[0] : i32 from vector<1xi32>
        %get3A_531 = arith.index_cast %squeeze3A_530 : i32 to index
        %get3A_532 = arith.constant 0 : index
        %get3A_533 = tpu.vector_load %arg8[%get3A_531, %get3A_532] {strides = array<i32>} : memref<30x32xf32, #tpu.memory_space<vmem>>, vector<1x16xf32>,
        %get3A_534 = vector.shape_cast %get3A_533 : vector<1x16xf32> to vector<16xf32>
        %mul3A_535 = arith.constant 16 : i32
        %mul3A_536 = arith.muli %mul3A_535, %scan3A_129 : i32
        %add3A_537 = arith.constant 11 : i32
        %add3A_538 = arith.addi %mul3A_536, %add3A_537 : i32
        %swap3A_539 = arith.constant 1 : i32
        %swap3A_540 = arith.constant 1 : i32
        %swap3A_541 = arith.index_cast %swap3A_539 : i32 to index
        %swap3A_542 = arith.index_cast %add3A_538 : i32 to index
        %swap3A_543 = arith.index_cast %swap3A_540 : i32 to index
        %swap3A_544 = arith.constant 0 : index
        %swap3A_545 = tpu.vector_load %arg11[%swap3A_541, %swap3A_542, %swap3A_543, %swap3A_544] {strides = array<i32>} : memref<2x512x2x32xf32, #tpu.memory_space<vmem>>, vector<1x1x1x16xf32>,
        %swap3A_546 = vector.shape_cast %swap3A_545 : vector<1x1x1x16xf32> to vector<16xf32>
        %swap3A_547 = vector.shape_cast %get3A_534 : vector<16xf32> to vector<1x1x1x16xf32>
        tpu.vector_store %arg11[%swap3A_541, %swap3A_542, %swap3A_543, %swap3A_544], %swap3A_547 {strides = array<i32>} : memref<2x512x2x32xf32, #tpu.memory_space<vmem>>, vector<1x1x1x16xf32>,
        %get3A_548 = arith.index_cast %squeeze3A_530 : i32 to index
        %get3A_549 = arith.constant 16 : index
        %get3A_550 = tpu.vector_load %arg8[%get3A_548, %get3A_549] {strides = array<i32>} : memref<30x32xf32, #tpu.memory_space<vmem>>, vector<1x16xf32>,
        %get3A_551 = vector.shape_cast %get3A_550 : vector<1x16xf32> to vector<16xf32>
        %mul3A_552 = arith.constant 16 : i32
        %mul3A_553 = arith.muli %mul3A_552, %scan3A_129 : i32
        %add3A_554 = arith.constant 11 : i32
        %add3A_555 = arith.addi %mul3A_553, %add3A_554 : i32
        %swap3A_556 = arith.constant 1 : i32
        %swap3A_557 = arith.constant 1 : i32
        %swap3A_558 = arith.index_cast %swap3A_556 : i32 to index
        %swap3A_559 = arith.index_cast %add3A_555 : i32 to index
        %swap3A_560 = arith.index_cast %swap3A_557 : i32 to index
        %swap3A_561 = arith.constant 16 : index
        %swap3A_562 = tpu.vector_load %arg11[%swap3A_558, %swap3A_559, %swap3A_560, %swap3A_561] {strides = array<i32>} : memref<2x512x2x32xf32, #tpu.memory_space<vmem>>, vector<1x1x1x16xf32>,
        %swap3A_563 = vector.shape_cast %swap3A_562 : vector<1x1x1x16xf32> to vector<16xf32>
        %swap3A_564 = vector.shape_cast %get3A_551 : vector<16xf32> to vector<1x1x1x16xf32>
        tpu.vector_store %arg11[%swap3A_558, %swap3A_559, %swap3A_560, %swap3A_561], %swap3A_564 {strides = array<i32>} : memref<2x512x2x32xf32, #tpu.memory_space<vmem>>, vector<1x1x1x16xf32>,
        %slice3A_565 = vector.extract_strided_slice %get3A_135 {offsets = [12], sizes = [1], strides = [1]} : vector<16xi32> to vector<1xi32>
        %squeeze3A_566 = vector.extract %slice3A_565[0] : i32 from vector<1xi32>
        %get3A_567 = arith.index_cast %squeeze3A_566 : i32 to index
        %get3A_568 = arith.constant 0 : index
        %get3A_569 = tpu.vector_load %arg8[%get3A_567, %get3A_568] {strides = array<i32>} : memref<30x32xf32, #tpu.memory_space<vmem>>, vector<1x16xf32>,
        %get3A_570 = vector.shape_cast %get3A_569 : vector<1x16xf32> to vector<16xf32>
        %mul3A_571 = arith.constant 16 : i32
        %mul3A_572 = arith.muli %mul3A_571, %scan3A_129 : i32
        %add3A_573 = arith.constant 12 : i32
        %add3A_574 = arith.addi %mul3A_572, %add3A_573 : i32
        %swap3A_575 = arith.constant 1 : i32
        %swap3A_576 = arith.constant 1 : i32
        %swap3A_577 = arith.index_cast %swap3A_575 : i32 to index
        %swap3A_578 = arith.index_cast %add3A_574 : i32 to index
        %swap3A_579 = arith.index_cast %swap3A_576 : i32 to index
        %swap3A_580 = arith.constant 0 : index
        %swap3A_581 = tpu.vector_load %arg11[%swap3A_577, %swap3A_578, %swap3A_579, %swap3A_580] {strides = array<i32>} : memref<2x512x2x32xf32, #tpu.memory_space<vmem>>, vector<1x1x1x16xf32>,
        %swap3A_582 = vector.shape_cast %swap3A_581 : vector<1x1x1x16xf32> to vector<16xf32>
        %swap3A_583 = vector.shape_cast %get3A_570 : vector<16xf32> to vector<1x1x1x16xf32>
        tpu.vector_store %arg11[%swap3A_577, %swap3A_578, %swap3A_579, %swap3A_580], %swap3A_583 {strides = array<i32>} : memref<2x512x2x32xf32, #tpu.memory_space<vmem>>, vector<1x1x1x16xf32>,
        %get3A_584 = arith.index_cast %squeeze3A_566 : i32 to index
        %get3A_585 = arith.constant 16 : index
        %get3A_586 = tpu.vector_load %arg8[%get3A_584, %get3A_585] {strides = array<i32>} : memref<30x32xf32, #tpu.memory_space<vmem>>, vector<1x16xf32>,
        %get3A_587 = vector.shape_cast %get3A_586 : vector<1x16xf32> to vector<16xf32>
        %mul3A_588 = arith.constant 16 : i32
        %mul3A_589 = arith.muli %mul3A_588, %scan3A_129 : i32
        %add3A_590 = arith.constant 12 : i32
        %add3A_591 = arith.addi %mul3A_589, %add3A_590 : i32
        %swap3A_592 = arith.constant 1 : i32
        %swap3A_593 = arith.constant 1 : i32
        %swap3A_594 = arith.index_cast %swap3A_592 : i32 to index
        %swap3A_595 = arith.index_cast %add3A_591 : i32 to index
        %swap3A_596 = arith.index_cast %swap3A_593 : i32 to index
        %swap3A_597 = arith.constant 16 : index
        %swap3A_598 = tpu.vector_load %arg11[%swap3A_594, %swap3A_595, %swap3A_596, %swap3A_597] {strides = array<i32>} : memref<2x512x2x32xf32, #tpu.memory_space<vmem>>, vector<1x1x1x16xf32>,
        %swap3A_599 = vector.shape_cast %swap3A_598 : vector<1x1x1x16xf32> to vector<16xf32>
        %swap3A_600 = vector.shape_cast %get3A_587 : vector<16xf32> to vector<1x1x1x16xf32>
        tpu.vector_store %arg11[%swap3A_594, %swap3A_595, %swap3A_596, %swap3A_597], %swap3A_600 {strides = array<i32>} : memref<2x512x2x32xf32, #tpu.memory_space<vmem>>, vector<1x1x1x16xf32>,
        %slice3A_601 = vector.extract_strided_slice %get3A_135 {offsets = [13], sizes = [1], strides = [1]} : vector<16xi32> to vector<1xi32>
        %squeeze3A_602 = vector.extract %slice3A_601[0] : i32 from vector<1xi32>
        %get3A_603 = arith.index_cast %squeeze3A_602 : i32 to index
        %get3A_604 = arith.constant 0 : index
        %get3A_605 = tpu.vector_load %arg8[%get3A_603, %get3A_604] {strides = array<i32>} : memref<30x32xf32, #tpu.memory_space<vmem>>, vector<1x16xf32>,
        %get3A_606 = vector.shape_cast %get3A_605 : vector<1x16xf32> to vector<16xf32>
        %mul3A_607 = arith.constant 16 : i32
        %mul3A_608 = arith.muli %mul3A_607, %scan3A_129 : i32
        %add3A_609 = arith.constant 13 : i32
        %add3A_610 = arith.addi %mul3A_608, %add3A_609 : i32
        %swap3A_611 = arith.constant 1 : i32
        %swap3A_612 = arith.constant 1 : i32
        %swap3A_613 = arith.index_cast %swap3A_611 : i32 to index
        %swap3A_614 = arith.index_cast %add3A_610 : i32 to index
        %swap3A_615 = arith.index_cast %swap3A_612 : i32 to index
        %swap3A_616 = arith.constant 0 : index
        %swap3A_617 = tpu.vector_load %arg11[%swap3A_613, %swap3A_614, %swap3A_615, %swap3A_616] {strides = array<i32>} : memref<2x512x2x32xf32, #tpu.memory_space<vmem>>, vector<1x1x1x16xf32>,
        %swap3A_618 = vector.shape_cast %swap3A_617 : vector<1x1x1x16xf32> to vector<16xf32>
        %swap3A_619 = vector.shape_cast %get3A_606 : vector<16xf32> to vector<1x1x1x16xf32>
        tpu.vector_store %arg11[%swap3A_613, %swap3A_614, %swap3A_615, %swap3A_616], %swap3A_619 {strides = array<i32>} : memref<2x512x2x32xf32, #tpu.memory_space<vmem>>, vector<1x1x1x16xf32>,
        %get3A_620 = arith.index_cast %squeeze3A_602 : i32 to index
        %get3A_621 = arith.constant 16 : index
        %get3A_622 = tpu.vector_load %arg8[%get3A_620, %get3A_621] {strides = array<i32>} : memref<30x32xf32, #tpu.memory_space<vmem>>, vector<1x16xf32>,
        %get3A_623 = vector.shape_cast %get3A_622 : vector<1x16xf32> to vector<16xf32>
        %mul3A_624 = arith.constant 16 : i32
        %mul3A_625 = arith.muli %mul3A_624, %scan3A_129 : i32
        %add3A_626 = arith.constant 13 : i32
        %add3A_627 = arith.addi %mul3A_625, %add3A_626 : i32
        %swap3A_628 = arith.constant 1 : i32
        %swap3A_629 = arith.constant 1 : i32
        %swap3A_630 = arith.index_cast %swap3A_628 : i32 to index
        %swap3A_631 = arith.index_cast %add3A_627 : i32 to index
        %swap3A_632 = arith.index_cast %swap3A_629 : i32 to index
        %swap3A_633 = arith.constant 16 : index
        %swap3A_634 = tpu.vector_load %arg11[%swap3A_630, %swap3A_631, %swap3A_632, %swap3A_633] {strides = array<i32>} : memref<2x512x2x32xf32, #tpu.memory_space<vmem>>, vector<1x1x1x16xf32>,
        %swap3A_635 = vector.shape_cast %swap3A_634 : vector<1x1x1x16xf32> to vector<16xf32>
        %swap3A_636 = vector.shape_cast %get3A_623 : vector<16xf32> to vector<1x1x1x16xf32>
        tpu.vector_store %arg11[%swap3A_630, %swap3A_631, %swap3A_632, %swap3A_633], %swap3A_636 {strides = array<i32>} : memref<2x512x2x32xf32, #tpu.memory_space<vmem>>, vector<1x1x1x16xf32>,
        %slice3A_637 = vector.extract_strided_slice %get3A_135 {offsets = [14], sizes = [1], strides = [1]} : vector<16xi32> to vector<1xi32>
        %squeeze3A_638 = vector.extract %slice3A_637[0] : i32 from vector<1xi32>
        %get3A_639 = arith.index_cast %squeeze3A_638 : i32 to index
        %get3A_640 = arith.constant 0 : index
        %get3A_641 = tpu.vector_load %arg8[%get3A_639, %get3A_640] {strides = array<i32>} : memref<30x32xf32, #tpu.memory_space<vmem>>, vector<1x16xf32>,
        %get3A_642 = vector.shape_cast %get3A_641 : vector<1x16xf32> to vector<16xf32>
        %mul3A_643 = arith.constant 16 : i32
        %mul3A_644 = arith.muli %mul3A_643, %scan3A_129 : i32
        %add3A_645 = arith.constant 14 : i32
        %add3A_646 = arith.addi %mul3A_644, %add3A_645 : i32
        %swap3A_647 = arith.constant 1 : i32
        %swap3A_648 = arith.constant 1 : i32
        %swap3A_649 = arith.index_cast %swap3A_647 : i32 to index
        %swap3A_650 = arith.index_cast %add3A_646 : i32 to index
        %swap3A_651 = arith.index_cast %swap3A_648 : i32 to index
        %swap3A_652 = arith.constant 0 : index
        %swap3A_653 = tpu.vector_load %arg11[%swap3A_649, %swap3A_650, %swap3A_651, %swap3A_652] {strides = array<i32>} : memref<2x512x2x32xf32, #tpu.memory_space<vmem>>, vector<1x1x1x16xf32>,
        %swap3A_654 = vector.shape_cast %swap3A_653 : vector<1x1x1x16xf32> to vector<16xf32>
        %swap3A_655 = vector.shape_cast %get3A_642 : vector<16xf32> to vector<1x1x1x16xf32>
        tpu.vector_store %arg11[%swap3A_649, %swap3A_650, %swap3A_651, %swap3A_652], %swap3A_655 {strides = array<i32>} : memref<2x512x2x32xf32, #tpu.memory_space<vmem>>, vector<1x1x1x16xf32>,
        %get3A_656 = arith.index_cast %squeeze3A_638 : i32 to index
        %get3A_657 = arith.constant 16 : index
        %get3A_658 = tpu.vector_load %arg8[%get3A_656, %get3A_657] {strides = array<i32>} : memref<30x32xf32, #tpu.memory_space<vmem>>, vector<1x16xf32>,
        %get3A_659 = vector.shape_cast %get3A_658 : vector<1x16xf32> to vector<16xf32>
        %mul3A_660 = arith.constant 16 : i32
        %mul3A_661 = arith.muli %mul3A_660, %scan3A_129 : i32
        %add3A_662 = arith.constant 14 : i32
        %add3A_663 = arith.addi %mul3A_661, %add3A_662 : i32
        %swap3A_664 = arith.constant 1 : i32
        %swap3A_665 = arith.constant 1 : i32
        %swap3A_666 = arith.index_cast %swap3A_664 : i32 to index
        %swap3A_667 = arith.index_cast %add3A_663 : i32 to index
        %swap3A_668 = arith.index_cast %swap3A_665 : i32 to index
        %swap3A_669 = arith.constant 16 : index
        %swap3A_670 = tpu.vector_load %arg11[%swap3A_666, %swap3A_667, %swap3A_668, %swap3A_669] {strides = array<i32>} : memref<2x512x2x32xf32, #tpu.memory_space<vmem>>, vector<1x1x1x16xf32>,
        %swap3A_671 = vector.shape_cast %swap3A_670 : vector<1x1x1x16xf32> to vector<16xf32>
        %swap3A_672 = vector.shape_cast %get3A_659 : vector<16xf32> to vector<1x1x1x16xf32>
        tpu.vector_store %arg11[%swap3A_666, %swap3A_667, %swap3A_668, %swap3A_669], %swap3A_672 {strides = array<i32>} : memref<2x512x2x32xf32, #tpu.memory_space<vmem>>, vector<1x1x1x16xf32>,
        %slice3A_673 = vector.extract_strided_slice %get3A_135 {offsets = [15], sizes = [1], strides = [1]} : vector<16xi32> to vector<1xi32>
        %squeeze3A_674 = vector.extract %slice3A_673[0] : i32 from vector<1xi32>
        %get3A_675 = arith.index_cast %squeeze3A_674 : i32 to index
        %get3A_676 = arith.constant 0 : index
        %get3A_677 = tpu.vector_load %arg8[%get3A_675, %get3A_676] {strides = array<i32>} : memref<30x32xf32, #tpu.memory_space<vmem>>, vector<1x16xf32>,
        %get3A_678 = vector.shape_cast %get3A_677 : vector<1x16xf32> to vector<16xf32>
        %mul3A_679 = arith.constant 16 : i32
        %mul3A_680 = arith.muli %mul3A_679, %scan3A_129 : i32
        %add3A_681 = arith.constant 15 : i32
        %add3A_682 = arith.addi %mul3A_680, %add3A_681 : i32
        %swap3A_683 = arith.constant 1 : i32
        %swap3A_684 = arith.constant 1 : i32
        %swap3A_685 = arith.index_cast %swap3A_683 : i32 to index
        %swap3A_686 = arith.index_cast %add3A_682 : i32 to index
        %swap3A_687 = arith.index_cast %swap3A_684 : i32 to index
        %swap3A_688 = arith.constant 0 : index
        %swap3A_689 = tpu.vector_load %arg11[%swap3A_685, %swap3A_686, %swap3A_687, %swap3A_688] {strides = array<i32>} : memref<2x512x2x32xf32, #tpu.memory_space<vmem>>, vector<1x1x1x16xf32>,
        %swap3A_690 = vector.shape_cast %swap3A_689 : vector<1x1x1x16xf32> to vector<16xf32>
        %swap3A_691 = vector.shape_cast %get3A_678 : vector<16xf32> to vector<1x1x1x16xf32>
        tpu.vector_store %arg11[%swap3A_685, %swap3A_686, %swap3A_687, %swap3A_688], %swap3A_691 {strides = array<i32>} : memref<2x512x2x32xf32, #tpu.memory_space<vmem>>, vector<1x1x1x16xf32>,
        %get3A_692 = arith.index_cast %squeeze3A_674 : i32 to index
        %get3A_693 = arith.constant 16 : index
        %get3A_694 = tpu.vector_load %arg8[%get3A_692, %get3A_693] {strides = array<i32>} : memref<30x32xf32, #tpu.memory_space<vmem>>, vector<1x16xf32>,
        %get3A_695 = vector.shape_cast %get3A_694 : vector<1x16xf32> to vector<16xf32>
        %mul3A_696 = arith.constant 16 : i32
        %mul3A_697 = arith.muli %mul3A_696, %scan3A_129 : i32
        %add3A_698 = arith.constant 15 : i32
        %add3A_699 = arith.addi %mul3A_697, %add3A_698 : i32
        %swap3A_700 = arith.constant 1 : i32
        %swap3A_701 = arith.constant 1 : i32
        %swap3A_702 = arith.index_cast %swap3A_700 : i32 to index
        %swap3A_703 = arith.index_cast %add3A_699 : i32 to index
        %swap3A_704 = arith.index_cast %swap3A_701 : i32 to index
        %swap3A_705 = arith.constant 16 : index
        %swap3A_706 = tpu.vector_load %arg11[%swap3A_702, %swap3A_703, %swap3A_704, %swap3A_705] {strides = array<i32>} : memref<2x512x2x32xf32, #tpu.memory_space<vmem>>, vector<1x1x1x16xf32>,
        %swap3A_707 = vector.shape_cast %swap3A_706 : vector<1x1x1x16xf32> to vector<16xf32>
        %swap3A_708 = vector.shape_cast %get3A_695 : vector<16xf32> to vector<1x1x1x16xf32>
        tpu.vector_store %arg11[%swap3A_702, %swap3A_703, %swap3A_704, %swap3A_705], %swap3A_708 {strides = array<i32>} : memref<2x512x2x32xf32, #tpu.memory_space<vmem>>, vector<1x1x1x16xf32>,
      }
      %scan3A_106 = arith.constant 32 : i32
      %mul3A_107 = arith.constant 512 : i32
      %mul3A_108 = arith.muli %add3A_81, %mul3A_107 : i32
      %add3A_109 = arith.addi %mul3A_2, %mul3A_108 : i32
      %dma_wait3A_110 = arith.constant 1 : i32
      %dma_wait3A_111 = arith.constant 1 : i32
      %dma_wait3A_112 = arith.constant 0 : i32
      %dma_wait3A_113 = arith.constant 0 : i32
      %dma_wait3A_114 = tpu.memref_slice %arg10[%dma_wait3A_110, %dma_wait3A_112, %dma_wait3A_113] : memref<2x512x32xf32, #tpu.memory_space<vmem>> -> memref<1x512x32xf32, #tpu.memory_space<vmem>>
      %dma_wait3A_115 = tpu.memref_squeeze %dma_wait3A_114 : memref<1x512x32xf32, #tpu.memory_space<vmem>> -> memref<512x32xf32, #tpu.memory_space<vmem>>
      %dma_wait3A_116 = tpu.memref_slice %arg7[%mul3A_83] : memref<25600xi32, #tpu.memory_space<vmem>> -> memref<512xi32, #tpu.memory_space<vmem>>
      %dma_wait3A_117 = arith.constant 0 : i32
      %dma_wait3A_118 = arith.constant 0 : i32
      %dma_wait3A_119 = tpu.memref_slice %arg3[%dma_wait3A_117, %dma_wait3A_118] : memref<1000000x32xf32, #tpu.memory_space<hbm>> -> memref<1000000x32xf32, #tpu.memory_space<hbm>>
      %dma_wait3A_120 = tpu.memref_slice %arg12[%dma_wait3A_111] : memref<2x!tpu.dma_semaphore, #tpu.memory_space<semaphore_mem>> -> memref<1x!tpu.dma_semaphore, #tpu.memory_space<semaphore_mem>>
      %dma_wait3A_121 = tpu.memref_squeeze %dma_wait3A_120 : memref<1x!tpu.dma_semaphore, #tpu.memory_space<semaphore_mem>> -> memref<!tpu.dma_semaphore, #tpu.memory_space<semaphore_mem>>
      tpu.wait_indirect_dma semaphore(%dma_wait3A_121 : memref<!tpu.dma_semaphore, #tpu.memory_space<semaphore_mem>>) src(%dma_wait3A_119 : memref<1000000x32xf32, #tpu.memory_space<hbm>>) dst(%dma_wait3A_115 : memref<512x32xf32, #tpu.memory_space<vmem>>)
      %scan3A_122 = arith.constant 0 : i32
      %scan3A_123 = arith.constant 0 : i32
      %scan3A_124 = arith.constant 128 : i32
      %scan3A_125 = arith.addi %scan3A_123, %scan3A_124 : i32
      %scan3A_126 = arith.constant 1 : i32
      scf.for %scan3A_129 = %scan3A_123 to %scan3A_125 step %scan3A_126  : i32 {
        %mul3A_130 = arith.constant 4 : i32
        %mul3A_131 = arith.muli %mul3A_130, %scan3A_129 : i32
        %add3A_132 = arith.constant 0 : i32
        %add3A_133 = arith.addi %mul3A_131, %add3A_132 : i32
        %get3A = arith.constant 1 : i32
        %get3A_134 = arith.index_cast %get3A : i32 to index
        %get3A_135 = arith.index_cast %add3A_133 : i32 to index
        %get3A_136 = arith.constant 0 : index
        %get3A_137 = tpu.vector_load %arg10[%get3A_134, %get3A_135, %get3A_136] {strides = array<i32>} : memref<2x512x32xf32, #tpu.memory_space<vmem>>, vector<1x1x16xf32>,
        %get3A_138 = vector.shape_cast %get3A_137 : vector<1x1x16xf32> to vector<16xf32>
        %mul3A_139 = arith.constant 4 : i32
        %mul3A_140 = arith.muli %mul3A_139, %scan3A_129 : i32
        %add3A_141 = arith.constant 0 : i32
        %add3A_142 = arith.addi %mul3A_140, %add3A_141 : i32
        %swap3A = arith.constant 1 : i32
        %swap3A_143 = arith.constant 0 : i32
        %swap3A_144 = arith.index_cast %swap3A : i32 to index
        %swap3A_145 = arith.index_cast %add3A_142 : i32 to index
        %swap3A_146 = arith.index_cast %swap3A_143 : i32 to index
        %swap3A_147 = arith.constant 0 : index
        %swap3A_148 = tpu.vector_load %arg11[%swap3A_144, %swap3A_145, %swap3A_146, %swap3A_147] {strides = array<i32>} : memref<2x512x2x32xf32, #tpu.memory_space<vmem>>, vector<1x1x1x16xf32>,
        %swap3A_149 = vector.shape_cast %swap3A_148 : vector<1x1x1x16xf32> to vector<16xf32>
        %swap3A_150 = vector.shape_cast %get3A_138 : vector<16xf32> to vector<1x1x1x16xf32>
        tpu.vector_store %arg11[%swap3A_144, %swap3A_145, %swap3A_146, %swap3A_147], %swap3A_150 {strides = array<i32>} : memref<2x512x2x32xf32, #tpu.memory_space<vmem>>, vector<1x1x1x16xf32>,
        %mul3A_151 = arith.constant 4 : i32
        %mul3A_152 = arith.muli %mul3A_151, %scan3A_129 : i32
        %add3A_153 = arith.constant 0 : i32
        %add3A_154 = arith.addi %mul3A_152, %add3A_153 : i32
        %get3A_155 = arith.constant 1 : i32
        %get3A_156 = arith.index_cast %get3A_155 : i32 to index
        %get3A_157 = arith.index_cast %add3A_154 : i32 to index
        %get3A_158 = arith.constant 16 : index
        %get3A_159 = tpu.vector_load %arg10[%get3A_156, %get3A_157, %get3A_158] {strides = array<i32>} : memref<2x512x32xf32, #tpu.memory_space<vmem>>, vector<1x1x16xf32>,
        %get3A_160 = vector.shape_cast %get3A_159 : vector<1x1x16xf32> to vector<16xf32>
        %mul3A_161 = arith.constant 4 : i32
        %mul3A_162 = arith.muli %mul3A_161, %scan3A_129 : i32
        %add3A_163 = arith.constant 0 : i32
        %add3A_164 = arith.addi %mul3A_162, %add3A_163 : i32
        %swap3A_165 = arith.constant 1 : i32
        %swap3A_166 = arith.constant 0 : i32
        %swap3A_167 = arith.index_cast %swap3A_165 : i32 to index
        %swap3A_168 = arith.index_cast %add3A_164 : i32 to index
        %swap3A_169 = arith.index_cast %swap3A_166 : i32 to index
        %swap3A_170 = arith.constant 16 : index
        %swap3A_171 = tpu.vector_load %arg11[%swap3A_167, %swap3A_168, %swap3A_169, %swap3A_170] {strides = array<i32>} : memref<2x512x2x32xf32, #tpu.memory_space<vmem>>, vector<1x1x1x16xf32>,
        %swap3A_172 = vector.shape_cast %swap3A_171 : vector<1x1x1x16xf32> to vector<16xf32>
        %swap3A_173 = vector.shape_cast %get3A_160 : vector<16xf32> to vector<1x1x1x16xf32>
        tpu.vector_store %arg11[%swap3A_167, %swap3A_168, %swap3A_169, %swap3A_170], %swap3A_173 {strides = array<i32>} : memref<2x512x2x32xf32, #tpu.memory_space<vmem>>, vector<1x1x1x16xf32>,
        %mul3A_174 = arith.constant 4 : i32
        %mul3A_175 = arith.muli %mul3A_174, %scan3A_129 : i32
        %add3A_176 = arith.constant 1 : i32
        %add3A_177 = arith.addi %mul3A_175, %add3A_176 : i32
        %get3A_178 = arith.constant 1 : i32
        %get3A_179 = arith.index_cast %get3A_178 : i32 to index
        %get3A_180 = arith.index_cast %add3A_177 : i32 to index
        %get3A_181 = arith.constant 0 : index
        %get3A_182 = tpu.vector_load %arg10[%get3A_179, %get3A_180, %get3A_181] {strides = array<i32>} : memref<2x512x32xf32, #tpu.memory_space<vmem>>, vector<1x1x16xf32>,
        %get3A_183 = vector.shape_cast %get3A_182 : vector<1x1x16xf32> to vector<16xf32>
        %mul3A_184 = arith.constant 4 : i32
        %mul3A_185 = arith.muli %mul3A_184, %scan3A_129 : i32
        %add3A_186 = arith.constant 1 : i32
        %add3A_187 = arith.addi %mul3A_185, %add3A_186 : i32
        %swap3A_188 = arith.constant 1 : i32
        %swap3A_189 = arith.constant 0 : i32
        %swap3A_190 = arith.index_cast %swap3A_188 : i32 to index
        %swap3A_191 = arith.index_cast %add3A_187 : i32 to index
        %swap3A_192 = arith.index_cast %swap3A_189 : i32 to index
        %swap3A_193 = arith.constant 0 : index
        %swap3A_194 = tpu.vector_load %arg11[%swap3A_190, %swap3A_191, %swap3A_192, %swap3A_193] {strides = array<i32>} : memref<2x512x2x32xf32, #tpu.memory_space<vmem>>, vector<1x1x1x16xf32>,
        %swap3A_195 = vector.shape_cast %swap3A_194 : vector<1x1x1x16xf32> to vector<16xf32>
        %swap3A_196 = vector.shape_cast %get3A_183 : vector<16xf32> to vector<1x1x1x16xf32>
        tpu.vector_store %arg11[%swap3A_190, %swap3A_191, %swap3A_192, %swap3A_193], %swap3A_196 {strides = array<i32>} : memref<2x512x2x32xf32, #tpu.memory_space<vmem>>, vector<1x1x1x16xf32>,
        %mul3A_197 = arith.constant 4 : i32
        %mul3A_198 = arith.muli %mul3A_197, %scan3A_129 : i32
        %add3A_199 = arith.constant 1 : i32
        %add3A_200 = arith.addi %mul3A_198, %add3A_199 : i32
        %get3A_201 = arith.constant 1 : i32
        %get3A_202 = arith.index_cast %get3A_201 : i32 to index
        %get3A_203 = arith.index_cast %add3A_200 : i32 to index
        %get3A_204 = arith.constant 16 : index
        %get3A_205 = tpu.vector_load %arg10[%get3A_202, %get3A_203, %get3A_204] {strides = array<i32>} : memref<2x512x32xf32, #tpu.memory_space<vmem>>, vector<1x1x16xf32>,
        %get3A_206 = vector.shape_cast %get3A_205 : vector<1x1x16xf32> to vector<16xf32>
        %mul3A_207 = arith.constant 4 : i32
        %mul3A_208 = arith.muli %mul3A_207, %scan3A_129 : i32
        %add3A_209 = arith.constant 1 : i32
        %add3A_210 = arith.addi %mul3A_208, %add3A_209 : i32
        %swap3A_211 = arith.constant 1 : i32
        %swap3A_212 = arith.constant 0 : i32
        %swap3A_213 = arith.index_cast %swap3A_211 : i32 to index
        %swap3A_214 = arith.index_cast %add3A_210 : i32 to index
        %swap3A_215 = arith.index_cast %swap3A_212 : i32 to index
        %swap3A_216 = arith.constant 16 : index
        %swap3A_217 = tpu.vector_load %arg11[%swap3A_213, %swap3A_214, %swap3A_215, %swap3A_216] {strides = array<i32>} : memref<2x512x2x32xf32, #tpu.memory_space<vmem>>, vector<1x1x1x16xf32>,
        %swap3A_218 = vector.shape_cast %swap3A_217 : vector<1x1x1x16xf32> to vector<16xf32>
        %swap3A_219 = vector.shape_cast %get3A_206 : vector<16xf32> to vector<1x1x1x16xf32>
        tpu.vector_store %arg11[%swap3A_213, %swap3A_214, %swap3A_215, %swap3A_216], %swap3A_219 {strides = array<i32>} : memref<2x512x2x32xf32, #tpu.memory_space<vmem>>, vector<1x1x1x16xf32>,
        %mul3A_220 = arith.constant 4 : i32
        %mul3A_221 = arith.muli %mul3A_220, %scan3A_129 : i32
        %add3A_222 = arith.constant 2 : i32
        %add3A_223 = arith.addi %mul3A_221, %add3A_222 : i32
        %get3A_224 = arith.constant 1 : i32
        %get3A_225 = arith.index_cast %get3A_224 : i32 to index
        %get3A_226 = arith.index_cast %add3A_223 : i32 to index
        %get3A_227 = arith.constant 0 : index
        %get3A_228 = tpu.vector_load %arg10[%get3A_225, %get3A_226, %get3A_227] {strides = array<i32>} : memref<2x512x32xf32, #tpu.memory_space<vmem>>, vector<1x1x16xf32>,
        %get3A_229 = vector.shape_cast %get3A_228 : vector<1x1x16xf32> to vector<16xf32>
        %mul3A_230 = arith.constant 4 : i32
        %mul3A_231 = arith.muli %mul3A_230, %scan3A_129 : i32
        %add3A_232 = arith.constant 2 : i32
        %add3A_233 = arith.addi %mul3A_231, %add3A_232 : i32
        %swap3A_234 = arith.constant 1 : i32
        %swap3A_235 = arith.constant 0 : i32
        %swap3A_236 = arith.index_cast %swap3A_234 : i32 to index
        %swap3A_237 = arith.index_cast %add3A_233 : i32 to index
        %swap3A_238 = arith.index_cast %swap3A_235 : i32 to index
        %swap3A_239 = arith.constant 0 : index
        %swap3A_240 = tpu.vector_load %arg11[%swap3A_236, %swap3A_237, %swap3A_238, %swap3A_239] {strides = array<i32>} : memref<2x512x2x32xf32, #tpu.memory_space<vmem>>, vector<1x1x1x16xf32>,
        %swap3A_241 = vector.shape_cast %swap3A_240 : vector<1x1x1x16xf32> to vector<16xf32>
        %swap3A_242 = vector.shape_cast %get3A_229 : vector<16xf32> to vector<1x1x1x16xf32>
        tpu.vector_store %arg11[%swap3A_236, %swap3A_237, %swap3A_238, %swap3A_239], %swap3A_242 {strides = array<i32>} : memref<2x512x2x32xf32, #tpu.memory_space<vmem>>, vector<1x1x1x16xf32>,
        %mul3A_243 = arith.constant 4 : i32
        %mul3A_244 = arith.muli %mul3A_243, %scan3A_129 : i32
        %add3A_245 = arith.constant 2 : i32
        %add3A_246 = arith.addi %mul3A_244, %add3A_245 : i32
        %get3A_247 = arith.constant 1 : i32
        %get3A_248 = arith.index_cast %get3A_247 : i32 to index
        %get3A_249 = arith.index_cast %add3A_246 : i32 to index
        %get3A_250 = arith.constant 16 : index
        %get3A_251 = tpu.vector_load %arg10[%get3A_248, %get3A_249, %get3A_250] {strides = array<i32>} : memref<2x512x32xf32, #tpu.memory_space<vmem>>, vector<1x1x16xf32>,
        %get3A_252 = vector.shape_cast %get3A_251 : vector<1x1x16xf32> to vector<16xf32>
        %mul3A_253 = arith.constant 4 : i32
        %mul3A_254 = arith.muli %mul3A_253, %scan3A_129 : i32
        %add3A_255 = arith.constant 2 : i32
        %add3A_256 = arith.addi %mul3A_254, %add3A_255 : i32
        %swap3A_257 = arith.constant 1 : i32
        %swap3A_258 = arith.constant 0 : i32
        %swap3A_259 = arith.index_cast %swap3A_257 : i32 to index
        %swap3A_260 = arith.index_cast %add3A_256 : i32 to index
        %swap3A_261 = arith.index_cast %swap3A_258 : i32 to index
        %swap3A_262 = arith.constant 16 : index
        %swap3A_263 = tpu.vector_load %arg11[%swap3A_259, %swap3A_260, %swap3A_261, %swap3A_262] {strides = array<i32>} : memref<2x512x2x32xf32, #tpu.memory_space<vmem>>, vector<1x1x1x16xf32>,
        %swap3A_264 = vector.shape_cast %swap3A_263 : vector<1x1x1x16xf32> to vector<16xf32>
        %swap3A_265 = vector.shape_cast %get3A_252 : vector<16xf32> to vector<1x1x1x16xf32>
        tpu.vector_store %arg11[%swap3A_259, %swap3A_260, %swap3A_261, %swap3A_262], %swap3A_265 {strides = array<i32>} : memref<2x512x2x32xf32, #tpu.memory_space<vmem>>, vector<1x1x1x16xf32>,
        %mul3A_266 = arith.constant 4 : i32
        %mul3A_267 = arith.muli %mul3A_266, %scan3A_129 : i32
        %add3A_268 = arith.constant 3 : i32
        %add3A_269 = arith.addi %mul3A_267, %add3A_268 : i32
        %get3A_270 = arith.constant 1 : i32
        %get3A_271 = arith.index_cast %get3A_270 : i32 to index
        %get3A_272 = arith.index_cast %add3A_269 : i32 to index
        %get3A_273 = arith.constant 0 : index
        %get3A_274 = tpu.vector_load %arg10[%get3A_271, %get3A_272, %get3A_273] {strides = array<i32>} : memref<2x512x32xf32, #tpu.memory_space<vmem>>, vector<1x1x16xf32>,
        %get3A_275 = vector.shape_cast %get3A_274 : vector<1x1x16xf32> to vector<16xf32>
        %mul3A_276 = arith.constant 4 : i32
        %mul3A_277 = arith.muli %mul3A_276, %scan3A_129 : i32
        %add3A_278 = arith.constant 3 : i32
        %add3A_279 = arith.addi %mul3A_277, %add3A_278 : i32
        %swap3A_280 = arith.constant 1 : i32
        %swap3A_281 = arith.constant 0 : i32
        %swap3A_282 = arith.index_cast %swap3A_280 : i32 to index
        %swap3A_283 = arith.index_cast %add3A_279 : i32 to index
        %swap3A_284 = arith.index_cast %swap3A_281 : i32 to index
        %swap3A_285 = arith.constant 0 : index
        %swap3A_286 = tpu.vector_load %arg11[%swap3A_282, %swap3A_283, %swap3A_284, %swap3A_285] {strides = array<i32>} : memref<2x512x2x32xf32, #tpu.memory_space<vmem>>, vector<1x1x1x16xf32>,
        %swap3A_287 = vector.shape_cast %swap3A_286 : vector<1x1x1x16xf32> to vector<16xf32>
        %swap3A_288 = vector.shape_cast %get3A_275 : vector<16xf32> to vector<1x1x1x16xf32>
        tpu.vector_store %arg11[%swap3A_282, %swap3A_283, %swap3A_284, %swap3A_285], %swap3A_288 {strides = array<i32>} : memref<2x512x2x32xf32, #tpu.memory_space<vmem>>, vector<1x1x1x16xf32>,
        %mul3A_289 = arith.constant 4 : i32
        %mul3A_290 = arith.muli %mul3A_289, %scan3A_129 : i32
        %add3A_291 = arith.constant 3 : i32
        %add3A_292 = arith.addi %mul3A_290, %add3A_291 : i32
        %get3A_293 = arith.constant 1 : i32
        %get3A_294 = arith.index_cast %get3A_293 : i32 to index
        %get3A_295 = arith.index_cast %add3A_292 : i32 to index
        %get3A_296 = arith.constant 16 : index
        %get3A_297 = tpu.vector_load %arg10[%get3A_294, %get3A_295, %get3A_296] {strides = array<i32>} : memref<2x512x32xf32, #tpu.memory_space<vmem>>, vector<1x1x16xf32>,
        %get3A_298 = vector.shape_cast %get3A_297 : vector<1x1x16xf32> to vector<16xf32>
        %mul3A_299 = arith.constant 4 : i32
        %mul3A_300 = arith.muli %mul3A_299, %scan3A_129 : i32
        %add3A_301 = arith.constant 3 : i32
        %add3A_302 = arith.addi %mul3A_300, %add3A_301 : i32
        %swap3A_303 = arith.constant 1 : i32
        %swap3A_304 = arith.constant 0 : i32
        %swap3A_305 = arith.index_cast %swap3A_303 : i32 to index
        %swap3A_306 = arith.index_cast %add3A_302 : i32 to index
        %swap3A_307 = arith.index_cast %swap3A_304 : i32 to index
        %swap3A_308 = arith.constant 16 : index
        %swap3A_309 = tpu.vector_load %arg11[%swap3A_305, %swap3A_306, %swap3A_307, %swap3A_308] {strides = array<i32>} : memref<2x512x2x32xf32, #tpu.memory_space<vmem>>, vector<1x1x1x16xf32>,
        %swap3A_310 = vector.shape_cast %swap3A_309 : vector<1x1x1x16xf32> to vector<16xf32>
        %swap3A_311 = vector.shape_cast %get3A_298 : vector<16xf32> to vector<1x1x1x16xf32>
        tpu.vector_store %arg11[%swap3A_305, %swap3A_306, %swap3A_307, %swap3A_308], %swap3A_311 {strides = array<i32>} : memref<2x512x2x32xf32, #tpu.memory_space<vmem>>, vector<1x1x1x16xf32>,
      }
      %scan3A_127 = arith.constant 128 : i32
      %run_scoped3A_128 = arith.constant 1 : i32
      "tpu.region"() ({
        %run_scoped3A_129 = tpu.sem_alloc : memref<!tpu.dma_semaphore, #tpu.memory_space<semaphore_mem>>
        %dma_start3A_130 = arith.constant 0 : i32
        %dma_start3A_131 = arith.constant 0 : i32
        %dma_start3A_132 = arith.constant 0 : i32
        %dma_start3A_133 = tpu.memref_slice %arg11[%run_scoped3A_128, %dma_start3A_130, %dma_start3A_131, %dma_start3A_132] : memref<2x512x2x32xf32, #tpu.memory_space<vmem>> -> memref<1x512x2x32xf32, #tpu.memory_space<vmem>>
        %dma_start3A_134 = tpu.memref_squeeze %dma_start3A_133 : memref<1x512x2x32xf32, #tpu.memory_space<vmem>> -> memref<512x2x32xf32, #tpu.memory_space<vmem>>
        %dma_start3A_135 = arith.constant 0 : i32
        %dma_start3A_136 = arith.constant 0 : i32
        %dma_start3A_137 = tpu.memref_slice %arg6[%add3A_109, %dma_start3A_135, %dma_start3A_136] : memref<819200x2x32xf32, #tpu.memory_space<hbm>> -> memref<512x2x32xf32, #tpu.memory_space<hbm>>
        %dma_start3A_138 = arith.constant 0 : i32
        %dma_start3A_139 = arith.constant 0 : i32
        %dma_start3A_140 = tpu.memref_slice %arg6[%add3A_109, %dma_start3A_138, %dma_start3A_139] : memref<819200x2x32xf32, #tpu.memory_space<hbm>> -> memref<512x2x32xf32, #tpu.memory_space<hbm>>
        %dma_start3A_141 = arith.constant 0 : i32
        %dma_start3A_142 = arith.constant 0 : i32
        %dma_start3A_143 = arith.constant 0 : i32
        %dma_start3A_144 = tpu.memref_slice %arg11[%run_scoped3A_128, %dma_start3A_141, %dma_start3A_142, %dma_start3A_143] : memref<2x512x2x32xf32, #tpu.memory_space<vmem>> -> memref<1x512x2x32xf32, #tpu.memory_space<vmem>>
        %dma_start3A_145 = tpu.memref_squeeze %dma_start3A_144 : memref<1x512x2x32xf32, #tpu.memory_space<vmem>> -> memref<512x2x32xf32, #tpu.memory_space<vmem>>
        tpu.enqueue_dma source(%dma_start3A_145 : memref<512x2x32xf32, #tpu.memory_space<vmem>>) target(%dma_start3A_140 : memref<512x2x32xf32, #tpu.memory_space<hbm>>) target_semaphore(%run_scoped3A_129 : memref<!tpu.dma_semaphore, #tpu.memory_space<semaphore_mem>>)
        %dma_wait3A_146 = arith.constant 0 : i32
        %dma_wait3A_147 = arith.constant 0 : i32
        %dma_wait3A_148 = arith.constant 0 : i32
        %dma_wait3A_149 = tpu.memref_slice %arg11[%run_scoped3A_128, %dma_wait3A_146, %dma_wait3A_147, %dma_wait3A_148] : memref<2x512x2x32xf32, #tpu.memory_space<vmem>> -> memref<1x512x2x32xf32, #tpu.memory_space<vmem>>
        %dma_wait3A_150 = tpu.memref_squeeze %dma_wait3A_149 : memref<1x512x2x32xf32, #tpu.memory_space<vmem>> -> memref<512x2x32xf32, #tpu.memory_space<vmem>>
        %dma_wait3A_151 = arith.constant 0 : i32
        %dma_wait3A_152 = arith.constant 0 : i32
        %dma_wait3A_153 = tpu.memref_slice %arg6[%add3A_109, %dma_wait3A_151, %dma_wait3A_152] : memref<819200x2x32xf32, #tpu.memory_space<hbm>> -> memref<512x2x32xf32, #tpu.memory_space<hbm>>
        %dma_wait3A_154 = arith.constant 0 : i32
        %dma_wait3A_155 = arith.constant 0 : i32
        %dma_wait3A_156 = tpu.memref_slice %arg6[%add3A_109, %dma_wait3A_154, %dma_wait3A_155] : memref<819200x2x32xf32, #tpu.memory_space<hbm>> -> memref<512x2x32xf32, #tpu.memory_space<hbm>>
        %dma_wait3A_157 = arith.constant 0 : i32
        %dma_wait3A_158 = arith.constant 0 : i32
        %dma_wait3A_159 = arith.constant 0 : i32
        %dma_wait3A_160 = tpu.memref_slice %arg11[%run_scoped3A_128, %dma_wait3A_157, %dma_wait3A_158, %dma_wait3A_159] : memref<2x512x2x32xf32, #tpu.memory_space<vmem>> -> memref<1x512x2x32xf32, #tpu.memory_space<vmem>>
        %dma_wait3A_161 = tpu.memref_squeeze %dma_wait3A_160 : memref<1x512x2x32xf32, #tpu.memory_space<vmem>> -> memref<512x2x32xf32, #tpu.memory_space<vmem>>
        tpu.wait_dma2 semaphore(%run_scoped3A_129 : memref<!tpu.dma_semaphore, #tpu.memory_space<semaphore_mem>>) src(%dma_wait3A_161 : memref<512x2x32xf32, #tpu.memory_space<vmem>>) dst(%dma_wait3A_156 : memref<512x2x32xf32, #tpu.memory_space<hbm>>)
        tpu.yield
      }) : () -> ()
    }
    %scan3A_30 = arith.constant 25 : i32
    return
  }
}

</mosaic_0001>

<sc_bundles>
// kernel: kernel.3.cloned.1.call-start
scs
__scs_entry_jumppad:
0x0: {  	(pc) =	sbr.rel $0x88, $3  }
0x1: {  	(tag) =	ssettag $0x0;
	lr =	simm.s32 $0x1  }
0x2: {  	[smem:$0x3F9D] =	sst lr;
	_ =	strace $0xD0000000  }
0x3: {  	_ = 	snop  }
0x4: {  	_ = 	snop  }
0x5: {  	_ = 	snop  }
0x6: {  	_ = 	snop  }
0x7: {  	_ = 	snop  }
__scs_overlays_trampoline_lowered:
0x8: {  	[smem:$0x3FAC] =	sst s0  }
0x9: {  	[smem:$0x3FAD] =	sst s1  }
0xa: {  	[smem:$0x3FAE] =	sst s2  }
0xb: {  	[smem:$0x3FAF] =	sst s3  }
0xc: {  	[smem:$0x3FB0] =	sst s4  }
0xd: {  	[smem:$0x3FB1] =	sst s5  }
0xe: {  	[smem:$0x3FB2] =	sst s6  }
0xf: {  	[smem:$0x3FB3] =	sst s7  }
0x10: {  	[smem:$0x3FB4] =	sst s8  }
0x11: {  	[smem:$0x3FB5] =	sst s9;
	s0 =	simm.s32 @!p0 $0x0  }
0x12: {  	s1 =	sld [smem:$0x3F9B];
	s0 =	simm.s32 @p0 $0x1  }
0x13: {  	[smem:$0x3FB6] =	sst s0;
	s0 =	simm.s32 @!p1 $0x0  }
0x14: {  	s2 =	sld [smem:$0x3F9A];
	s0 =	simm.s32 @p1 $0x1  }
0x15: {  	[smem:$0x3FB7] =	sst s0;
	s0 =	simm.s32 @!p2 $0x0  }
0x16: {  	s3 =	sld [smem:$0x3FDB];
	s0 =	simm.s32 @p2 $0x1  }
0x17: {  	s4 =	simm.s32 $0x1BF5;
	[smem:$0x3FB9] =	sst s0  }
0x18: {  	s0 =	sld [smem:$0x3F9C];
	_ =	swait.ge [sflag:s4], $0x0  }
0x19: {  	s7 =	sld [smem:$0x3F9D]  }
0x1a: {  	s8 =	sadd.s32 $0xFFFFE003, lr  }
0x1b: {  	s9 =	sadd.s32 $0xFFFFFEF7, lr;
	s5 =	simm.s32 $0xFFFFFFFF;
	p2 =	slt.u32 s8, $0xFFFFF086  }
0x1c: {  	p1 =	slt.u32 s9, $0xF7A;
	s5 =	simm.s32 @!p2 $0x0  }
0x1d: {  	s5 =	simm.s32 @p1 $0x1;
	p0 =	seq.s32 s7, s2  }
0x1e: {  	s7 =	smul.u32 @!p0 $0xF7A, s2;
	p2 =	seq.s32 @!p0 s5, $0x0  }
0x1f: {  	s9 =	smul.u32 $0xF7A, s1;
	s8 =	simm.s32 @!p0 $0x1BF5;
	p2 =	por !p2, p0  }
0x20: {  	[sflag:s8] =	ssyncset.s32 @!p0 $0xFFFFF086;
	s6 =	sadd.s32 @!p0 s3, s7;
	s7 =	simm.s32 @!p0 $0x108  }
0x21: {  	s3 =	sadd.s32 s3, s9;
	s6 =	sadd.s32 @!p0 $0x88, s6;
	s7 =	simm.s32 @p2 $0x1082  }
0x22: {  	[simem:s7], [sflag:s8] =	dma.local @!p0 [hbm:s6], $0xF7A  }
0x23: {  	s9 =	sor.u32 $0xD0000000, s2;
	s6 =	simm.s32 $0x108;
	_ =	swait.ge @!p0 [sflag:s8], $0x0  }
0x24: {  	s3 =	sadd.s32 $0x88, s3;
	s6 =	simm.s32 @!p1 $0x1082;
	[sflag:s4] =	ssyncset.s32 $0xFFFFF086  }
0x25: {  	[simem:s6], [sflag:s4] =	dma.local [hbm:s3], $0xF7A  }
0x26: {  	[smem:$0x3F9D] =	sst s1;
	(tag) =	ssettag s2;
	_ =	strace s9  }
0x27: {  	s1 =	sld [smem:$0x3FAD]  }
0x28: {  	s2 =	sld [smem:$0x3FAE]  }
0x29: {  	s4 =	sld [smem:$0x3FB0]  }
0x2a: {  	p0 =	seq.s32 s5, $0x0;
	s5 =	sld [smem:$0x3FB1]  }
0x2b: {  	s6 =	sld [smem:$0x3FB2]  }
0x2c: {  	s7 =	sld [smem:$0x3FB3]  }
0x2d: {  	s3 =	simm.s32 $0x108;
	s8 =	sld [smem:$0x3FB4]  }
0x2e: {  	s3 =	simm.s32 @!p0 $0x1082;
	s9 =	sld [smem:$0x3FB5]  }
0x2f: {  	lr =	sadd.s32 s0, s3;
	s0 =	sld [smem:$0x3FAC]  }
0x30: {  	s3 =	sld [smem:$0x3FAF]  }
0x31: {  	[smem:$0x3FB8] =	sst s10  }
0x32: {  	s10 =	sld [smem:$0x3FB6];
	_ =	sdelay $0x3  }
0x33: {  	p0 =	seq.s32 s10, $0x1;
	s10 =	sld [smem:$0x3FB8];
	_ =	sdelay $0x3  }
0x34: {  	[smem:$0x3FB8] =	sst s10  }
0x35: {  	s10 =	sld [smem:$0x3FB7];
	_ =	sdelay $0x3  }
0x36: {  	p1 =	seq.s32 s10, $0x1;
	s10 =	sld [smem:$0x3FB8];
	_ =	sdelay $0x3  }
0x37: {  	[smem:$0x3FB8] =	sst s10  }
0x38: {  	s10 =	sld [smem:$0x3FB9]  }
0x39: {  	_ = 	snop;
	(pc) =	sbr.ind lr, $3  }
0x3a: {  	_ = 	snop  }
0x3b: {  	_ = 	snop  }
0x3c: {  	p2 =	seq.s32 s10, $0x1;
	s10 =	sld [smem:$0x3FB8]  }
0x3d: {  	_ =	shalt  }
0x3e: {  	_ =	shalt  }
0x3f: {  	_ =	shalt  }
0x40: {  	_ =	shalt  }
0x41: {  	_ =	shalt  }
0x42: {  	_ =	shalt  }
0x43: {  	_ =	shalt  }
0x44: {  	_ =	shalt  }
0x45: {  	_ =	shalt  }
0x46: {  	_ =	shalt  }
0x47: {  	_ =	shalt  }
0x48: {  	_ =	shalt  }
0x49: {  	_ =	shalt  }
0x4a: {  	_ =	shalt  }
0x4b: {  	_ =	shalt  }
0x4c: {  	_ =	shalt  }
0x4d: {  	_ =	shalt  }
0x4e: {  	_ =	shalt  }
0x4f: {  	_ =	shalt  }
0x50: {  	_ =	shalt  }
0x51: {  	_ =	shalt  }
0x52: {  	_ =	shalt  }
0x53: {  	_ =	shalt  }
0x54: {  	_ =	shalt  }
0x55: {  	_ =	shalt  }
0x56: {  	_ =	shalt  }
0x57: {  	_ =	shalt  }
0x58: {  	_ =	shalt  }
0x59: {  	_ =	shalt  }
0x5a: {  	_ =	shalt  }
0x5b: {  	_ =	shalt  }
0x5c: {  	_ =	shalt  }
0x5d: {  	_ =	shalt  }
0x5e: {  	_ =	shalt  }
0x5f: {  	_ =	shalt  }
0x60: {  	_ =	shalt  }
0x61: {  	_ =	shalt  }
0x62: {  	_ =	shalt  }
0x63: {  	_ =	shalt  }
0x64: {  	_ =	shalt  }
0x65: {  	_ =	shalt  }
0x66: {  	_ =	shalt  }
0x67: {  	_ =	shalt  }
0x68: {  	_ =	shalt  }
0x69: {  	_ =	shalt  }
0x6a: {  	_ =	shalt  }
0x6b: {  	_ =	shalt  }
0x6c: {  	_ =	shalt  }
0x6d: {  	_ =	shalt  }
0x6e: {  	_ =	shalt  }
0x6f: {  	_ =	shalt  }
0x70: {  	_ =	shalt  }
0x71: {  	_ =	shalt  }
0x72: {  	_ =	shalt  }
0x73: {  	_ =	shalt  }
0x74: {  	_ =	shalt  }
0x75: {  	_ =	shalt  }
0x76: {  	_ =	shalt  }
0x77: {  	_ =	shalt  }
0x78: {  	_ =	shalt  }
0x79: {  	_ =	shalt  }
0x7a: {  	_ =	shalt  }
0x7b: {  	_ =	shalt  }
0x7c: {  	_ =	shalt  }
0x7d: {  	_ =	shalt  }
0x7e: {  	_ =	shalt  }
0x7f: {  	_ =	shalt  }
0x80: {  	_ =	shalt  }
0x81: {  	_ =	shalt  }
0x82: {  	_ =	shalt  }
0x83: {  	_ =	shalt  }
0x84: {  	_ =	shalt  }
0x85: {  	_ =	shalt  }
0x86: {  	_ =	shalt  }
0x87: {  	_ =	shalt  }
.Lfunc_end0:
.L_simem_size_0:
called_computation.1_lowered:
.L_overlay_start_0:
0x88: {  	s2 =	sld [smem:$0x3FD9]  }
0x89: {  	s3 =	sld [smem:$0x3FFE];
	_ =	sdelay $0x1  }
0x8a: {  	s1 =	srdreg.scid  }
0x8b: {  	s0 =	sand.u32 $0x1, s1  }
0x8c: {  	s17 =	sshll.u32 s0, $0xA;
	s2 =	sadd.s32 s3, s2  }
0x8d: {  	s2 =	sadd.s32 s2, s17  }
0x8e: {  	[smem:$0x3FC4] =	sst s2  }
0x8f: {  	_ = 	snop  }
0x90: {  	s2 =	sld [smem:$0x3FC6]  }
0x91: {  	s18 =	sld [smem:$0x3FD0];
	(tm) =	ssettm $0x1  }
0x92: {  	s4 =	sld [smem:$0x3FFB];
	_ =	sdelay $0x3  }
0x93: {  	_ =	strace s4  }
0x94: {  	s4 =	sld [smem:$0x3FFC];
	_ =	sdelay $0x3  }
0x95: {  	_ =	strace s4  }
0x96: {  	s4 =	sld [smem:$0x3FFD];
	_ =	sdelay $0x3  }
0x97: {  	_ =	strace s4  }
0x98: {  	_ =	strace $0x8FFFFFFF  }
0x99: {  	s19 =	sld [smem:$0x3FDB];
	_ =	sdelay $0x1  }
0x9a: {  	s5 =	simm.s32 $_scs_section_size  }
0x9b: {  	s6 =	simm.s32 $_size__tile_overlayer_lowered;
	s7 =	simm.s32 $_tile_overlayer_lowered  }
0x9c: {  	s22 =	simm.s32 $0x1BFF;
	s21 =	sshll.u32 s7, $0x1;
	s4 =	sadd.s32 s5, s19  }
0x9d: {  	s8 =	simm.s32 $0x0;
	s20 =	sshll.u32 s6, $0x1;
	s6 =	sadd.s32 s21, s4  }
0x9e: {  	[timem:s8], [sflag:s22] =	dma.local [hbm:s6], s20  }
0x9f: {  	_ =	swait.ge [sflag:s22], s20  }
0xa0: {  	s5 =	ssub.s32 $0x0, s20;
	[sflag:s22] =	ssyncset.done $0x0  }
0xa1: {  	[sflag:s22] =	ssyncadd.s32 s5;
	_ =	sdelay $0x1  }
0xa2: {  	s23 =	simm.s32 $0x1B8B  }
0xa3: {  	_ =	swait.ge [sflag:s23], $0x1  }
0xa4: {  	[sflag:s23] =	ssyncset.done $0x0  }
0xa5: {  	s25 =	simm.s32 $0x1B8E;
	s24 =	sld [smem:$0x3FFE];
	[sflag:s23] =	ssyncadd.s32 $0xFFFFFFFF  }
0xa6: {  	s26 =	simm.s32 $execute0_lowered;
	[smem:$0x3FD2] =	sst s25  }
0xa7: {  	s6 =	sshll.u32 s26, $0x1;
	_ =	strace $0x80000046;
	[dreg:$0x1] =	wrdreg $0xFFFFFFFF  }
0xa8: {  	s28 =	simm.s32 $_size_execute0_lowered;
	s4 =	sadd.s32 s4, s6;
	[dreg:$0x0] =	wrdreg $0x0  }
0xa9: {  	s6 =	sshll.u32 s28, $0x1;
	[dreg:$0x2] =	wrdreg s4  }
0xaa: {  	[dreg:$0x3] =	wrdreg s6  }
0xab: {  	[dreg:$0x4] =	wrdreg $0xC0  }
0xac: {  	_ =	task [dreg:s8], $0x5FFFF  }
0xad: {  	[dreg:$0x1] =	wrdreg $0xFFFFFFFF  }
0xae: {  	[dreg:$0x0] =	wrdreg $0x60  }
0xaf: {  	[dreg:$0x2] =	wrdreg s24  }
0xb0: {  	[dreg:$0x3] =	wrdreg s2  }
0xb1: {  	[dreg:$0x4] =	wrdreg s18  }
0xb2: {  	[dreg:$0x5] =	wrdreg $0x9  }
0xb3: {  	_ =	task.clear_ibuf [dreg:s8], $0x6FFFF;
	_ =	strace $0x90000046  }
0xb4: {  	s29 =	simm.s32 $0x9;
	_ =	strace $0x80000048  }
0xb5: {  	_ =	swait.ge [sflag:s29], $0x1  }
0xb6: {  	[sflag:s29] =	ssyncadd.s32 $0xFFFFFFFF  }
0xb7: {  	_ =	strace $0x90000048  }
0xb8: {  	_ =	sfence  }
0xb9: {  	s30 =	sld [smem:$0x0];
	_ =	sdelay $0x2  }
0xba: {  	s31 =	sshll.u32 s1, $0xD;
	s1 =	sshrl.u32 s1, $0x2  }
0xbb: {  	s3 =	sand.u32 $0x4000, s31;
	s1 =	sadd.s32 s1, s30  }
0xbc: {  	s0 =	sor.u32 s3, s0;
	s1 =	sshll.u32 s1, $0x11  }
0xbd: {  	s0 =	sor.u32 s1, s0  }
0xbe: {  	s0 =	sadd.s32 $0x8F2B, s0  }
0xbf: {  	[sflag:s0] =	ssyncadd.remote.s32 $0x1  }
0xc0: {  	_ =	sfence.sel $0xFFFF  }
0xc1: {  	[dreg:$0x0] =	wrdreg $0xFFFFFFFF;
	(pc) =	sbr.abs _section_cstart, $3  }
0xc2: {  	[dreg:$0x1] =	wrdreg $0xFFFFFFFF  }
0xc3: {  	_ =	task.clear_ibuf [dreg:s8], $0x2FFFF;
	_ =	strace $0x9FFFFFFF  }
0xc4: {  	(tm) =	ssettm $0x7FFFFFFF  }
0xc5: {  	_ =	shalt  }
tec
execute0_lowered:
.L_overlay_start_1:
0x0: {  	(tag) =	ssettag $0x1  }
0x1: {  	s6 =	rddreg [dreg:$0x0]  }
0x2: {  	s1 =	srdreg.scid;
	s2 =	rddreg [dreg:$0x1]  }
0x3: {  	s0 =	stileid.u32;
	s3 =	rddreg [dreg:$0x2];
	s4 =	simm.s32 $0x0  }
0x4: {  	s11 =	simm.s32 $0x6400;
	s12 =	simm.s32 $0x200;
	s13 =	simm.s32 $0x67C0  }
0x5: {  	s14 =	simm.s32 $0x6BC0;
	s15 =	simm.s32 $0x69C0;
	s16 =	simm.s32 $0xABC0  }
0x6: {  	s17 =	simm.s32 $0x3;
	s18 =	simm.s32 $0x1;
	s19 =	simm.s32 $0xEBC0  }
0x7: {  	s20 =	simm.s32 $0x4;
	s21 =	simm.s32 $0x2;
	s22 =	simm.s32 $0x16BC0  }
0x8: {  	s5 =	sand.u32 $0x1, s1;
	s31 =	sshll.u32 s0, $0x1;
	s1 =	rddreg [dreg:$0x3]  }
0x9: {  	s23 =	simm.s32 $0x0;
	[smem:$0x7FF] =	sst s4;
	s8 =	sor.u32 s5, s31  }
0xa: {  	_ =	strace $0x80000047;
	s9 =	ssub.s32 $0x2, s5;
	s7 =	smul.u32 $0xC80, s8  }
0xb: {  	s5 =	sadd.s32 $0xF43000, s6;
	s10 =	sshrl.u32 s9, $0x1;
	s8 =	smul.u32 $0x190000, s8  }
0xc: {  	s9 =	ssub.s32 s9, s10;
	s10 =	simm.s32 $0x5;
	s7 =	sadd.s32 s7, s6  }
0xd: {  	s6 =	sadd.s32 $0x19C00, s6;
	s9 =	smax.u32 s9, $0x1;
	s7 =	sadd.s32 $0xC00, s7  }
.LBB2_1:
0xe: {  	[tilespmem:s4], [sflag:$0x5] =	stream.linear.gather [hbm4b:s7+s4], $0x6400, $0x38;
	[tilespmem:$0x1EBC0] =	vst v63  }
0xf: {  	_ =	swait.ge [sflag:s10], $0x6400  }
0x10: {  	[sflag:s10] =	ssyncset.done $0x0  }
0x11: {  	[sflag:s10] =	ssyncadd.s32 $0xFFFF9C00  }
0x12: {  	[tilespmem:s11], [sflag:$0x5] =	stream.linear.gather [hbm4b:s6+s4], $0x3C0, $0x38;
	[tilespmem:$0x1EBC0] =	vst v63  }
0x13: {  	_ =	swait.ge [sflag:s10], $0x3C0  }
0x14: {  	[sflag:s10] =	ssyncset.done $0x0  }
0x15: {  	[sflag:s10] =	ssyncadd.s32 $0xFFFFFC40  }
0x16: {  	[tilespmem:s13], [sflag:$0x3] =	stream.indirect.gather [hbm4b:s2+s12], $0x1, s4, s12, $0xb8;
	[tilespmem:$0x1EBC0] =	vst v63  }
0x17: {  	s24 =	simm.s32 $0x0  }
0x18: {  	[tilespmem:s14], [sflag:$0x1] =	stream.indirect.gather [hbm4b:s5+s12], $0x20, s4, s12, $0xb8;
	[tilespmem:$0x1EBC0] =	vst v63  }
.LBB2_2:
0x19: {  	s25 =	sshllo.u32 s24, $0x1  }
0x1a: {  	s26 =	sshll.u32 s25, $0x9  }
0x1b: {  	s26 =	sand.u32 $0x3FFFFE00, s26  }
0x1c: {  	[tilespmem:s15], [sflag:$0x4] =	stream.indirect.gather [hbm4b:s2+s12], $0x1, s26, s12, $0xb8;
	[tilespmem:$0x1EBC0] =	vst v63  }
0x1d: {  	_ = 	snop  }
0x1e: {  	[tilespmem:s16], [sflag:$0x2] =	stream.indirect.gather [hbm4b:s5+s12], $0x20, s26, s12, $0xb8;
	[tilespmem:$0x1EBC0] =	vst v63  }
0x1f: {  	_ =	swait.ge [sflag:s17], $0x200  }
0x20: {  	[sflag:s17] =	ssyncset.done $0x0  }
0x21: {  	s31 =	simm.s32 $0x0;
	[sflag:s17] =	ssyncadd.s32 $0xFFFFFE00  }
0x22: {  	v0 =	vld [tilespmem:s31+$0x67C0];
	_ =	sdelay $0x4  }
0x23: {  	v0 =	vshll.u32 v0, $0x7  }
0x24: {  	v0 =	vshra.s32 v0, $0x2  }
0x25: {  	(v2sf) =	vpush v0, $0x0;
	_ =	sdelay $0xb  }
0x26: {  	(v2sf) =	vpush v0, $0x1;
	_ =	sdelay $0x2  }
0x27: {  	s28 =	spop (v2sf)  }
0x28: {  	v1 =	vld [tilespmem:s28+$0x6400];
	_ =	sdelay $0x3  }
0x29: {  	s26 =	simm.s32 $0xEDE0  }
0x2a: {  	[tilespmem:s26+$0xFFFFFE00] =	vst v1  }
0x2b: {  	v1 =	vld [tilespmem:s28+$0x6410];
	_ =	sdelay $0x1  }
0x2c: {  	(v2sf) =	vpush v0, $0x2;
	_ =	sdelay $0x2  }
0x2d: {  	s28 =	spop (v2sf);
	[tilespmem:s26+$0xFFFFFE10] =	vst v1  }
0x2e: {  	v1 =	vld [tilespmem:s28+$0x6400];
	_ =	sdelay $0x4  }
0x2f: {  	[tilespmem:s26+$0xFFFFFE40] =	vst v1  }
0x30: {  	v1 =	vld [tilespmem:s28+$0x6410];
	_ =	sdelay $0x1  }
0x31: {  	(v2sf) =	vpush v0, $0x3;
	_ =	sdelay $0x2  }
0x32: {  	s28 =	spop (v2sf);
	[tilespmem:s26+$0xFFFFFE50] =	vst v1  }
0x33: {  	v1 =	vld [tilespmem:s28+$0x6400];
	_ =	sdelay $0x4  }
0x34: {  	[tilespmem:s26+$0xFFFFFE80] =	vst v1  }
0x35: {  	v1 =	vld [tilespmem:s28+$0x6410];
	_ =	sdelay $0x1  }
0x36: {  	(v2sf) =	vpush v0, $0x4;
	_ =	sdelay $0x2  }
0x37: {  	s28 =	spop (v2sf);
	[tilespmem:s26+$0xFFFFFE90] =	vst v1  }
0x38: {  	v1 =	vld [tilespmem:s28+$0x6400];
	_ =	sdelay $0x4  }
0x39: {  	[tilespmem:s26+$0xFFFFFEC0] =	vst v1  }
0x3a: {  	v1 =	vld [tilespmem:s28+$0x6410];
	_ =	sdelay $0x1  }
0x3b: {  	(v2sf) =	vpush v0, $0x5;
	_ =	sdelay $0x2  }
0x3c: {  	s28 =	spop (v2sf);
	[tilespmem:s26+$0xFFFFFED0] =	vst v1  }
0x3d: {  	v1 =	vld [tilespmem:s28+$0x6400];
	_ =	sdelay $0x4  }
0x3e: {  	[tilespmem:s26+$0xFFFFFF00] =	vst v1  }
0x3f: {  	v1 =	vld [tilespmem:s28+$0x6410];
	_ =	sdelay $0x1  }
0x40: {  	(v2sf) =	vpush v0, $0x6;
	_ =	sdelay $0x2  }
0x41: {  	s28 =	spop (v2sf);
	[tilespmem:s26+$0xFFFFFF10] =	vst v1  }
0x42: {  	v1 =	vld [tilespmem:s28+$0x6400];
	_ =	sdelay $0x4  }
0x43: {  	[tilespmem:s26+$0xFFFFFF40] =	vst v1  }
0x44: {  	v1 =	vld [tilespmem:s28+$0x6410];
	_ =	sdelay $0x1  }
0x45: {  	(v2sf) =	vpush v0, $0x7;
	_ =	sdelay $0x2  }
0x46: {  	s28 =	spop (v2sf);
	[tilespmem:s26+$0xFFFFFF50] =	vst v1  }
0x47: {  	v1 =	vld [tilespmem:s28+$0x6400];
	_ =	sdelay $0x4  }
0x48: {  	[tilespmem:s26+$0xFFFFFF80] =	vst v1  }
0x49: {  	v1 =	vld [tilespmem:s28+$0x6410];
	_ =	sdelay $0x1  }
0x4a: {  	(v2sf) =	vpush v0, $0x8;
	_ =	sdelay $0x2  }
0x4b: {  	s28 =	spop (v2sf);
	[tilespmem:s26+$0xFFFFFF90] =	vst v1  }
0x4c: {  	v1 =	vld [tilespmem:s28+$0x6400];
	_ =	sdelay $0x4  }
0x4d: {  	[tilespmem:s26+$0xFFFFFFC0] =	vst v1  }
0x4e: {  	v1 =	vld [tilespmem:s28+$0x6410];
	_ =	sdelay $0x1  }
0x4f: {  	(v2sf) =	vpush v0, $0x9;
	_ =	sdelay $0x2  }
0x50: {  	s28 =	spop (v2sf);
	[tilespmem:s26+$0xFFFFFFD0] =	vst v1  }
0x51: {  	v1 =	vld [tilespmem:s28+$0x6400];
	_ =	sdelay $0x4  }
0x52: {  	[tilespmem:s26+$0x0] =	vst v1  }
0x53: {  	v1 =	vld [tilespmem:s28+$0x6410];
	_ =	sdelay $0x1  }
0x54: {  	(v2sf) =	vpush v0, $0xA;
	_ =	sdelay $0x2  }
0x55: {  	s28 =	spop (v2sf);
	[tilespmem:s26+$0x10] =	vst v1  }
0x56: {  	v1 =	vld [tilespmem:s28+$0x6400];
	_ =	sdelay $0x4  }
0x57: {  	[tilespmem:s26+$0x40] =	vst v1  }
0x58: {  	v1 =	vld [tilespmem:s28+$0x6410];
	_ =	sdelay $0x1  }
0x59: {  	(v2sf) =	vpush v0, $0xB;
	_ =	sdelay $0x2  }
0x5a: {  	s28 =	spop (v2sf);
	[tilespmem:s26+$0x50] =	vst v1  }
0x5b: {  	v1 =	vld [tilespmem:s28+$0x6400];
	_ =	sdelay $0x4  }
0x5c: {  	[tilespmem:s26+$0x80] =	vst v1  }
0x5d: {  	v1 =	vld [tilespmem:s28+$0x6410];
	_ =	sdelay $0x1  }
0x5e: {  	(v2sf) =	vpush v0, $0xC;
	_ =	sdelay $0x2  }
0x5f: {  	s28 =	spop (v2sf);
	[tilespmem:s26+$0x90] =	vst v1  }
0x60: {  	v1 =	vld [tilespmem:s28+$0x6400];
	_ =	sdelay $0x4  }
0x61: {  	[tilespmem:s26+$0xC0] =	vst v1  }
0x62: {  	v1 =	vld [tilespmem:s28+$0x6410];
	_ =	sdelay $0x1  }
0x63: {  	(v2sf) =	vpush v0, $0xD;
	_ =	sdelay $0x2  }
0x64: {  	s28 =	spop (v2sf);
	[tilespmem:s26+$0xD0] =	vst v1  }
0x65: {  	v1 =	vld [tilespmem:s28+$0x6400];
	_ =	sdelay $0x4  }
0x66: {  	[tilespmem:s26+$0x100] =	vst v1  }
0x67: {  	v1 =	vld [tilespmem:s28+$0x6410];
	_ =	sdelay $0x1  }
0x68: {  	(v2sf) =	vpush v0, $0xE;
	_ =	sdelay $0x2  }
0x69: {  	s28 =	spop (v2sf);
	[tilespmem:s26+$0x110] =	vst v1  }
0x6a: {  	v1 =	vld [tilespmem:s28+$0x6400];
	_ =	sdelay $0x4  }
0x6b: {  	[tilespmem:s26+$0x140] =	vst v1  }
0x6c: {  	v1 =	vld [tilespmem:s28+$0x6410];
	_ =	sdelay $0x1  }
0x6d: {  	(v2sf) =	vpush v0, $0xF;
	_ =	sdelay $0x2  }
0x6e: {  	s28 =	spop (v2sf);
	[tilespmem:s26+$0x150] =	vst v1  }
0x6f: {  	v0 =	vld [tilespmem:s28+$0x6400];
	_ =	sdelay $0x4  }
0x70: {  	[tilespmem:s26+$0x180] =	vst v0  }
0x71: {  	v0 =	vld [tilespmem:s28+$0x6410];
	_ =	sdelay $0x4  }
0x72: {  	s29 =	spop (v2sf);
	[tilespmem:s26+$0x190] =	vst v0  }
0x73: {  	v0 =	vld [tilespmem:s29+$0x6400];
	_ =	sdelay $0x4  }
0x74: {  	[tilespmem:s26+$0x1C0] =	vst v0  }
0x75: {  	s30 =	simm.s32 $0x80;
	s28 =	simm.s32 $0x40;
	v0 =	vld [tilespmem:s29+$0x6410]  }
.LBB2_3:
0x76: {  	_ =	sdelay $0x2  }
0x77: {  	s31 =	sshra.s32 s28, $0x2  }
0x78: {  	s28 =	smov.u32 s30;
	s29 =	sadd.s32 $0x40, s30;
	[tilespmem:s26+$0x1D0] =	vst v0;
	s26 =	sadd.s32 $0x400, s26  }
0x79: {  	p0 =	sne.s32 s30, $0x7C0;
	v0 =	vld [tilespmem:s31+$0x67C0];
	_ =	sdelay $0x4  }
0x7a: {  	v0 =	vshll.u32 v0, $0x7  }
0x7b: {  	v0 =	vshra.s32 v0, $0x2  }
0x7c: {  	(v2sf) =	vpush v0, $0x0;
	_ =	sdelay $0xb  }
0x7d: {  	(v2sf) =	vpush v0, $0x1;
	_ =	sdelay $0x2  }
0x7e: {  	s30 =	spop (v2sf)  }
0x7f: {  	v1 =	vld [tilespmem:s30+$0x6400];
	_ =	sdelay $0x4  }
0x80: {  	[tilespmem:s26+$0xFFFFFE00] =	vst v1  }
0x81: {  	v1 =	vld [tilespmem:s30+$0x6410];
	_ =	sdelay $0x1  }
0x82: {  	(v2sf) =	vpush v0, $0x2;
	_ =	sdelay $0x2  }
0x83: {  	[tilespmem:s26+$0xFFFFFE10] =	vst v1;
	s30 =	spop (v2sf)  }
0x84: {  	v1 =	vld [tilespmem:s30+$0x6400];
	_ =	sdelay $0x4  }
0x85: {  	[tilespmem:s26+$0xFFFFFE40] =	vst v1  }
0x86: {  	v1 =	vld [tilespmem:s30+$0x6410];
	_ =	sdelay $0x1  }
0x87: {  	(v2sf) =	vpush v0, $0x3;
	_ =	sdelay $0x2  }
0x88: {  	[tilespmem:s26+$0xFFFFFE50] =	vst v1;
	s30 =	spop (v2sf)  }
0x89: {  	v1 =	vld [tilespmem:s30+$0x6400];
	_ =	sdelay $0x4  }
0x8a: {  	[tilespmem:s26+$0xFFFFFE80] =	vst v1  }
0x8b: {  	v1 =	vld [tilespmem:s30+$0x6410];
	_ =	sdelay $0x1  }
0x8c: {  	(v2sf) =	vpush v0, $0x4;
	_ =	sdelay $0x2  }
0x8d: {  	[tilespmem:s26+$0xFFFFFE90] =	vst v1;
	s30 =	spop (v2sf)  }
0x8e: {  	v1 =	vld [tilespmem:s30+$0x6400];
	_ =	sdelay $0x4  }
0x8f: {  	[tilespmem:s26+$0xFFFFFEC0] =	vst v1  }
0x90: {  	v1 =	vld [tilespmem:s30+$0x6410];
	_ =	sdelay $0x1  }
0x91: {  	(v2sf) =	vpush v0, $0x5;
	_ =	sdelay $0x2  }
0x92: {  	[tilespmem:s26+$0xFFFFFED0] =	vst v1;
	s30 =	spop (v2sf)  }
0x93: {  	v1 =	vld [tilespmem:s30+$0x6400];
	_ =	sdelay $0x4  }
0x94: {  	[tilespmem:s26+$0xFFFFFF00] =	vst v1  }
0x95: {  	v1 =	vld [tilespmem:s30+$0x6410];
	_ =	sdelay $0x1  }
0x96: {  	(v2sf) =	vpush v0, $0x6;
	_ =	sdelay $0x2  }
0x97: {  	[tilespmem:s26+$0xFFFFFF10] =	vst v1;
	s30 =	spop (v2sf)  }
0x98: {  	v1 =	vld [tilespmem:s30+$0x6400];
	_ =	sdelay $0x4  }
0x99: {  	[tilespmem:s26+$0xFFFFFF40] =	vst v1  }
0x9a: {  	v1 =	vld [tilespmem:s30+$0x6410];
	_ =	sdelay $0x1  }
0x9b: {  	(v2sf) =	vpush v0, $0x7;
	_ =	sdelay $0x2  }
0x9c: {  	[tilespmem:s26+$0xFFFFFF50] =	vst v1;
	s30 =	spop (v2sf)  }
0x9d: {  	v1 =	vld [tilespmem:s30+$0x6400];
	_ =	sdelay $0x4  }
0x9e: {  	[tilespmem:s26+$0xFFFFFF80] =	vst v1  }
0x9f: {  	v1 =	vld [tilespmem:s30+$0x6410];
	_ =	sdelay $0x1  }
0xa0: {  	(v2sf) =	vpush v0, $0x8;
	_ =	sdelay $0x2  }
0xa1: {  	[tilespmem:s26+$0xFFFFFF90] =	vst v1;
	s30 =	spop (v2sf)  }
0xa2: {  	v1 =	vld [tilespmem:s30+$0x6400];
	_ =	sdelay $0x4  }
0xa3: {  	[tilespmem:s26+$0xFFFFFFC0] =	vst v1  }
0xa4: {  	v1 =	vld [tilespmem:s30+$0x6410];
	_ =	sdelay $0x1  }
0xa5: {  	(v2sf) =	vpush v0, $0x9;
	_ =	sdelay $0x2  }
0xa6: {  	[tilespmem:s26+$0xFFFFFFD0] =	vst v1;
	s30 =	spop (v2sf)  }
0xa7: {  	v1 =	vld [tilespmem:s30+$0x6400];
	_ =	sdelay $0x4  }
0xa8: {  	[tilespmem:s26+$0x0] =	vst v1  }
0xa9: {  	v1 =	vld [tilespmem:s30+$0x6410];
	_ =	sdelay $0x1  }
0xaa: {  	(v2sf) =	vpush v0, $0xA;
	_ =	sdelay $0x2  }
0xab: {  	[tilespmem:s26+$0x10] =	vst v1;
	s30 =	spop (v2sf)  }
0xac: {  	v1 =	vld [tilespmem:s30+$0x6400];
	_ =	sdelay $0x4  }
0xad: {  	[tilespmem:s26+$0x40] =	vst v1  }
0xae: {  	v1 =	vld [tilespmem:s30+$0x6410];
	_ =	sdelay $0x1  }
0xaf: {  	(v2sf) =	vpush v0, $0xB;
	_ =	sdelay $0x2  }
0xb0: {  	[tilespmem:s26+$0x50] =	vst v1;
	s30 =	spop (v2sf)  }
0xb1: {  	v1 =	vld [tilespmem:s30+$0x6400];
	_ =	sdelay $0x4  }
0xb2: {  	[tilespmem:s26+$0x80] =	vst v1  }
0xb3: {  	v1 =	vld [tilespmem:s30+$0x6410];
	_ =	sdelay $0x1  }
0xb4: {  	(v2sf) =	vpush v0, $0xC;
	_ =	sdelay $0x2  }
0xb5: {  	[tilespmem:s26+$0x90] =	vst v1;
	s30 =	spop (v2sf)  }
0xb6: {  	v1 =	vld [tilespmem:s30+$0x6400];
	_ =	sdelay $0x4  }
0xb7: {  	[tilespmem:s26+$0xC0] =	vst v1  }
0xb8: {  	v1 =	vld [tilespmem:s30+$0x6410];
	_ =	sdelay $0x1  }
0xb9: {  	(v2sf) =	vpush v0, $0xD;
	_ =	sdelay $0x2  }
0xba: {  	[tilespmem:s26+$0xD0] =	vst v1;
	s30 =	spop (v2sf)  }
0xbb: {  	v1 =	vld [tilespmem:s30+$0x6400];
	_ =	sdelay $0x4  }
0xbc: {  	[tilespmem:s26+$0x100] =	vst v1  }
0xbd: {  	v1 =	vld [tilespmem:s30+$0x6410];
	_ =	sdelay $0x1  }
0xbe: {  	(v2sf) =	vpush v0, $0xE;
	_ =	sdelay $0x2  }
0xbf: {  	[tilespmem:s26+$0x110] =	vst v1;
	s30 =	spop (v2sf)  }
0xc0: {  	v1 =	vld [tilespmem:s30+$0x6400];
	_ =	sdelay $0x4  }
0xc1: {  	[tilespmem:s26+$0x140] =	vst v1  }
0xc2: {  	v1 =	vld [tilespmem:s30+$0x6410];
	_ =	sdelay $0x1  }
0xc3: {  	(v2sf) =	vpush v0, $0xF;
	_ =	sdelay $0x2  }
0xc4: {  	[tilespmem:s26+$0x150] =	vst v1;
	s30 =	spop (v2sf)  }
0xc5: {  	v0 =	vld [tilespmem:s30+$0x6400];
	_ =	sdelay $0x4  }
0xc6: {  	[tilespmem:s26+$0x180] =	vst v0  }
0xc7: {  	v0 =	vld [tilespmem:s30+$0x6410];
	_ =	sdelay $0x4  }
0xc8: {  	[tilespmem:s26+$0x190] =	vst v0;
	s30 =	spop (v2sf)  }
0xc9: {  	v0 =	vld [tilespmem:s30+$0x6400];
	_ =	sdelay $0x1  }
.Ltmp0:
0xca: {  	(pc) =	sbr.rel @p0 .LBB2_3-.Ltmp0, $3  }
0xcb: {  	_ =	sdelay $0x1  }
0xcc: {  	[tilespmem:s26+$0x1C0] =	vst v0  }
0xcd: {  	v0 =	vld [tilespmem:s30+$0x6410];
	s30 =	smov.u32 s29  }
0xce: {  	_ =	sdelay $0x3  }
0xcf: {  	s28 =	sshra.s32 s28, $0x2;
	[tilespmem:s26+$0x1D0] =	vst v0  }
0xd0: {  	v0 =	vld [tilespmem:s28+$0x67C0];
	_ =	sdelay $0x4  }
0xd1: {  	v0 =	vshll.u32 v0, $0x7  }
0xd2: {  	v0 =	vshra.s32 v0, $0x2  }
0xd3: {  	(v2sf) =	vpush v0, $0x0;
	_ =	sdelay $0xb  }
0xd4: {  	(v2sf) =	vpush v0, $0x1;
	_ =	sdelay $0x2  }
0xd5: {  	s28 =	spop (v2sf)  }
0xd6: {  	v1 =	vld [tilespmem:s28+$0x6400];
	_ =	sdelay $0x3  }
0xd7: {  	s31 =	sadd.s32 $0x400, s26  }
0xd8: {  	[tilespmem:s31+$0xFFFFFE00] =	vst v1  }
0xd9: {  	v1 =	vld [tilespmem:s28+$0x6410];
	_ =	sdelay $0x1  }
0xda: {  	(v2sf) =	vpush v0, $0x2;
	_ =	sdelay $0x2  }
0xdb: {  	s28 =	spop (v2sf);
	[tilespmem:s31+$0xFFFFFE10] =	vst v1  }
0xdc: {  	v1 =	vld [tilespmem:s28+$0x6400];
	_ =	sdelay $0x4  }
0xdd: {  	[tilespmem:s31+$0xFFFFFE40] =	vst v1  }
0xde: {  	v1 =	vld [tilespmem:s28+$0x6410];
	_ =	sdelay $0x1  }
0xdf: {  	(v2sf) =	vpush v0, $0x3;
	_ =	sdelay $0x2  }
0xe0: {  	s28 =	spop (v2sf);
	[tilespmem:s31+$0xFFFFFE50] =	vst v1  }
0xe1: {  	v1 =	vld [tilespmem:s28+$0x6400];
	_ =	sdelay $0x4  }
0xe2: {  	[tilespmem:s31+$0xFFFFFE80] =	vst v1  }
0xe3: {  	v1 =	vld [tilespmem:s28+$0x6410];
	_ =	sdelay $0x1  }
0xe4: {  	(v2sf) =	vpush v0, $0x4;
	_ =	sdelay $0x2  }
0xe5: {  	s28 =	spop (v2sf);
	[tilespmem:s31+$0xFFFFFE90] =	vst v1  }
0xe6: {  	v1 =	vld [tilespmem:s28+$0x6400];
	_ =	sdelay $0x4  }
0xe7: {  	[tilespmem:s31+$0xFFFFFEC0] =	vst v1  }
0xe8: {  	v1 =	vld [tilespmem:s28+$0x6410];
	_ =	sdelay $0x1  }
0xe9: {  	(v2sf) =	vpush v0, $0x5;
	_ =	sdelay $0x2  }
0xea: {  	s28 =	spop (v2sf);
	[tilespmem:s31+$0xFFFFFED0] =	vst v1  }
0xeb: {  	v1 =	vld [tilespmem:s28+$0x6400];
	_ =	sdelay $0x4  }
0xec: {  	[tilespmem:s31+$0xFFFFFF00] =	vst v1  }
0xed: {  	v1 =	vld [tilespmem:s28+$0x6410];
	_ =	sdelay $0x1  }
0xee: {  	(v2sf) =	vpush v0, $0x6;
	_ =	sdelay $0x2  }
0xef: {  	s28 =	spop (v2sf);
	[tilespmem:s31+$0xFFFFFF10] =	vst v1  }
0xf0: {  	v1 =	vld [tilespmem:s28+$0x6400];
	_ =	sdelay $0x4  }
0xf1: {  	[tilespmem:s31+$0xFFFFFF40] =	vst v1  }
0xf2: {  	v1 =	vld [tilespmem:s28+$0x6410];
	_ =	sdelay $0x1  }
0xf3: {  	(v2sf) =	vpush v0, $0x7;
	_ =	sdelay $0x2  }
0xf4: {  	s28 =	spop (v2sf);
	[tilespmem:s31+$0xFFFFFF50] =	vst v1  }
0xf5: {  	v1 =	vld [tilespmem:s28+$0x6400];
	_ =	sdelay $0x4  }
0xf6: {  	[tilespmem:s31+$0xFFFFFF80] =	vst v1  }
0xf7: {  	v1 =	vld [tilespmem:s28+$0x6410];
	_ =	sdelay $0x1  }
0xf8: {  	(v2sf) =	vpush v0, $0x8;
	_ =	sdelay $0x2  }
0xf9: {  	s28 =	spop (v2sf);
	[tilespmem:s31+$0xFFFFFF90] =	vst v1  }
0xfa: {  	v1 =	vld [tilespmem:s28+$0x6400];
	_ =	sdelay $0x4  }
0xfb: {  	[tilespmem:s31+$0xFFFFFFC0] =	vst v1  }
0xfc: {  	v1 =	vld [tilespmem:s28+$0x6410];
	_ =	sdelay $0x1  }
0xfd: {  	(v2sf) =	vpush v0, $0x9;
	_ =	sdelay $0x2  }
0xfe: {  	s28 =	spop (v2sf);
	[tilespmem:s31+$0xFFFFFFD0] =	vst v1  }
0xff: {  	v1 =	vld [tilespmem:s28+$0x6400];
	_ =	sdelay $0x4  }
0x100: {  	[tilespmem:s31+$0x0] =	vst v1  }
0x101: {  	v1 =	vld [tilespmem:s28+$0x6410];
	_ =	sdelay $0x1  }
0x102: {  	(v2sf) =	vpush v0, $0xA;
	_ =	sdelay $0x2  }
0x103: {  	s28 =	spop (v2sf);
	[tilespmem:s31+$0x10] =	vst v1  }
0x104: {  	v1 =	vld [tilespmem:s28+$0x6400];
	_ =	sdelay $0x4  }
0x105: {  	[tilespmem:s31+$0x40] =	vst v1  }
0x106: {  	v1 =	vld [tilespmem:s28+$0x6410];
	_ =	sdelay $0x1  }
0x107: {  	(v2sf) =	vpush v0, $0xB;
	_ =	sdelay $0x2  }
0x108: {  	s28 =	spop (v2sf);
	[tilespmem:s31+$0x50] =	vst v1  }
0x109: {  	v1 =	vld [tilespmem:s28+$0x6400];
	_ =	sdelay $0x4  }
0x10a: {  	[tilespmem:s31+$0x80] =	vst v1  }
0x10b: {  	v1 =	vld [tilespmem:s28+$0x6410];
	_ =	sdelay $0x1  }
0x10c: {  	(v2sf) =	vpush v0, $0xC;
	_ =	sdelay $0x2  }
0x10d: {  	s28 =	spop (v2sf);
	[tilespmem:s31+$0x90] =	vst v1  }
0x10e: {  	v1 =	vld [tilespmem:s28+$0x6400];
	_ =	sdelay $0x4  }
0x10f: {  	[tilespmem:s31+$0xC0] =	vst v1  }
0x110: {  	v1 =	vld [tilespmem:s28+$0x6410];
	_ =	sdelay $0x1  }
0x111: {  	(v2sf) =	vpush v0, $0xD;
	_ =	sdelay $0x2  }
0x112: {  	s28 =	spop (v2sf);
	[tilespmem:s31+$0xD0] =	vst v1  }
0x113: {  	v1 =	vld [tilespmem:s28+$0x6400];
	_ =	sdelay $0x4  }
0x114: {  	[tilespmem:s31+$0x100] =	vst v1  }
0x115: {  	v1 =	vld [tilespmem:s28+$0x6410];
	_ =	sdelay $0x1  }
0x116: {  	(v2sf) =	vpush v0, $0xE;
	_ =	sdelay $0x2  }
0x117: {  	s28 =	spop (v2sf);
	[tilespmem:s31+$0x110] =	vst v1  }
0x118: {  	v1 =	vld [tilespmem:s28+$0x6400];
	_ =	sdelay $0x4  }
0x119: {  	[tilespmem:s31+$0x140] =	vst v1  }
0x11a: {  	v1 =	vld [tilespmem:s28+$0x6410];
	_ =	sdelay $0x1  }
0x11b: {  	(v2sf) =	vpush v0, $0xF;
	_ =	sdelay $0x2  }
0x11c: {  	s28 =	spop (v2sf);
	[tilespmem:s31+$0x150] =	vst v1  }
0x11d: {  	v62 =	vld [tilespmem:s28+$0x6400];
	_ =	sdelay $0x4  }
0x11e: {  	[tilespmem:s31+$0x180] =	vst v62  }
0x11f: {  	v0 =	vld [tilespmem:s28+$0x6410];
	_ =	sdelay $0x4  }
0x120: {  	s28 =	spop (v2sf);
	[tilespmem:s31+$0x190] =	vst v0  }
0x121: {  	v0 =	vld [tilespmem:s28+$0x6400];
	_ =	sdelay $0x4  }
0x122: {  	[tilespmem:s31+$0x1C0] =	vst v0  }
0x123: {  	v0 =	vld [tilespmem:s28+$0x6410];
	_ =	sdelay $0x4  }
0x124: {  	[tilespmem:s31+$0x1D0] =	vst v0  }
0x125: {  	_ =	swait.ge [sflag:s18], $0x4000  }
0x126: {  	[sflag:s18] =	ssyncset.done $0x0  }
0x127: {  	s28 =	simm.s32 $0x0;
	[sflag:s18] =	ssyncadd.s32 $0xFFFFC000  }
0x128: {  	v63 =	vld [tilespmem:s28+$0x6BC0];
	_ =	sdelay $0x3  }
0x129: {  	s26 =	simm.s32 $0xEC40  }
0x12a: {  	[tilespmem:s26+$0xFFFFFF80] =	vst v63  }
0x12b: {  	v0 =	vld [tilespmem:s28+$0x6BD0];
	_ =	sdelay $0x4  }
0x12c: {  	[tilespmem:s26+$0xFFFFFF90] =	vst v0  }
0x12d: {  	v0 =	vld [tilespmem:s28+$0x6BE0];
	_ =	sdelay $0x4  }
0x12e: {  	[tilespmem:s26+$0xFFFFFFC0] =	vst v0  }
0x12f: {  	v0 =	vld [tilespmem:s28+$0x6BF0];
	_ =	sdelay $0x4  }
0x130: {  	[tilespmem:s26+$0xFFFFFFD0] =	vst v0  }
0x131: {  	v0 =	vld [tilespmem:s28+$0x6C00];
	_ =	sdelay $0x4  }
0x132: {  	[tilespmem:s26+$0x0] =	vst v0  }
0x133: {  	v0 =	vld [tilespmem:s28+$0x6C10];
	_ =	sdelay $0x4  }
0x134: {  	[tilespmem:s26+$0x10] =	vst v0  }
0x135: {  	v0 =	vld [tilespmem:s28+$0x6C20];
	_ =	sdelay $0x4  }
0x136: {  	[tilespmem:s26+$0x40] =	vst v0  }
0x137: {  	v0 =	vld [tilespmem:s28+$0x6C30];
	_ =	sdelay $0x4  }
0x138: {  	s29 =	simm.s32 $0x400;
	s28 =	simm.s32 $0x80;
	[tilespmem:s26+$0x50] =	vst v0  }
.LBB2_5:
0x139: {  	p0 =	sne.s32 s29, $0xFE00;
	v0 =	vld [tilespmem:s28+$0x6BC0];
	_ =	sdelay $0x3  }
0x13a: {  	s26 =	sadd.s32 $0x100, s26  }
0x13b: {  	[tilespmem:s26+$0xFFFFFF80] =	vst v0  }
0x13c: {  	v0 =	vld [tilespmem:s28+$0x6BD0];
	_ =	sdelay $0x4  }
0x13d: {  	[tilespmem:s26+$0xFFFFFF90] =	vst v0  }
0x13e: {  	v0 =	vld [tilespmem:s28+$0x6BE0];
	_ =	sdelay $0x4  }
0x13f: {  	[tilespmem:s26+$0xFFFFFFC0] =	vst v0  }
0x140: {  	v0 =	vld [tilespmem:s28+$0x6BF0];
	_ =	sdelay $0x4  }
0x141: {  	[tilespmem:s26+$0xFFFFFFD0] =	vst v0  }
0x142: {  	v0 =	vld [tilespmem:s28+$0x6C00];
	_ =	sdelay $0x4  }
0x143: {  	[tilespmem:s26+$0x0] =	vst v0  }
0x144: {  	v0 =	vld [tilespmem:s28+$0x6C10];
	_ =	sdelay $0x4  }
0x145: {  	[tilespmem:s26+$0x10] =	vst v0  }
0x146: {  	v0 =	vld [tilespmem:s28+$0x6C20];
	_ =	sdelay $0x4  }
0x147: {  	[tilespmem:s26+$0x40] =	vst v0  }
0x148: {  	v0 =	vld [tilespmem:s28+$0x6C30]  }
.Ltmp1:
0x149: {  	(pc) =	sbr.rel @p0 .LBB2_5-.Ltmp1, $2  }
0x14a: {  	_ =	sdelay $0x2  }
0x14b: {  	s28 =	sshra.s32 s29, $0x2;
	s29 =	sadd.s32 $0x200, s29;
	[tilespmem:s26+$0x50] =	vst v0  }
0x14c: {  	v0 =	vld [tilespmem:s28+$0x6BC0];
	_ =	sdelay $0x3  }
0x14d: {  	s26 =	sadd.s32 $0x100, s26  }
0x14e: {  	[tilespmem:s26+$0xFFFFFF80] =	vst v0  }
0x14f: {  	v0 =	vld [tilespmem:s28+$0x6BD0];
	_ =	sdelay $0x4  }
0x150: {  	[tilespmem:s26+$0xFFFFFF90] =	vst v0  }
0x151: {  	v0 =	vld [tilespmem:s28+$0x6BE0];
	_ =	sdelay $0x4  }
0x152: {  	[tilespmem:s26+$0xFFFFFFC0] =	vst v0  }
0x153: {  	v0 =	vld [tilespmem:s28+$0x6BF0];
	_ =	sdelay $0x4  }
0x154: {  	[tilespmem:s26+$0xFFFFFFD0] =	vst v0  }
0x155: {  	v0 =	vld [tilespmem:s28+$0x6C00];
	_ =	sdelay $0x4  }
0x156: {  	[tilespmem:s26+$0x0] =	vst v0  }
0x157: {  	v0 =	vld [tilespmem:s28+$0x6C10];
	_ =	sdelay $0x4  }
0x158: {  	[tilespmem:s26+$0x10] =	vst v0  }
0x159: {  	v0 =	vld [tilespmem:s28+$0x6C20];
	_ =	sdelay $0x4  }
0x15a: {  	[tilespmem:s26+$0x40] =	vst v0  }
0x15b: {  	v0 =	vld [tilespmem:s28+$0x6C30];
	_ =	sdelay $0x1  }
0x15c: {  	s28 =	sshll.u32 s24, $0x10  }
0x15d: {  	s28 =	sadd.s32 s8, s28  }
0x15e: {  	s28 =	sshrl.u32 s28, $0x3  }
0x15f: {  	p0 =	seq.s32 s24, $0x18;
	s31 =	sadd.s32 s3, s28;
	[tilespmem:s26+$0x50] =	vst v0  }
0x160: {  	[hbm4b:s31+s4] =	stream.linear.scatter [tilespmem:s19], [sflag:$0x5], $0x8000, $0x38;
	[tilespmem:$0x1EBC0] =	vst v63  }
0x161: {  	s26 =	sshll.u32 @!p0 s24, $0xA;
	_ =	swait.ge [sflag:s10], $0x8000  }
0x162: {  	s29 =	simm.s32 @!p0 $0x67C0;
	s26 =	sand.u32 @!p0 $0x3FFFFC00, s26;
	[sflag:s10] =	ssyncset.done $0x0  }
0x163: {  	s28 =	simm.s32 @!p0 $0x200;
	s26 =	sadd.s32 @!p0 $0x400, s26;
	[sflag:s10] =	ssyncadd.s32 $0xFFFF8000  }
0x164: {  	[tilespmem:s29], [sflag:$0x3] =	stream.indirect.gather @!p0 [hbm4b:s2+s28], $0x1, s26, s28, $0xb8;
	[tilespmem:$0x1EBC0] =	vst v63  }
0x165: {  	s29 =	simm.s32 @!p0 $0x6BC0  }
0x166: {  	[tilespmem:s29], [sflag:$0x1] =	stream.indirect.gather @!p0 [hbm4b:s5+s28], $0x20, s26, s28, $0xb8;
	[tilespmem:$0x1EBC0] =	vst v63  }
0x167: {  	_ =	swait.ge [sflag:s20], $0x200  }
0x168: {  	[sflag:s20] =	ssyncset.done $0x0  }
0x169: {  	s26 =	simm.s32 $0x69C0;
	[sflag:s20] =	ssyncadd.s32 $0xFFFFFE00  }
0x16a: {  	v0 =	vld [tilespmem:s26+$0x0];
	_ =	sdelay $0x4  }
0x16b: {  	v0 =	vshll.u32 v0, $0x7  }
0x16c: {  	v0 =	vshra.s32 v0, $0x2  }
0x16d: {  	(v2sf) =	vpush v0, $0x0;
	_ =	sdelay $0xb  }
0x16e: {  	(v2sf) =	vpush v0, $0x1;
	_ =	sdelay $0x2  }
0x16f: {  	s29 =	spop (v2sf)  }
0x170: {  	v1 =	vld [tilespmem:s29+$0x6400];
	_ =	sdelay $0x3  }
0x171: {  	s28 =	simm.s32 $0x0  }
0x172: {  	[tilespmem:s28+$0x16BE0] =	vst v1  }
0x173: {  	v1 =	vld [tilespmem:s29+$0x6410];
	_ =	sdelay $0x1  }
0x174: {  	(v2sf) =	vpush v0, $0x2;
	_ =	sdelay $0x2  }
0x175: {  	s29 =	spop (v2sf);
	[tilespmem:s28+$0x16BF0] =	vst v1  }
0x176: {  	v1 =	vld [tilespmem:s29+$0x6400];
	_ =	sdelay $0x4  }
0x177: {  	[tilespmem:s28+$0x16C20] =	vst v1  }
0x178: {  	v1 =	vld [tilespmem:s29+$0x6410];
	_ =	sdelay $0x1  }
0x179: {  	(v2sf) =	vpush v0, $0x3;
	_ =	sdelay $0x2  }
0x17a: {  	s29 =	spop (v2sf);
	[tilespmem:s28+$0x16C30] =	vst v1  }
0x17b: {  	v1 =	vld [tilespmem:s29+$0x6400];
	_ =	sdelay $0x4  }
0x17c: {  	[tilespmem:s28+$0x16C60] =	vst v1  }
0x17d: {  	v1 =	vld [tilespmem:s29+$0x6410];
	_ =	sdelay $0x1  }
0x17e: {  	(v2sf) =	vpush v0, $0x4;
	_ =	sdelay $0x2  }
0x17f: {  	s29 =	spop (v2sf);
	[tilespmem:s28+$0x16C70] =	vst v1  }
0x180: {  	v1 =	vld [tilespmem:s29+$0x6400];
	_ =	sdelay $0x4  }
0x181: {  	[tilespmem:s28+$0x16CA0] =	vst v1  }
0x182: {  	v1 =	vld [tilespmem:s29+$0x6410];
	_ =	sdelay $0x1  }
0x183: {  	(v2sf) =	vpush v0, $0x5;
	_ =	sdelay $0x2  }
0x184: {  	s29 =	spop (v2sf);
	[tilespmem:s28+$0x16CB0] =	vst v1  }
0x185: {  	v1 =	vld [tilespmem:s29+$0x6400];
	_ =	sdelay $0x4  }
0x186: {  	[tilespmem:s28+$0x16CE0] =	vst v1  }
0x187: {  	v1 =	vld [tilespmem:s29+$0x6410];
	_ =	sdelay $0x1  }
0x188: {  	(v2sf) =	vpush v0, $0x6;
	_ =	sdelay $0x2  }
0x189: {  	s29 =	spop (v2sf);
	[tilespmem:s28+$0x16CF0] =	vst v1  }
0x18a: {  	v1 =	vld [tilespmem:s29+$0x6400];
	_ =	sdelay $0x4  }
0x18b: {  	[tilespmem:s28+$0x16D20] =	vst v1  }
0x18c: {  	v1 =	vld [tilespmem:s29+$0x6410];
	_ =	sdelay $0x1  }
0x18d: {  	(v2sf) =	vpush v0, $0x7;
	_ =	sdelay $0x2  }
0x18e: {  	s29 =	spop (v2sf);
	[tilespmem:s28+$0x16D30] =	vst v1  }
0x18f: {  	v1 =	vld [tilespmem:s29+$0x6400];
	_ =	sdelay $0x4  }
0x190: {  	[tilespmem:s28+$0x16D60] =	vst v1  }
0x191: {  	v1 =	vld [tilespmem:s29+$0x6410];
	_ =	sdelay $0x1  }
0x192: {  	(v2sf) =	vpush v0, $0x8;
	_ =	sdelay $0x2  }
0x193: {  	s29 =	spop (v2sf);
	[tilespmem:s28+$0x16D70] =	vst v1  }
0x194: {  	v1 =	vld [tilespmem:s29+$0x6400];
	_ =	sdelay $0x4  }
0x195: {  	[tilespmem:s28+$0x16DA0] =	vst v1  }
0x196: {  	v1 =	vld [tilespmem:s29+$0x6410];
	_ =	sdelay $0x1  }
0x197: {  	(v2sf) =	vpush v0, $0x9;
	_ =	sdelay $0x2  }
0x198: {  	s29 =	spop (v2sf);
	[tilespmem:s28+$0x16DB0] =	vst v1  }
0x199: {  	v1 =	vld [tilespmem:s29+$0x6400];
	_ =	sdelay $0x4  }
0x19a: {  	[tilespmem:s28+$0x16DE0] =	vst v1  }
0x19b: {  	v1 =	vld [tilespmem:s29+$0x6410];
	_ =	sdelay $0x1  }
0x19c: {  	(v2sf) =	vpush v0, $0xA;
	_ =	sdelay $0x2  }
0x19d: {  	s29 =	spop (v2sf);
	[tilespmem:s28+$0x16DF0] =	vst v1  }
0x19e: {  	v1 =	vld [tilespmem:s29+$0x6400];
	_ =	sdelay $0x4  }
0x19f: {  	[tilespmem:s28+$0x16E20] =	vst v1  }
0x1a0: {  	v1 =	vld [tilespmem:s29+$0x6410];
	_ =	sdelay $0x1  }
0x1a1: {  	(v2sf) =	vpush v0, $0xB;
	_ =	sdelay $0x2  }
0x1a2: {  	s29 =	spop (v2sf);
	[tilespmem:s28+$0x16E30] =	vst v1  }
0x1a3: {  	v1 =	vld [tilespmem:s29+$0x6400];
	_ =	sdelay $0x4  }
0x1a4: {  	[tilespmem:s28+$0x16E60] =	vst v1  }
0x1a5: {  	v1 =	vld [tilespmem:s29+$0x6410];
	_ =	sdelay $0x1  }
0x1a6: {  	(v2sf) =	vpush v0, $0xC;
	_ =	sdelay $0x2  }
0x1a7: {  	s29 =	spop (v2sf);
	[tilespmem:s28+$0x16E70] =	vst v1  }
0x1a8: {  	v1 =	vld [tilespmem:s29+$0x6400];
	_ =	sdelay $0x4  }
0x1a9: {  	[tilespmem:s28+$0x16EA0] =	vst v1  }
0x1aa: {  	v1 =	vld [tilespmem:s29+$0x6410];
	_ =	sdelay $0x1  }
0x1ab: {  	(v2sf) =	vpush v0, $0xD;
	_ =	sdelay $0x2  }
0x1ac: {  	s29 =	spop (v2sf);
	[tilespmem:s28+$0x16EB0] =	vst v1  }
0x1ad: {  	v1 =	vld [tilespmem:s29+$0x6400];
	_ =	sdelay $0x4  }
0x1ae: {  	[tilespmem:s28+$0x16EE0] =	vst v1  }
0x1af: {  	v1 =	vld [tilespmem:s29+$0x6410];
	_ =	sdelay $0x1  }
0x1b0: {  	(v2sf) =	vpush v0, $0xE;
	_ =	sdelay $0x2  }
0x1b1: {  	s29 =	spop (v2sf);
	[tilespmem:s28+$0x16EF0] =	vst v1  }
0x1b2: {  	v1 =	vld [tilespmem:s29+$0x6400];
	_ =	sdelay $0x4  }
0x1b3: {  	[tilespmem:s28+$0x16F20] =	vst v1  }
0x1b4: {  	v1 =	vld [tilespmem:s29+$0x6410];
	_ =	sdelay $0x1  }
0x1b5: {  	(v2sf) =	vpush v0, $0xF;
	_ =	sdelay $0x2  }
0x1b6: {  	s29 =	spop (v2sf);
	[tilespmem:s28+$0x16F30] =	vst v1  }
0x1b7: {  	v0 =	vld [tilespmem:s29+$0x6400];
	_ =	sdelay $0x4  }
0x1b8: {  	[tilespmem:s28+$0x16F60] =	vst v0  }
0x1b9: {  	v0 =	vld [tilespmem:s29+$0x6410];
	_ =	sdelay $0x4  }
0x1ba: {  	s30 =	spop (v2sf);
	[tilespmem:s28+$0x16F70] =	vst v0  }
0x1bb: {  	v0 =	vld [tilespmem:s30+$0x6400];
	_ =	sdelay $0x4  }
0x1bc: {  	[tilespmem:s28+$0x16FA0] =	vst v0  }
0x1bd: {  	s29 =	simm.s32 $0x1000;
	v0 =	vld [tilespmem:s30+$0x6410]  }
.LBB2_7:
0x1be: {  	_ =	sdelay $0x2  }
0x1bf: {  	p0 =	sne.s32 s29, $0x1F000  }
0x1c0: {  	s26 =	sadd.s32 $0x10, s26;
	[tilespmem:s28+$0x16FB0] =	vst v0;
	s28 =	smov.u32 s29;
	s29 =	sadd.s32 $0x1000, s29  }
0x1c1: {  	v0 =	vld [tilespmem:s26+$0x0];
	_ =	sdelay $0x4  }
0x1c2: {  	v0 =	vshll.u32 v0, $0x7  }
0x1c3: {  	v0 =	vshra.s32 v0, $0x2  }
0x1c4: {  	(v2sf) =	vpush v0, $0x0;
	_ =	sdelay $0xb  }
0x1c5: {  	(v2sf) =	vpush v0, $0x1;
	_ =	sdelay $0x2  }
0x1c6: {  	s30 =	spop (v2sf)  }
0x1c7: {  	v1 =	vld [tilespmem:s30+$0x6400];
	_ =	sdelay $0x3  }
0x1c8: {  	s28 =	sshra.s32 s28, $0x2  }
0x1c9: {  	[tilespmem:s28+$0x16BE0] =	vst v1  }
0x1ca: {  	v1 =	vld [tilespmem:s30+$0x6410];
	_ =	sdelay $0x1  }
0x1cb: {  	(v2sf) =	vpush v0, $0x2;
	_ =	sdelay $0x2  }
0x1cc: {  	[tilespmem:s28+$0x16BF0] =	vst v1;
	s30 =	spop (v2sf)  }
0x1cd: {  	v1 =	vld [tilespmem:s30+$0x6400];
	_ =	sdelay $0x4  }
0x1ce: {  	[tilespmem:s28+$0x16C20] =	vst v1  }
0x1cf: {  	v1 =	vld [tilespmem:s30+$0x6410];
	_ =	sdelay $0x1  }
0x1d0: {  	(v2sf) =	vpush v0, $0x3;
	_ =	sdelay $0x2  }
0x1d1: {  	[tilespmem:s28+$0x16C30] =	vst v1;
	s30 =	spop (v2sf)  }
0x1d2: {  	v1 =	vld [tilespmem:s30+$0x6400];
	_ =	sdelay $0x4  }
0x1d3: {  	[tilespmem:s28+$0x16C60] =	vst v1  }
0x1d4: {  	v1 =	vld [tilespmem:s30+$0x6410];
	_ =	sdelay $0x1  }
0x1d5: {  	(v2sf) =	vpush v0, $0x4;
	_ =	sdelay $0x2  }
0x1d6: {  	[tilespmem:s28+$0x16C70] =	vst v1;
	s30 =	spop (v2sf)  }
0x1d7: {  	v1 =	vld [tilespmem:s30+$0x6400];
	_ =	sdelay $0x4  }
0x1d8: {  	[tilespmem:s28+$0x16CA0] =	vst v1  }
0x1d9: {  	v1 =	vld [tilespmem:s30+$0x6410];
	_ =	sdelay $0x1  }
0x1da: {  	(v2sf) =	vpush v0, $0x5;
	_ =	sdelay $0x2  }
0x1db: {  	[tilespmem:s28+$0x16CB0] =	vst v1;
	s30 =	spop (v2sf)  }
0x1dc: {  	v1 =	vld [tilespmem:s30+$0x6400];
	_ =	sdelay $0x4  }
0x1dd: {  	[tilespmem:s28+$0x16CE0] =	vst v1  }
0x1de: {  	v1 =	vld [tilespmem:s30+$0x6410];
	_ =	sdelay $0x1  }
0x1df: {  	(v2sf) =	vpush v0, $0x6;
	_ =	sdelay $0x2  }
0x1e0: {  	[tilespmem:s28+$0x16CF0] =	vst v1;
	s30 =	spop (v2sf)  }
0x1e1: {  	v1 =	vld [tilespmem:s30+$0x6400];
	_ =	sdelay $0x4  }
0x1e2: {  	[tilespmem:s28+$0x16D20] =	vst v1  }
0x1e3: {  	v1 =	vld [tilespmem:s30+$0x6410];
	_ =	sdelay $0x1  }
0x1e4: {  	(v2sf) =	vpush v0, $0x7;
	_ =	sdelay $0x2  }
0x1e5: {  	[tilespmem:s28+$0x16D30] =	vst v1;
	s30 =	spop (v2sf)  }
0x1e6: {  	v1 =	vld [tilespmem:s30+$0x6400];
	_ =	sdelay $0x4  }
0x1e7: {  	[tilespmem:s28+$0x16D60] =	vst v1  }
0x1e8: {  	v1 =	vld [tilespmem:s30+$0x6410];
	_ =	sdelay $0x1  }
0x1e9: {  	(v2sf) =	vpush v0, $0x8;
	_ =	sdelay $0x2  }
0x1ea: {  	[tilespmem:s28+$0x16D70] =	vst v1;
	s30 =	spop (v2sf)  }
0x1eb: {  	v1 =	vld [tilespmem:s30+$0x6400];
	_ =	sdelay $0x4  }
0x1ec: {  	[tilespmem:s28+$0x16DA0] =	vst v1  }
0x1ed: {  	v1 =	vld [tilespmem:s30+$0x6410];
	_ =	sdelay $0x1  }
0x1ee: {  	(v2sf) =	vpush v0, $0x9;
	_ =	sdelay $0x2  }
0x1ef: {  	[tilespmem:s28+$0x16DB0] =	vst v1;
	s30 =	spop (v2sf)  }
0x1f0: {  	v1 =	vld [tilespmem:s30+$0x6400];
	_ =	sdelay $0x4  }
0x1f1: {  	[tilespmem:s28+$0x16DE0] =	vst v1  }
0x1f2: {  	v1 =	vld [tilespmem:s30+$0x6410];
	_ =	sdelay $0x1  }
0x1f3: {  	(v2sf) =	vpush v0, $0xA;
	_ =	sdelay $0x2  }
0x1f4: {  	[tilespmem:s28+$0x16DF0] =	vst v1;
	s30 =	spop (v2sf)  }
0x1f5: {  	v1 =	vld [tilespmem:s30+$0x6400];
	_ =	sdelay $0x4  }
0x1f6: {  	[tilespmem:s28+$0x16E20] =	vst v1  }
0x1f7: {  	v1 =	vld [tilespmem:s30+$0x6410];
	_ =	sdelay $0x1  }
0x1f8: {  	(v2sf) =	vpush v0, $0xB;
	_ =	sdelay $0x2  }
0x1f9: {  	[tilespmem:s28+$0x16E30] =	vst v1;
	s30 =	spop (v2sf)  }
0x1fa: {  	v1 =	vld [tilespmem:s30+$0x6400];
	_ =	sdelay $0x4  }
0x1fb: {  	[tilespmem:s28+$0x16E60] =	vst v1  }
0x1fc: {  	v1 =	vld [tilespmem:s30+$0x6410];
	_ =	sdelay $0x1  }
0x1fd: {  	(v2sf) =	vpush v0, $0xC;
	_ =	sdelay $0x2  }
0x1fe: {  	[tilespmem:s28+$0x16E70] =	vst v1;
	s30 =	spop (v2sf)  }
0x1ff: {  	v1 =	vld [tilespmem:s30+$0x6400];
	_ =	sdelay $0x4  }
0x200: {  	[tilespmem:s28+$0x16EA0] =	vst v1  }
0x201: {  	v1 =	vld [tilespmem:s30+$0x6410];
	_ =	sdelay $0x1  }
0x202: {  	(v2sf) =	vpush v0, $0xD;
	_ =	sdelay $0x2  }
0x203: {  	[tilespmem:s28+$0x16EB0] =	vst v1;
	s30 =	spop (v2sf)  }
0x204: {  	v1 =	vld [tilespmem:s30+$0x6400];
	_ =	sdelay $0x4  }
0x205: {  	[tilespmem:s28+$0x16EE0] =	vst v1  }
0x206: {  	v1 =	vld [tilespmem:s30+$0x6410];
	_ =	sdelay $0x1  }
0x207: {  	(v2sf) =	vpush v0, $0xE;
	_ =	sdelay $0x2  }
0x208: {  	[tilespmem:s28+$0x16EF0] =	vst v1;
	s30 =	spop (v2sf)  }
0x209: {  	v1 =	vld [tilespmem:s30+$0x6400];
	_ =	sdelay $0x4  }
0x20a: {  	[tilespmem:s28+$0x16F20] =	vst v1  }
0x20b: {  	v1 =	vld [tilespmem:s30+$0x6410];
	_ =	sdelay $0x1  }
0x20c: {  	(v2sf) =	vpush v0, $0xF;
	_ =	sdelay $0x2  }
0x20d: {  	[tilespmem:s28+$0x16F30] =	vst v1;
	s30 =	spop (v2sf)  }
0x20e: {  	v0 =	vld [tilespmem:s30+$0x6400];
	_ =	sdelay $0x4  }
0x20f: {  	[tilespmem:s28+$0x16F60] =	vst v0  }
0x210: {  	v0 =	vld [tilespmem:s30+$0x6410];
	_ =	sdelay $0x4  }
0x211: {  	[tilespmem:s28+$0x16F70] =	vst v0;
	s30 =	spop (v2sf)  }
0x212: {  	v0 =	vld [tilespmem:s30+$0x6400];
	_ =	sdelay $0x1  }
.Ltmp2:
0x213: {  	(pc) =	sbr.rel @p0 .LBB2_7-.Ltmp2, $3  }
0x214: {  	_ =	sdelay $0x1  }
0x215: {  	[tilespmem:s28+$0x16FA0] =	vst v0  }
0x216: {  	v0 =	vld [tilespmem:s30+$0x6410]  }
0x217: {  	_ =	sdelay $0x3  }
0x218: {  	[tilespmem:s28+$0x16FB0] =	vst v0  }
0x219: {  	_ =	swait.ge [sflag:s21], $0x4000  }
0x21a: {  	[sflag:s21] =	ssyncset.done $0x0  }
0x21b: {  	s26 =	simm.s32 $0xAC30;
	[sflag:s21] =	ssyncadd.s32 $0xFFFFC000  }
0x21c: {  	s29 =	simm.s32 $0x400;
	s28 =	simm.s32 $0x0;
	v0 =	vld [tilespmem:s26+$0xFFFFFF90]  }
.LBB2_9:
0x21d: {  	p0 =	sne.s32 s29, $0x1FC00;
	_ =	sdelay $0x2  }
0x21e: {  	s30 =	sshra.s32 s28, $0x2;
	s28 =	smov.u32 s29  }
0x21f: {  	[tilespmem:s30+$0x16BC0] =	vst v0  }
0x220: {  	v0 =	vld [tilespmem:s26+$0xFFFFFFA0];
	_ =	sdelay $0x4  }
0x221: {  	[tilespmem:s30+$0x16BD0] =	vst v0  }
0x222: {  	v0 =	vld [tilespmem:s26+$0xFFFFFFB0];
	_ =	sdelay $0x4  }
0x223: {  	[tilespmem:s30+$0x16C00] =	vst v0  }
0x224: {  	v0 =	vld [tilespmem:s26+$0xFFFFFFC0];
	_ =	sdelay $0x4  }
0x225: {  	[tilespmem:s30+$0x16C10] =	vst v0  }
0x226: {  	v0 =	vld [tilespmem:s26+$0xFFFFFFD0];
	_ =	sdelay $0x4  }
0x227: {  	[tilespmem:s30+$0x16C40] =	vst v0  }
0x228: {  	v0 =	vld [tilespmem:s26+$0xFFFFFFE0];
	_ =	sdelay $0x4  }
0x229: {  	[tilespmem:s30+$0x16C50] =	vst v0  }
0x22a: {  	v0 =	vld [tilespmem:s26+$0xFFFFFFF0];
	_ =	sdelay $0x4  }
0x22b: {  	[tilespmem:s30+$0x16C80] =	vst v0  }
0x22c: {  	v0 =	vld [tilespmem:s26+$0x0];
	_ =	sdelay $0x1  }
.Ltmp3:
0x22d: {  	(pc) =	sbr.rel @p0 .LBB2_9-.Ltmp3, $3  }
0x22e: {  	_ =	sdelay $0x1  }
0x22f: {  	s26 =	sadd.s32 $0x80, s26;
	[tilespmem:s30+$0x16C90] =	vst v0  }
0x230: {  	s29 =	sadd.s32 $0x400, s29;
	v0 =	vld [tilespmem:s26+$0xFFFFFF90]  }
0x231: {  	_ =	sdelay $0x2  }
0x232: {  	s28 =	sshra.s32 s28, $0x2  }
0x233: {  	[tilespmem:s28+$0x16BC0] =	vst v0  }
0x234: {  	v0 =	vld [tilespmem:s26+$0xFFFFFFA0];
	_ =	sdelay $0x4  }
0x235: {  	[tilespmem:s28+$0x16BD0] =	vst v0  }
0x236: {  	v0 =	vld [tilespmem:s26+$0xFFFFFFB0];
	_ =	sdelay $0x4  }
0x237: {  	[tilespmem:s28+$0x16C00] =	vst v0  }
0x238: {  	v0 =	vld [tilespmem:s26+$0xFFFFFFC0];
	_ =	sdelay $0x4  }
0x239: {  	[tilespmem:s28+$0x16C10] =	vst v0  }
0x23a: {  	v0 =	vld [tilespmem:s26+$0xFFFFFFD0];
	_ =	sdelay $0x4  }
0x23b: {  	[tilespmem:s28+$0x16C40] =	vst v0  }
0x23c: {  	v0 =	vld [tilespmem:s26+$0xFFFFFFE0];
	_ =	sdelay $0x4  }
0x23d: {  	[tilespmem:s28+$0x16C50] =	vst v0  }
0x23e: {  	v0 =	vld [tilespmem:s26+$0xFFFFFFF0];
	_ =	sdelay $0x4  }
0x23f: {  	[tilespmem:s28+$0x16C80] =	vst v0  }
0x240: {  	v0 =	vld [tilespmem:s26+$0x0];
	_ =	sdelay $0x1  }
0x241: {  	s25 =	sshll.u32 s25, $0xF  }
0x242: {  	s24 =	sadd.s32 $0x1, s24;
	s25 =	sadd.s32 s8, s25  }
0x243: {  	p0 =	sne.s32 s24, $0x19;
	s25 =	sshrl.u32 s25, $0x3  }
.Ltmp4:
0x244: {  	s25 =	sadd.s32 s3, s25;
	[tilespmem:s28+$0x16C90] =	vst v0;
	(pc) =	sbr.rel @p0 .LBB2_2-.Ltmp4, $4  }
0x245: {  	[hbm4b:s25+s4] =	stream.linear.scatter [tilespmem:s22], [sflag:$0x5], $0x8000, $0x38;
	[tilespmem:$0x1EBC0] =	vst v63  }
0x246: {  	_ =	swait.ge [sflag:s10], $0x8000  }
0x247: {  	[sflag:s10] =	ssyncset.done $0x0  }
0x248: {  	[sflag:s10] =	ssyncadd.s32 $0xFFFF8000  }
0x249: {  	s23 =	sadd.s32 $0x1, s23  }
0x24a: {  	p0 =	sne.s32 s23, s9  }
.Ltmp5:
0x24b: {  	_ = 	snop;
	(pc) =	sbr.rel @p0 .LBB2_1-.Ltmp5, $1  }
0x24c: {  	_ =	sdelay $0x3  }
0x24d: {  	_ =	sfence.sel $0x180000  }
0x24e: {  	[bflag:$0x0] =	sbarrier.arrive $0xFFFF  }
0x24f: {  	p0 =	sne.s32 s0, $0x0;
	_ =	strace $0x90000047  }
0x250: {  	s0 =	sadd.s32 @!p0 $0x100000, s1;
	[bflag:$0x2] =	sbarrier.arrive $0xFFFF  }
0x251: {  	[sflag:s0] =	ssyncadd.tile.s32 @!p0 $0x1;
	_ =	shalt  }
.Lfunc_end2:
_tile_overlayer_lowered:
.L_overlay_start_2:
0x252: {  	(tag) =	ssettag $0x2  }
0x253: {  	s0 =	rddreg [dreg:$0x0];
	s2 =	stileid.u32  }
0x254: {  	s1 =	rddreg [dreg:$0x1];
	p0 =	sne.s32 s2, $0x0  }
0x255: {  	s3 =	rddreg [dreg:$0x2];
	[bflag:$0x3] =	sbarrier.arrive $0xFFFF;
	s2 =	simm.s32 @!p0 $0x1C05  }
0x256: {  	[timem:s3], [sflag:s2] =	dma.local @!p0 [hbm:s0], s1  }
0x257: {  	s0 =	simm.s32 @!p0 $0x5  }
0x258: {  	_ =	swait.ge @!p0 [sflag:s0], s1  }
0x259: {  	s1 =	ssub.s32 @!p0 $0x0, s1;
	[sflag:s0] =	ssyncset.done @!p0 $0x0  }
0x25a: {  	[sflag:s0] =	ssyncadd.s32 @!p0 s1  }
0x25b: {  	[bflag:$0x3] =	sbarrier.arrive $0xFFFF  }
0x25c: {  	_ =	shalt  }

// kernel: sparse-core-data-format-call.cloned.1.call-start
scs
called_computation_lowered:
.L_overlay_start_0:
0x0: {  	s2 =	sld [smem:$0x3FD9]  }
0x1: {  	s3 =	sld [smem:$0x3FFE];
	_ =	sdelay $0x1  }
0x2: {  	s1 =	srdreg.scid  }
0x3: {  	s0 =	sand.u32 $0x1, s1  }
0x4: {  	s18 =	sshll.u32 s0, $0xA;
	s2 =	sadd.s32 s3, s2  }
0x5: {  	s2 =	sadd.s32 s2, s18  }
0x6: {  	[smem:$0x3FC4] =	sst s2  }
0x7: {  	_ = 	snop  }
0x8: {  	s2 =	sld [smem:$0x3FD0];
	(tm) =	ssettm $0x1  }
0x9: {  	s19 =	sld [smem:$0x3FFB];
	_ =	sdelay $0x3  }
0xa: {  	_ =	strace s19  }
0xb: {  	s3 =	sld [smem:$0x3FFC];
	_ =	sdelay $0x3  }
0xc: {  	_ =	strace s3  }
0xd: {  	s3 =	sld [smem:$0x3FFD];
	_ =	sdelay $0x3  }
0xe: {  	_ =	strace s3  }
0xf: {  	_ =	strace $0x8FFFFFFF  }
0x10: {  	s20 =	sld [smem:$0x3FDB];
	_ =	sdelay $0x1  }
0x11: {  	s4 =	simm.s32 $_scs_section_size  }
0x12: {  	s5 =	simm.s32 $_size__tile_overlayer_lowered;
	s6 =	simm.s32 $_tile_overlayer_lowered  }
0x13: {  	s23 =	simm.s32 $0x1BFF;
	s22 =	sshll.u32 s6, $0x1;
	s3 =	sadd.s32 s4, s20  }
0x14: {  	s7 =	simm.s32 $0x0;
	s21 =	sshll.u32 s5, $0x1;
	s5 =	sadd.s32 s22, s3  }
0x15: {  	[timem:s7], [sflag:s23] =	dma.local [hbm:s5], s21  }
0x16: {  	_ =	swait.ge [sflag:s23], s21  }
0x17: {  	s4 =	ssub.s32 $0x0, s21;
	[sflag:s23] =	ssyncset.done $0x0  }
0x18: {  	[sflag:s23] =	ssyncadd.s32 s4;
	_ =	sdelay $0x1  }
0x19: {  	s24 =	simm.s32 $0x1B8B  }
0x1a: {  	_ =	swait.ge [sflag:s24], $0x1  }
0x1b: {  	[sflag:s24] =	ssyncset.done $0x0  }
0x1c: {  	s26 =	simm.s32 $0x1B8E;
	s25 =	sld [smem:$0x3FFE];
	[sflag:s24] =	ssyncadd.s32 $0xFFFFFFFF  }
0x1d: {  	s27 =	simm.s32 $execute0_lowered;
	[smem:$0x3FD2] =	sst s26  }
0x1e: {  	s5 =	sshll.u32 s27, $0x1;
	_ =	strace $0x80000049;
	[dreg:$0x1] =	wrdreg $0xFFFFFFFF  }
0x1f: {  	s28 =	simm.s32 $_size_execute0_lowered;
	s3 =	sadd.s32 s3, s5;
	[dreg:$0x0] =	wrdreg $0x0  }
0x20: {  	s5 =	sshll.u32 s28, $0x1;
	[dreg:$0x2] =	wrdreg s3  }
0x21: {  	[dreg:$0x3] =	wrdreg s5  }
0x22: {  	[dreg:$0x4] =	wrdreg $0xC0  }
0x23: {  	_ =	task [dreg:s7], $0x5FFFF  }
0x24: {  	[dreg:$0x1] =	wrdreg $0xFFFFFFFF  }
0x25: {  	[dreg:$0x0] =	wrdreg $0x60  }
0x26: {  	[dreg:$0x2] =	wrdreg s25  }
0x27: {  	[dreg:$0x3] =	wrdreg s2  }
0x28: {  	[dreg:$0x4] =	wrdreg $0x9  }
0x29: {  	_ =	task.clear_ibuf [dreg:s7], $0x5FFFF;
	_ =	strace $0x90000049  }
0x2a: {  	s29 =	simm.s32 $0x9;
	_ =	strace $0x8000004B  }
0x2b: {  	_ =	swait.ge [sflag:s29], $0x1  }
0x2c: {  	[sflag:s29] =	ssyncadd.s32 $0xFFFFFFFF  }
0x2d: {  	_ =	strace $0x9000004B  }
0x2e: {  	_ =	sfence  }
0x2f: {  	s30 =	sld [smem:$0x0];
	_ =	sdelay $0x2  }
0x30: {  	s31 =	sshll.u32 s1, $0xD;
	s1 =	sshrl.u32 s1, $0x2  }
0x31: {  	s3 =	sand.u32 $0x4000, s31;
	s1 =	sadd.s32 s1, s30  }
0x32: {  	s0 =	sor.u32 s3, s0;
	s1 =	sshll.u32 s1, $0x11  }
0x33: {  	s0 =	sor.u32 s1, s0  }
0x34: {  	s0 =	sadd.s32 $0x8F2B, s0  }
0x35: {  	[sflag:s0] =	ssyncadd.remote.s32 $0x1  }
0x36: {  	_ =	sfence.sel $0xFFFF  }
0x37: {  	[dreg:$0x0] =	wrdreg $0xFFFFFFFF;
	(pc) =	sbr.abs _section_cstart, $3  }
0x38: {  	[dreg:$0x1] =	wrdreg $0xFFFFFFFF  }
0x39: {  	_ =	task.clear_ibuf [dreg:s7], $0x2FFFF;
	_ =	strace $0x9FFFFFFF  }
0x3a: {  	(tm) =	ssettm $0x7FFFFFFF  }
0x3b: {  	_ =	shalt  }
tec
execute0_lowered:
.L_overlay_start_1:
0x0: {  	(tag) =	ssettag $0x1  }
0x1: {  	s0 =	srdreg.scid  }
0x2: {  	s1 =	sshll.u32 s0, $0x4  }
0x3: {  	s0 =	stileid.u32;
	s1 =	sand.u32 $0x10, s1  }
0x4: {  	s1 =	sor.u32 s0, s1  }
0x5: {  	s6 =	rddreg [dreg:$0x0];
	s4 =	simm.s32 $0x1;
	s2 =	sshll.u32 s1, $0x7  }
0x6: {  	s7 =	simm.s32 $0x2;
	s12 =	simm.s32 $0x0;
	s1 =	ssub.s32 $0x1000, s2  }
0x7: {  	s8 =	simm.s32 $0x8000;
	s13 =	simm.s32 $0x0;
	s3 =	sand.u32 $0xF80, s1  }
0x8: {  	s9 =	simm.s32 $0x0;
	s5 =	sshrl.u32 s1, $0xC;
	p0 =	sne.s32 s3, $0x0  }
.Ltmp0:
0x9: {  	s1 =	rddreg [dreg:$0x2];
	s4 =	simm.s32 @!p0 $0x0;
	(pc) =	sbr.rel .LBB1_1-.Ltmp0, $4  }
0xa: {  	s11 =	simm.s32 $0x0;
	s3 =	rddreg [dreg:$0x1];
	s5 =	sadd.s32 s4, s5  }
0xb: {  	_ =	strace $0x8000004A;
	s4 =	simm.s32 $0x1;
	s5 =	smul.u32 $0xC8, s5  }
0xc: {  	s6 =	sadd.s32 $0xC00, s6;
	s10 =	smov.u32 s2;
	[sflag:s4] =	ssyncpa.u1 $0x0  }
0xd: {  	p0 =	por $0x0, $0x0;
	[sflag:s7] =	ssyncpa.u1 $0x0;
	s7 =	sor.u32 $0x1, s5  }
.LBB1_4:
0xe: {  	s16 =	sshll.u32 s13, $0x3;
	s17 =	sand.u32 $0x78, s13  }
0xf: {  	s30 =	sand.u32 $0x7E00, s13;
	s12 =	sshll.u32 s12, $0xF;
	s16 =	sand.u32 $0xC00, s16  }
0x10: {  	[tilespmem:s15+$0x810 ss:$0x81] =	vst.msk $0xffff, v2;
	s31 =	sand.u32 $0x7, s13;
	s16 =	sor.u32 s17, s16;
	s17 =	sadd.s32 s3, s30  }
0x11: {  	[tilespmem:s15+$0x1020 ss:$0x81] =	vst.msk $0xffff, v0;
	s13 =	sshll.u32 s31, $0x12;
	s12 =	sadd.s32 s12, s17;
	s16 =	sshrl.u32 s16, $0x3  }
0x12: {  	[tilespmem:s15+$0x0 ss:$0x81] =	vst.msk $0xffff, v1;
	s13 =	sor.u32 $0x400, s13;
	s12 =	sadd.s32 s16, s12  }
0x13: {  	[hbm4b:s12+s13] =	stream.strided.scatter [tilespmem:s14], [sflag:$0x2], $0x2000, s8, s13, $0x20;
	[tilespmem:$0x8080] =	vst v63  }
.LBB1_5:
0x14: {  	s14 =	sadd.s32 $0x1, s9  }
0x15: {  	s12 =	sadd.s32 $0x1000, s10;
	s16 =	smov.u32 s10;
	p2 =	sgt.s32 s14, $0xC7  }
0x16: {  	s16 =	smov.u32 @p2 s12  }
0x17: {  	s14 =	simm.s32 @p2 $0x0;
	p2 =	sgt.s32 s16, $0xFFF  }
0x18: {  	s16 =	smov.u32 @p2 s2;
	p2 =	sne.s32 s11, s7  }
.Ltmp1:
0x19: {  	p1 =	slt.u32 s11, $0x2;
	(pc) =	sbr.rel @!p2 .LBB1_6-.Ltmp1, $4  }
0x1a: {  	s15 =	simm.s32 @!p1 $0x2  }
0x1b: {  	s13 =	smov.u32 s10;
	p0 =	por !p0, !p0;
	_ =	swait.ge @!p1 [sflag:s15], $0x2000  }
0x1c: {  	s12 =	smov.u32 s9;
	[sflag:s15] =	ssyncset.done @!p1 $0x0;
	s9 =	smov.u32 s14  }
0x1d: {  	s11 =	sadd.s32 $0x1, s11;
	[sflag:s15] =	ssyncadd.s32 @!p1 $0xFFFFE000;
	s10 =	smov.u32 s16  }
.LBB1_1:
0x1e: {  	p1 =	sge.u32 s11, s5  }
0x1f: {  	s14 =	sand.u32 @!p1 $0x1FFFFFF, s9  }
0x20: {  	s15 =	smulhi.u32 @!p1 $0x147AE15, s14;
	_ =	sdelay $0x1  }
0x21: {  	s15 =	smul.u32 @!p1 $0xC8, s15  }
0x22: {  	s16 =	sxor.u32 @!p1 $0xFFFFFFFF, s11;
	s17 =	smul.u32 @!p1 $0xC80, s10  }
0x23: {  	s31 =	sadd.s32 $0xFFFFFFFF, s11;
	s16 =	sshll.u32 @!p1 s16, $0xD;
	s14 =	ssub.s32 @!p1 s14, s15  }
0x24: {  	s15 =	sand.u32 @!p1 $0x2000, s16;
	s16 =	sadd.s32 @!p1 s6, s17;
	s14 =	sshll.u32 @!p1 s14, $0x4  }
0x25: {  	s17 =	simm.s32 @!p1 $0x6400;
	s14 =	sadd.s32 @!p1 s14, s16;
	s16 =	simm.s32 @!p1 $0x40  }
0x26: {  	[tilespmem:s15], [sflag:$0x1] =	stream.strided.gather @!p1 [hbm4b:s14+s16], $0x2000, s17, s16, $0x38;
	[tilespmem:$0x8080] =	vst v63  }
0x27: {  	p1 =	sge.u32 s31, s5  }
.Ltmp2:
0x28: {  	_ = 	snop;
	(pc) =	sbr.rel @p1 .LBB1_5-.Ltmp2, $1  }
0x29: {  	_ =	sdelay $0x3  }
0x2a: {  	s14 =	simm.s32 $0x1  }
0x2b: {  	_ =	swait.ge [sflag:s4], $0x2000;
	s14 =	simm.s32 @!p0 $0x0  }
0x2c: {  	[sflag:s4] =	ssyncset.done $0x0;
	s15 =	sshll.u32 s14, $0xD  }
0x2d: {  	[sflag:s4] =	ssyncadd.s32 $0xFFFFE000;
	s18 =	sor.u32 $0x20, s15  }
0x2e: {  	s14 =	smul.u32 $0x8100, s14;
	v3 =	vld [tilespmem:s18+$0x10]  }
0x2f: {  	s30 =	sand.u32 $0x1, s11;
	v2 =	vld [tilespmem:s18+$0xFFFFFFF0]  }
0x30: {  	s15 =	smul.u32 $0x8100, s30;
	s14 =	sshrl.u32 s14, $0x2;
	v0 =	vld [tilespmem:s18+$0x0]  }
0x31: {  	v1 =	vld [tilespmem:s18+$0xFFFFFFE0];
	s16 =	sor.u32 $0x4000, s14  }
0x32: {  	s31 =	sshrl.u32 s15, $0x2;
	s15 =	sadd.s32 $0x0, s16  }
0x33: {  	s17 =	simm.s32 $0x4;
	s18 =	sadd.s32 $0x40, s18;
	s14 =	sor.u32 $0x4000, s31;
	[tilespmem:s15+$0x1830 ss:$0x81] =	vst.msk $0xffff, v3  }
.LBB1_3:
0x34: {  	v3 =	vld [tilespmem:s18+$0x10];
	p1 =	sne.s32 s17, $0x1FC;
	[tilespmem:s15+$0x810 ss:$0x81] =	vst.msk $0xffff, v2;
	s19 =	smov.u32 s17;
	s17 =	sadd.s32 $0x4, s17  }
.Ltmp3:
0x35: {  	v2 =	vld [tilespmem:s18+$0xFFFFFFF0];
	[tilespmem:s15+$0x1020 ss:$0x81] =	vst.msk $0xffff, v0;
	(pc) =	sbr.rel @p1 .LBB1_3-.Ltmp3, $4  }
0x36: {  	v0 =	vld [tilespmem:s18+$0x0];
	[tilespmem:s15+$0x0 ss:$0x81] =	vst.msk $0xffff, v1  }
0x37: {  	s15 =	sshra.s32 s19, $0x2;
	v1 =	vld [tilespmem:s18+$0xFFFFFFE0]  }
0x38: {  	s15 =	sadd.s32 s15, s16  }
0x39: {  	s18 =	sadd.s32 $0x40, s18;
	[tilespmem:s15+$0x1830 ss:$0x81] =	vst.msk $0xffff, v3  }
.Ltmp4:
0x3a: {  	_ = 	snop;
	(pc) =	sbr.rel .LBB1_4-.Ltmp4, $1  }
0x3b: {  	_ =	sdelay $0x3  }
.LBB1_6:
0x3c: {  	_ =	sfence.sel $0x180000  }
0x3d: {  	s2 =	simm.s32 $0x1;
	[bflag:$0x0] =	sbarrier.arrive $0xFFFF  }
0x3e: {  	s31 =	simm.s32 $0x2;
	[sflag:s2] =	ssyncpa.u1 $0x1  }
0x3f: {  	[sflag:s31] =	ssyncpa.u1 $0x1  }
0x40: {  	p0 =	sne.s32 s0, $0x0;
	_ =	strace $0x9000004A  }
0x41: {  	s0 =	sadd.s32 @!p0 $0x100000, s1;
	[bflag:$0x2] =	sbarrier.arrive $0xFFFF  }
0x42: {  	[sflag:s0] =	ssyncadd.tile.s32 @!p0 $0x1;
	_ =	shalt  }
.Lfunc_end1:
_tile_overlayer_lowered:
.L_overlay_start_2:
0x43: {  	(tag) =	ssettag $0x2  }
0x44: {  	s0 =	rddreg [dreg:$0x0];
	s2 =	stileid.u32  }
0x45: {  	s1 =	rddreg [dreg:$0x1];
	p0 =	sne.s32 s2, $0x0  }
0x46: {  	s3 =	rddreg [dreg:$0x2];
	[bflag:$0x3] =	sbarrier.arrive $0xFFFF;
	s2 =	simm.s32 @!p0 $0x1C01  }
0x47: {  	[timem:s3], [sflag:s2] =	dma.local @!p0 [hbm:s0], s1  }
0x48: {  	s0 =	simm.s32 @!p0 $0x1  }
0x49: {  	_ =	swait.ge @!p0 [sflag:s0], s1  }
0x4a: {  	s1 =	ssub.s32 @!p0 $0x0, s1;
	[sflag:s0] =	ssyncset.done @!p0 $0x0  }
0x4b: {  	[sflag:s0] =	ssyncadd.s32 @!p0 s1  }
0x4c: {  	[bflag:$0x3] =	sbarrier.arrive $0xFFFF  }
0x4d: {  	_ =	shalt  }

</sc_bundles>
